<compile_context>
chip_gen: v7x
topology: tpu7x:2x2x1
jax: 0.10.2.dev20260603
libtpu: 0.0.44.dev20260713+nightly
codegen_flags: <defaults>
</compile_context>

<pallas_src>
import functools

import jax
import jax.numpy as jnp
from jax import lax
from jax.experimental import pallas as pl
from jax.experimental.pallas import tpu as pltpu
from jax.experimental.pallas import tpu_sc as plsc

_NW = 32
_RCH = 64
_S_SC = 768
_CHS = 128
_E2C = 64


def _sc_body(td_ref, mask_ref, ll_ref, out_ref,
             buf0, buf1, tdb, mkb, wb, accv, sems, *, b_dim, nk, inv_n):
    sh = _S_SC // (_NW // b_dim)
    nchunk = sh // _RCH

    wid = lax.axis_index("s") * 2 + lax.axis_index("c")
    b = wid // (_NW // b_dim)
    s0 = (wid % (_NW // b_dim)) * sh

    bufs = (buf0, buf1)

    def cpy(c, slot):
        return pltpu.make_async_copy(
            ll_ref.at[b, pl.ds(s0 + c * _RCH, _RCH)], bufs[slot], sems.at[slot])

    pltpu.sync_copy(td_ref.at[b, pl.ds(s0, sh)], tdb)
    pltpu.sync_copy(mask_ref.at[b, pl.ds(s0, sh)], mkb)
    cpy(0, 0).start()
    for m in range(sh // 16):
        sl = pl.ds(m * 16, 16)
        wb[sl] = tdb[sl] * mkb[sl] * inv_n

    nacc = 4
    total = jnp.zeros((16,), jnp.float32)
    for c in range(nchunk):
        slot = c & 1
        cpy(c, slot).wait()
        if c + 1 < nchunk:
            cpy(c + 1, 1 - slot).start()
        buf = bufs[slot]

        def rbody(r, tot, c=c, buf=buf):
            wsplat = plsc.load_gather(
                wb, [jnp.full((16,), c * _RCH + r, jnp.int32)])
            accs = [jnp.zeros((16,), jnp.float32) for _ in range(nacc)]
            for j in range(nk // 16):
                accs[j % nacc] = accs[j % nacc] + buf[r, pl.ds(j * 16, 16)]
            rowsum = (accs[0] + accs[1]) + (accs[2] + accs[3])
            return tot + rowsum * wsplat

        total = lax.fori_loop(0, _RCH, rbody, total)

    accv[...] = total
    pltpu.sync_copy(accv, out_ref.at[wid])


def _tc_ll_body(td_ref, mask_ref, ll_ref, ne_ref, acc_ne, *, inv_n):
    i = pl.program_id(0)
    nsteps = pl.num_programs(0)

    @pl.when(i == 0)
    def _init():
        acc_ne[...] = jnp.zeros_like(acc_ne)

    w = td_ref[...] * mask_ref[...] * inv_n
    acc_ne[...] += lax.dot_general(
        w, ll_ref[...],
        dimension_numbers=(((1,), (1,)), ((0,), (0,))),
        preferred_element_type=jnp.float32,
    )

    @pl.when(i == nsteps - 1)
    def _fini():
        ne_ref[0, 0] = jnp.sum(acc_ne[...])


def _tc_ev_body(mask_ref, lae_ref, ltm_ref, e2_ref, ev_ref, cnt_ref, acc_ev, *, k):
    i = pl.program_id(0)
    nsteps = pl.num_programs(0)

    @pl.when(i == 0)
    def _init():
        acc_ev[...] = jnp.zeros_like(acc_ev)
        cnt_ref[0, 0] = jnp.float32(0.0)

    mch = mask_ref[...]
    x = lae_ref[...] * ltm_ref[...]
    half = _CHS * k // 2
    for h in range(2):
        ev_l = jnp.dot(x[:, h * half:(h + 1) * half], e2_ref[...],
                       preferred_element_type=jnp.float32)
        mh = mch[:, h * _E2C:(h + 1) * _E2C]
        acc_ev[:, h * _E2C:(h + 1) * _E2C] += jnp.log(jnp.where(mh > 0, ev_l, 1.0))
    cnt_ref[0, 0] += jnp.sum(mch)

    @pl.when(i == nsteps - 1)
    def _fini():
        ev_ref[0, 0] = jnp.sum(acc_ev[...])


def kernel(time_delta_seq, lambda_at_event, lambdas_loss_samples, seq_mask, lambda_type_mask):
    B, S, N, K = lambdas_loss_samples.shape
    NK = N * K
    ll = lambdas_loss_samples.reshape(B, S, NK)
    laef = lambda_at_event.reshape(B, S * K)
    ltmf = lambda_type_mask.reshape(B, S * K)
    maskf = seq_mask.astype(jnp.float32)

    mesh = plsc.VectorSubcoreMesh(core_axis_name="c", subcore_axis_name="s")
    sc_fn = functools.partial(_sc_body, b_dim=B, nk=NK, inv_n=1.0 / N)
    sh = _S_SC // (_NW // B)
    ne_parts = pl.kernel(
        sc_fn,
        out_type=jax.ShapeDtypeStruct((_NW, 16), jnp.float32),
        mesh=mesh,
        compiler_params=pltpu.CompilerParams(needs_layout_passes=False),
        scratch_types=[
            pltpu.VMEM((_RCH, NK), jnp.float32),
            pltpu.VMEM((_RCH, NK), jnp.float32),
            pltpu.VMEM((sh,), jnp.float32),
            pltpu.VMEM((sh,), jnp.float32),
            pltpu.VMEM((sh,), jnp.float32),
            pltpu.VMEM((16,), jnp.float32),
            pltpu.SemaphoreType.DMA((2,)),
        ],
    )(time_delta_seq, maskf, ll)

    off = _S_SC // _CHS
    ne_tc, = pl.pallas_call(
        functools.partial(_tc_ll_body, inv_n=1.0 / N),
        grid=((S - _S_SC) // _CHS,),
        in_specs=[
            pl.BlockSpec((B, _CHS), lambda i: (0, off + i)),
            pl.BlockSpec((B, _CHS), lambda i: (0, off + i)),
            pl.BlockSpec((B, _CHS, NK), lambda i: (0, off + i, 0)),
        ],
        out_specs=[pl.BlockSpec(memory_space=pltpu.SMEM)],
        out_shape=[jax.ShapeDtypeStruct((1, 1), jnp.float32)],
        scratch_shapes=[pltpu.VMEM((B, NK), jnp.float32)],
    )(time_delta_seq, maskf, ll)

    e2 = jnp.kron(jnp.eye(_E2C, dtype=jnp.float32), jnp.ones((K, 1), jnp.float32))
    ev, cnt = pl.pallas_call(
        functools.partial(_tc_ev_body, k=K),
        grid=(S // _CHS,),
        in_specs=[
            pl.BlockSpec((B, _CHS), lambda i: (0, i)),
            pl.BlockSpec((B, _CHS * K), lambda i: (0, i)),
            pl.BlockSpec((B, _CHS * K), lambda i: (0, i)),
            pl.BlockSpec((_E2C * K, _E2C), lambda i: (0, 0)),
        ],
        out_specs=[
            pl.BlockSpec(memory_space=pltpu.SMEM),
            pl.BlockSpec(memory_space=pltpu.SMEM),
        ],
        out_shape=[
            jax.ShapeDtypeStruct((1, 1), jnp.float32),
            jax.ShapeDtypeStruct((1, 1), jnp.float32),
        ],
        scratch_shapes=[pltpu.VMEM((B, _CHS), jnp.float32)],
    )(maskf, laef, ltmf, e2)

    return (ev[0, 0], ne_tc[0, 0] + jnp.sum(ne_parts), cnt[0, 0].astype(jnp.int32))

# --- scband reference (transcript-rebuilt; emitter-appended) ---
"""Pipeline reference for scband-tf-base-model-42107859370770 (READ-ONLY COPY).

The authoritative reference and input builder live on the scoring server;
editing this copy changes nothing except your own understanding.
"""

import jax, jax.numpy as jnp
import numpy as np


def setup_inputs(seed: int = 0) -> dict:
    key = jax.random.key(seed)
    k1, k2, k3, k4 = jax.random.split(key, 4)
    B, S, N, K = 16, 2048, 20, 32
    time_delta_seq = jax.random.uniform(k1, (B, S), dtype=jnp.float32)
    # intensities must be strictly positive (they go through log)
    lambda_at_event = jax.random.uniform(k2, (B, S, K), dtype=jnp.float32, minval=0.05, maxval=1.0)
    lambdas_loss_samples = jax.random.uniform(k3, (B, S, N, K), dtype=jnp.float32, minval=0.0, maxval=1.0)
    seq_mask = jnp.ones((B, S), dtype=bool)
    lambda_type_mask = jax.random.uniform(k4, (B, S, K), dtype=jnp.float32, minval=0.05, maxval=1.0)
    return {
        'time_delta_seq': time_delta_seq,
        'lambda_at_event': lambda_at_event,
        'lambdas_loss_samples': lambdas_loss_samples,
        'seq_mask': seq_mask,
        'lambda_type_mask': lambda_type_mask,
    }


def reference(time_delta_seq, lambda_at_event, lambdas_loss_samples, seq_mask, lambda_type_mask):
    # Faithful port of TfBaseModel.compute_loglikelihood (NHP Eq. 8).
    # event_lambdas = sum_k lambda_at_event * type_mask -> [B, S]
    event_lambdas = jnp.sum(lambda_at_event * lambda_type_mask, axis=-1)
    # tf.boolean_mask(event_lambdas, seq_mask) then sum(log(.)):
    # equivalent jit-safe form: log only where mask is True (log(1)=0 elsewhere).
    event_ll = jnp.sum(jnp.log(jnp.where(seq_mask, event_lambdas, 1.0)))
    # non-event (integral) term via Monte-Carlo mean over sampled dtimes
    lambdas_total_samples = jnp.sum(lambdas_loss_samples, axis=-1)  # [B, S, N]
    non_event_ll = jnp.mean(lambdas_total_samples, axis=-1) * time_delta_seq * seq_mask.astype(jnp.float32)
    non_event_ll = jnp.sum(non_event_ll)
    num_events = jnp.sum(seq_mask.astype(jnp.int32))
    return (event_ll, non_event_ll, num_events)

if __name__ == "__main__":
    import jax
    _d = setup_inputs()
    print(jax.jit(kernel)(*tuple(_d.values())))

</pallas_src>

<mosaic_0001>
#map = affine_map<(d0, d1) -> (0, 0)>
#map1 = affine_map<(d0, d1) -> (0, 0, 0)>
module attributes {stable_mosaic.version = 14 : i64} {
  func.func @_sc_body(%arg0: i32, %arg1: i32, %arg2: memref<16x2048xf32, #tpu.memory_space<hbm>>, %arg3: memref<16x2048xf32, #tpu.memory_space<hbm>>, %arg4: memref<16x2048x640xf32, #tpu.memory_space<hbm>>, %arg5: memref<32x16xf32, #tpu.memory_space<hbm>>, %arg6: memref<64x640xf32, #tpu.memory_space<vmem>>, %arg7: memref<64x640xf32, #tpu.memory_space<vmem>>, %arg8: memref<384xf32, #tpu.memory_space<vmem>>, %arg9: memref<384xf32, #tpu.memory_space<vmem>>, %arg10: memref<384xf32, #tpu.memory_space<vmem>>, %arg11: memref<16xf32, #tpu.memory_space<vmem>>, %arg12: memref<2x!tpu.dma_semaphore, #tpu.memory_space<semaphore_mem>>) attributes {dimension_semantics = [#tpu.dimension_semantics<core_parallel>, #tpu.dimension_semantics<subcore_parallel>], iteration_bounds = array<i64: 2, 16>, scalar_prefetch = 0 : i64, scratch_operands = 7 : i64, tpu.core_type = #tpu.core_type<sc_vector_subcore>, window_params = [{transform_indices = #map}, {transform_indices = #map}, {transform_indices = #map1}, {transform_indices = #map}]} {
    %mul3A = arith.constant 2 : i32
    %mul3A_0 = arith.muli %arg1, %mul3A : i32
    %add3A = arith.addi %mul3A_0, %arg0 : i32
    %jit3A = arith.constant 2 : i32
    %div3A = arith.divsi %add3A, %jit3A : i32
    %sign3A = arith.constant 0 : i32
    %sign3A_1 = arith.cmpi sgt, %add3A, %sign3A : i32
    %sign3A_2 = arith.extui %sign3A_1 : i1 to i32
    %sign3A_3 = arith.constant 0 : i32
    %sign3A_4 = arith.cmpi slt, %add3A, %sign3A_3 : i32
    %sign3A_5 = arith.extui %sign3A_4 : i1 to i32
    %sign3A_6 = arith.subi %sign3A_2, %sign3A_5 : i32
    %sign3A_7 = arith.constant 0 : i32
    %sign3A_8 = arith.cmpi sgt, %jit3A, %sign3A_7 : i32
    %sign3A_9 = arith.extui %sign3A_8 : i1 to i32
    %sign3A_10 = arith.constant 0 : i32
    %sign3A_11 = arith.cmpi slt, %jit3A, %sign3A_10 : i32
    %sign3A_12 = arith.extui %sign3A_11 : i1 to i32
    %sign3A_13 = arith.subi %sign3A_9, %sign3A_12 : i32
    %ne3A = arith.cmpi ne, %sign3A_6, %sign3A_13 : i32
    %rem3A = arith.remsi %add3A, %jit3A : i32
    %ne3A_14 = arith.constant 0 : i32
    %ne3A_15 = arith.cmpi ne, %rem3A, %ne3A_14 : i32
    %and3A = arith.andi %ne3A, %ne3A_15 : i1
    %sub3A = arith.constant 1 : i32
    %sub3A_16 = arith.subi %div3A, %sub3A : i32
    %select_n3A = arith.select %and3A, %sub3A_16, %div3A : i32
    %jit3A_17 = arith.constant 2 : i32
    %eq3A = arith.constant 0 : i32
    %eq3A_18 = arith.cmpi eq, %jit3A_17, %eq3A : i32
    %jit3A_19 = arith.constant 1 : i32
    %select_n3A_20 = arith.select %eq3A_18, %jit3A_19, %jit3A_17 : i32
    %rem3A_21 = arith.remsi %add3A, %select_n3A_20 : i32
    %ne3A_22 = arith.constant 0 : i32
    %ne3A_23 = arith.cmpi ne, %rem3A_21, %ne3A_22 : i32
    %lt3A = arith.constant 0 : i32
    %lt3A_24 = arith.cmpi slt, %rem3A_21, %lt3A : i32
    %lt3A_25 = arith.constant 0 : i32
    %lt3A_26 = arith.cmpi slt, %select_n3A_20, %lt3A_25 : i32
    %ne3A_27 = arith.xori %lt3A_24, %lt3A_26 : i1
    %and3A_28 = arith.andi %ne3A_27, %ne3A_23 : i1
    %add3A_29 = arith.addi %rem3A_21, %select_n3A_20 : i32
    %select_n3A_30 = arith.select %and3A_28, %add3A_29, %rem3A_21 : i32
    %mul3A_31 = arith.constant 384 : i32
    %mul3A_32 = arith.muli %select_n3A_30, %mul3A_31 : i32
    "tpu.region"() ({
      %run_scoped3A = tpu.sem_alloc : memref<!tpu.dma_semaphore, #tpu.memory_space<semaphore_mem>>
      %dma_start3A_439 = tpu.memref_slice %arg2[%select_n3A, %mul3A_32] : memref<16x2048xf32, #tpu.memory_space<hbm>> -> memref<1x384xf32, #tpu.memory_space<hbm>>
      %dma_start3A_440 = tpu.memref_squeeze %dma_start3A_439 : memref<1x384xf32, #tpu.memory_space<hbm>> -> memref<384xf32, #tpu.memory_space<hbm>>
      %dma_start3A_441 = tpu.memref_slice %arg2[%select_n3A, %mul3A_32] : memref<16x2048xf32, #tpu.memory_space<hbm>> -> memref<1x384xf32, #tpu.memory_space<hbm>>
      %dma_start3A_442 = tpu.memref_squeeze %dma_start3A_441 : memref<1x384xf32, #tpu.memory_space<hbm>> -> memref<384xf32, #tpu.memory_space<hbm>>
      tpu.enqueue_dma source(%dma_start3A_442 : memref<384xf32, #tpu.memory_space<hbm>>) target(%arg8 : memref<384xf32, #tpu.memory_space<vmem>>) target_semaphore(%run_scoped3A : memref<!tpu.dma_semaphore, #tpu.memory_space<semaphore_mem>>)
      %dma_wait3A_443 = tpu.memref_slice %arg2[%select_n3A, %mul3A_32] : memref<16x2048xf32, #tpu.memory_space<hbm>> -> memref<1x384xf32, #tpu.memory_space<hbm>>
      %dma_wait3A_444 = tpu.memref_squeeze %dma_wait3A_443 : memref<1x384xf32, #tpu.memory_space<hbm>> -> memref<384xf32, #tpu.memory_space<hbm>>
      %dma_wait3A_445 = tpu.memref_slice %arg2[%select_n3A, %mul3A_32] : memref<16x2048xf32, #tpu.memory_space<hbm>> -> memref<1x384xf32, #tpu.memory_space<hbm>>
      %dma_wait3A_446 = tpu.memref_squeeze %dma_wait3A_445 : memref<1x384xf32, #tpu.memory_space<hbm>> -> memref<384xf32, #tpu.memory_space<hbm>>
      tpu.wait_dma2 semaphore(%run_scoped3A : memref<!tpu.dma_semaphore, #tpu.memory_space<semaphore_mem>>) src(%dma_wait3A_446 : memref<384xf32, #tpu.memory_space<hbm>>) dst(%arg8 : memref<384xf32, #tpu.memory_space<vmem>>)
      tpu.yield
    }) : () -> ()
    "tpu.region"() ({
      %run_scoped3A = tpu.sem_alloc : memref<!tpu.dma_semaphore, #tpu.memory_space<semaphore_mem>>
      %dma_start3A_439 = tpu.memref_slice %arg3[%select_n3A, %mul3A_32] : memref<16x2048xf32, #tpu.memory_space<hbm>> -> memref<1x384xf32, #tpu.memory_space<hbm>>
      %dma_start3A_440 = tpu.memref_squeeze %dma_start3A_439 : memref<1x384xf32, #tpu.memory_space<hbm>> -> memref<384xf32, #tpu.memory_space<hbm>>
      %dma_start3A_441 = tpu.memref_slice %arg3[%select_n3A, %mul3A_32] : memref<16x2048xf32, #tpu.memory_space<hbm>> -> memref<1x384xf32, #tpu.memory_space<hbm>>
      %dma_start3A_442 = tpu.memref_squeeze %dma_start3A_441 : memref<1x384xf32, #tpu.memory_space<hbm>> -> memref<384xf32, #tpu.memory_space<hbm>>
      tpu.enqueue_dma source(%dma_start3A_442 : memref<384xf32, #tpu.memory_space<hbm>>) target(%arg9 : memref<384xf32, #tpu.memory_space<vmem>>) target_semaphore(%run_scoped3A : memref<!tpu.dma_semaphore, #tpu.memory_space<semaphore_mem>>)
      %dma_wait3A_443 = tpu.memref_slice %arg3[%select_n3A, %mul3A_32] : memref<16x2048xf32, #tpu.memory_space<hbm>> -> memref<1x384xf32, #tpu.memory_space<hbm>>
      %dma_wait3A_444 = tpu.memref_squeeze %dma_wait3A_443 : memref<1x384xf32, #tpu.memory_space<hbm>> -> memref<384xf32, #tpu.memory_space<hbm>>
      %dma_wait3A_445 = tpu.memref_slice %arg3[%select_n3A, %mul3A_32] : memref<16x2048xf32, #tpu.memory_space<hbm>> -> memref<1x384xf32, #tpu.memory_space<hbm>>
      %dma_wait3A_446 = tpu.memref_squeeze %dma_wait3A_445 : memref<1x384xf32, #tpu.memory_space<hbm>> -> memref<384xf32, #tpu.memory_space<hbm>>
      tpu.wait_dma2 semaphore(%run_scoped3A : memref<!tpu.dma_semaphore, #tpu.memory_space<semaphore_mem>>) src(%dma_wait3A_446 : memref<384xf32, #tpu.memory_space<hbm>>) dst(%arg9 : memref<384xf32, #tpu.memory_space<vmem>>)
      tpu.yield
    }) : () -> ()
    %add3A_33 = arith.constant 0 : i32
    %add3A_34 = arith.addi %mul3A_32, %add3A_33 : i32
    %dma_start3A = arith.constant 0 : i32
    %dma_start3A_35 = arith.constant 0 : i32
    %dma_start3A_36 = tpu.memref_slice %arg4[%select_n3A, %add3A_34, %dma_start3A_35] : memref<16x2048x640xf32, #tpu.memory_space<hbm>> -> memref<1x64x640xf32, #tpu.memory_space<hbm>>
    %dma_start3A_37 = tpu.memref_squeeze %dma_start3A_36 : memref<1x64x640xf32, #tpu.memory_space<hbm>> -> memref<64x640xf32, #tpu.memory_space<hbm>>
    %dma_start3A_38 = tpu.memref_slice %arg12[%dma_start3A] : memref<2x!tpu.dma_semaphore, #tpu.memory_space<semaphore_mem>> -> memref<1x!tpu.dma_semaphore, #tpu.memory_space<semaphore_mem>>
    %dma_start3A_39 = tpu.memref_squeeze %dma_start3A_38 : memref<1x!tpu.dma_semaphore, #tpu.memory_space<semaphore_mem>> -> memref<!tpu.dma_semaphore, #tpu.memory_space<semaphore_mem>>
    %dma_start3A_40 = arith.constant 0 : i32
    %dma_start3A_41 = tpu.memref_slice %arg4[%select_n3A, %add3A_34, %dma_start3A_40] : memref<16x2048x640xf32, #tpu.memory_space<hbm>> -> memref<1x64x640xf32, #tpu.memory_space<hbm>>
    %dma_start3A_42 = tpu.memref_squeeze %dma_start3A_41 : memref<1x64x640xf32, #tpu.memory_space<hbm>> -> memref<64x640xf32, #tpu.memory_space<hbm>>
    tpu.enqueue_dma source(%dma_start3A_42 : memref<64x640xf32, #tpu.memory_space<hbm>>) target(%arg6 : memref<64x640xf32, #tpu.memory_space<vmem>>) target_semaphore(%dma_start3A_39 : memref<!tpu.dma_semaphore, #tpu.memory_space<semaphore_mem>>)
    %get3A = arith.constant 0 : index
    %get3A_43 = tpu.vector_load %arg8[%get3A] {strides = array<i32>} : memref<384xf32, #tpu.memory_space<vmem>>, vector<16xf32>,
    %get3A_44 = arith.constant 0 : index
    %get3A_45 = tpu.vector_load %arg9[%get3A_44] {strides = array<i32>} : memref<384xf32, #tpu.memory_space<vmem>>, vector<16xf32>,
    %mul3A_46 = arith.mulf %get3A_43, %get3A_45 : vector<16xf32>
    %mul3A_47 = arith.constant 5.000000e-02 : f32
    %mul3A_48 = vector.broadcast %mul3A_47 : f32 to vector<16xf32>
    %mul3A_49 = arith.mulf %mul3A_46, %mul3A_48 : vector<16xf32>
    %swap3A = arith.constant 0 : index
    %swap3A_50 = tpu.vector_load %arg10[%swap3A] {strides = array<i32>} : memref<384xf32, #tpu.memory_space<vmem>>, vector<16xf32>,
    tpu.vector_store %arg10[%swap3A], %mul3A_49 {strides = array<i32>} : memref<384xf32, #tpu.memory_space<vmem>>, vector<16xf32>,
    %get3A_51 = arith.constant 16 : index
    %get3A_52 = tpu.vector_load %arg8[%get3A_51] {strides = array<i32>} : memref<384xf32, #tpu.memory_space<vmem>>, vector<16xf32>,
    %get3A_53 = arith.constant 16 : index
    %get3A_54 = tpu.vector_load %arg9[%get3A_53] {strides = array<i32>} : memref<384xf32, #tpu.memory_space<vmem>>, vector<16xf32>,
    %mul3A_55 = arith.mulf %get3A_52, %get3A_54 : vector<16xf32>
    %mul3A_56 = arith.constant 5.000000e-02 : f32
    %mul3A_57 = vector.broadcast %mul3A_56 : f32 to vector<16xf32>
    %mul3A_58 = arith.mulf %mul3A_55, %mul3A_57 : vector<16xf32>
    %swap3A_59 = arith.constant 16 : index
    %swap3A_60 = tpu.vector_load %arg10[%swap3A_59] {strides = array<i32>} : memref<384xf32, #tpu.memory_space<vmem>>, vector<16xf32>,
    tpu.vector_store %arg10[%swap3A_59], %mul3A_58 {strides = array<i32>} : memref<384xf32, #tpu.memory_space<vmem>>, vector<16xf32>,
    %get3A_61 = arith.constant 32 : index
    %get3A_62 = tpu.vector_load %arg8[%get3A_61] {strides = array<i32>} : memref<384xf32, #tpu.memory_space<vmem>>, vector<16xf32>,
    %get3A_63 = arith.constant 32 : index
    %get3A_64 = tpu.vector_load %arg9[%get3A_63] {strides = array<i32>} : memref<384xf32, #tpu.memory_space<vmem>>, vector<16xf32>,
    %mul3A_65 = arith.mulf %get3A_62, %get3A_64 : vector<16xf32>
    %mul3A_66 = arith.constant 5.000000e-02 : f32
    %mul3A_67 = vector.broadcast %mul3A_66 : f32 to vector<16xf32>
    %mul3A_68 = arith.mulf %mul3A_65, %mul3A_67 : vector<16xf32>
    %swap3A_69 = arith.constant 32 : index
    %swap3A_70 = tpu.vector_load %arg10[%swap3A_69] {strides = array<i32>} : memref<384xf32, #tpu.memory_space<vmem>>, vector<16xf32>,
    tpu.vector_store %arg10[%swap3A_69], %mul3A_68 {strides = array<i32>} : memref<384xf32, #tpu.memory_space<vmem>>, vector<16xf32>,
    %get3A_71 = arith.constant 48 : index
    %get3A_72 = tpu.vector_load %arg8[%get3A_71] {strides = array<i32>} : memref<384xf32, #tpu.memory_space<vmem>>, vector<16xf32>,
    %get3A_73 = arith.constant 48 : index
    %get3A_74 = tpu.vector_load %arg9[%get3A_73] {strides = array<i32>} : memref<384xf32, #tpu.memory_space<vmem>>, vector<16xf32>,
    %mul3A_75 = arith.mulf %get3A_72, %get3A_74 : vector<16xf32>
    %mul3A_76 = arith.constant 5.000000e-02 : f32
    %mul3A_77 = vector.broadcast %mul3A_76 : f32 to vector<16xf32>
    %mul3A_78 = arith.mulf %mul3A_75, %mul3A_77 : vector<16xf32>
    %swap3A_79 = arith.constant 48 : index
    %swap3A_80 = tpu.vector_load %arg10[%swap3A_79] {strides = array<i32>} : memref<384xf32, #tpu.memory_space<vmem>>, vector<16xf32>,
    tpu.vector_store %arg10[%swap3A_79], %mul3A_78 {strides = array<i32>} : memref<384xf32, #tpu.memory_space<vmem>>, vector<16xf32>,
    %get3A_81 = arith.constant 64 : index
    %get3A_82 = tpu.vector_load %arg8[%get3A_81] {strides = array<i32>} : memref<384xf32, #tpu.memory_space<vmem>>, vector<16xf32>,
    %get3A_83 = arith.constant 64 : index
    %get3A_84 = tpu.vector_load %arg9[%get3A_83] {strides = array<i32>} : memref<384xf32, #tpu.memory_space<vmem>>, vector<16xf32>,
    %mul3A_85 = arith.mulf %get3A_82, %get3A_84 : vector<16xf32>
    %mul3A_86 = arith.constant 5.000000e-02 : f32
    %mul3A_87 = vector.broadcast %mul3A_86 : f32 to vector<16xf32>
    %mul3A_88 = arith.mulf %mul3A_85, %mul3A_87 : vector<16xf32>
    %swap3A_89 = arith.constant 64 : index
    %swap3A_90 = tpu.vector_load %arg10[%swap3A_89] {strides = array<i32>} : memref<384xf32, #tpu.memory_space<vmem>>, vector<16xf32>,
    tpu.vector_store %arg10[%swap3A_89], %mul3A_88 {strides = array<i32>} : memref<384xf32, #tpu.memory_space<vmem>>, vector<16xf32>,
    %get3A_91 = arith.constant 80 : index
    %get3A_92 = tpu.vector_load %arg8[%get3A_91] {strides = array<i32>} : memref<384xf32, #tpu.memory_space<vmem>>, vector<16xf32>,
    %get3A_93 = arith.constant 80 : index
    %get3A_94 = tpu.vector_load %arg9[%get3A_93] {strides = array<i32>} : memref<384xf32, #tpu.memory_space<vmem>>, vector<16xf32>,
    %mul3A_95 = arith.mulf %get3A_92, %get3A_94 : vector<16xf32>
    %mul3A_96 = arith.constant 5.000000e-02 : f32
    %mul3A_97 = vector.broadcast %mul3A_96 : f32 to vector<16xf32>
    %mul3A_98 = arith.mulf %mul3A_95, %mul3A_97 : vector<16xf32>
    %swap3A_99 = arith.constant 80 : index
    %swap3A_100 = tpu.vector_load %arg10[%swap3A_99] {strides = array<i32>} : memref<384xf32, #tpu.memory_space<vmem>>, vector<16xf32>,
    tpu.vector_store %arg10[%swap3A_99], %mul3A_98 {strides = array<i32>} : memref<384xf32, #tpu.memory_space<vmem>>, vector<16xf32>,
    %get3A_101 = arith.constant 96 : index
    %get3A_102 = tpu.vector_load %arg8[%get3A_101] {strides = array<i32>} : memref<384xf32, #tpu.memory_space<vmem>>, vector<16xf32>,
    %get3A_103 = arith.constant 96 : index
    %get3A_104 = tpu.vector_load %arg9[%get3A_103] {strides = array<i32>} : memref<384xf32, #tpu.memory_space<vmem>>, vector<16xf32>,
    %mul3A_105 = arith.mulf %get3A_102, %get3A_104 : vector<16xf32>
    %mul3A_106 = arith.constant 5.000000e-02 : f32
    %mul3A_107 = vector.broadcast %mul3A_106 : f32 to vector<16xf32>
    %mul3A_108 = arith.mulf %mul3A_105, %mul3A_107 : vector<16xf32>
    %swap3A_109 = arith.constant 96 : index
    %swap3A_110 = tpu.vector_load %arg10[%swap3A_109] {strides = array<i32>} : memref<384xf32, #tpu.memory_space<vmem>>, vector<16xf32>,
    tpu.vector_store %arg10[%swap3A_109], %mul3A_108 {strides = array<i32>} : memref<384xf32, #tpu.memory_space<vmem>>, vector<16xf32>,
    %get3A_111 = arith.constant 112 : index
    %get3A_112 = tpu.vector_load %arg8[%get3A_111] {strides = array<i32>} : memref<384xf32, #tpu.memory_space<vmem>>, vector<16xf32>,
    %get3A_113 = arith.constant 112 : index
    %get3A_114 = tpu.vector_load %arg9[%get3A_113] {strides = array<i32>} : memref<384xf32, #tpu.memory_space<vmem>>, vector<16xf32>,
    %mul3A_115 = arith.mulf %get3A_112, %get3A_114 : vector<16xf32>
    %mul3A_116 = arith.constant 5.000000e-02 : f32
    %mul3A_117 = vector.broadcast %mul3A_116 : f32 to vector<16xf32>
    %mul3A_118 = arith.mulf %mul3A_115, %mul3A_117 : vector<16xf32>
    %swap3A_119 = arith.constant 112 : index
    %swap3A_120 = tpu.vector_load %arg10[%swap3A_119] {strides = array<i32>} : memref<384xf32, #tpu.memory_space<vmem>>, vector<16xf32>,
    tpu.vector_store %arg10[%swap3A_119], %mul3A_118 {strides = array<i32>} : memref<384xf32, #tpu.memory_space<vmem>>, vector<16xf32>,
    %get3A_121 = arith.constant 128 : index
    %get3A_122 = tpu.vector_load %arg8[%get3A_121] {strides = array<i32>} : memref<384xf32, #tpu.memory_space<vmem>>, vector<16xf32>,
    %get3A_123 = arith.constant 128 : index
    %get3A_124 = tpu.vector_load %arg9[%get3A_123] {strides = array<i32>} : memref<384xf32, #tpu.memory_space<vmem>>, vector<16xf32>,
    %mul3A_125 = arith.mulf %get3A_122, %get3A_124 : vector<16xf32>
    %mul3A_126 = arith.constant 5.000000e-02 : f32
    %mul3A_127 = vector.broadcast %mul3A_126 : f32 to vector<16xf32>
    %mul3A_128 = arith.mulf %mul3A_125, %mul3A_127 : vector<16xf32>
    %swap3A_129 = arith.constant 128 : index
    %swap3A_130 = tpu.vector_load %arg10[%swap3A_129] {strides = array<i32>} : memref<384xf32, #tpu.memory_space<vmem>>, vector<16xf32>,
    tpu.vector_store %arg10[%swap3A_129], %mul3A_128 {strides = array<i32>} : memref<384xf32, #tpu.memory_space<vmem>>, vector<16xf32>,
    %get3A_131 = arith.constant 144 : index
    %get3A_132 = tpu.vector_load %arg8[%get3A_131] {strides = array<i32>} : memref<384xf32, #tpu.memory_space<vmem>>, vector<16xf32>,
    %get3A_133 = arith.constant 144 : index
    %get3A_134 = tpu.vector_load %arg9[%get3A_133] {strides = array<i32>} : memref<384xf32, #tpu.memory_space<vmem>>, vector<16xf32>,
    %mul3A_135 = arith.mulf %get3A_132, %get3A_134 : vector<16xf32>
    %mul3A_136 = arith.constant 5.000000e-02 : f32
    %mul3A_137 = vector.broadcast %mul3A_136 : f32 to vector<16xf32>
    %mul3A_138 = arith.mulf %mul3A_135, %mul3A_137 : vector<16xf32>
    %swap3A_139 = arith.constant 144 : index
    %swap3A_140 = tpu.vector_load %arg10[%swap3A_139] {strides = array<i32>} : memref<384xf32, #tpu.memory_space<vmem>>, vector<16xf32>,
    tpu.vector_store %arg10[%swap3A_139], %mul3A_138 {strides = array<i32>} : memref<384xf32, #tpu.memory_space<vmem>>, vector<16xf32>,
    %get3A_141 = arith.constant 160 : index
    %get3A_142 = tpu.vector_load %arg8[%get3A_141] {strides = array<i32>} : memref<384xf32, #tpu.memory_space<vmem>>, vector<16xf32>,
    %get3A_143 = arith.constant 160 : index
    %get3A_144 = tpu.vector_load %arg9[%get3A_143] {strides = array<i32>} : memref<384xf32, #tpu.memory_space<vmem>>, vector<16xf32>,
    %mul3A_145 = arith.mulf %get3A_142, %get3A_144 : vector<16xf32>
    %mul3A_146 = arith.constant 5.000000e-02 : f32
    %mul3A_147 = vector.broadcast %mul3A_146 : f32 to vector<16xf32>
    %mul3A_148 = arith.mulf %mul3A_145, %mul3A_147 : vector<16xf32>
    %swap3A_149 = arith.constant 160 : index
    %swap3A_150 = tpu.vector_load %arg10[%swap3A_149] {strides = array<i32>} : memref<384xf32, #tpu.memory_space<vmem>>, vector<16xf32>,
    tpu.vector_store %arg10[%swap3A_149], %mul3A_148 {strides = array<i32>} : memref<384xf32, #tpu.memory_space<vmem>>, vector<16xf32>,
    %get3A_151 = arith.constant 176 : index
    %get3A_152 = tpu.vector_load %arg8[%get3A_151] {strides = array<i32>} : memref<384xf32, #tpu.memory_space<vmem>>, vector<16xf32>,
    %get3A_153 = arith.constant 176 : index
    %get3A_154 = tpu.vector_load %arg9[%get3A_153] {strides = array<i32>} : memref<384xf32, #tpu.memory_space<vmem>>, vector<16xf32>,
    %mul3A_155 = arith.mulf %get3A_152, %get3A_154 : vector<16xf32>
    %mul3A_156 = arith.constant 5.000000e-02 : f32
    %mul3A_157 = vector.broadcast %mul3A_156 : f32 to vector<16xf32>
    %mul3A_158 = arith.mulf %mul3A_155, %mul3A_157 : vector<16xf32>
    %swap3A_159 = arith.constant 176 : index
    %swap3A_160 = tpu.vector_load %arg10[%swap3A_159] {strides = array<i32>} : memref<384xf32, #tpu.memory_space<vmem>>, vector<16xf32>,
    tpu.vector_store %arg10[%swap3A_159], %mul3A_158 {strides = array<i32>} : memref<384xf32, #tpu.memory_space<vmem>>, vector<16xf32>,
    %get3A_161 = arith.constant 192 : index
    %get3A_162 = tpu.vector_load %arg8[%get3A_161] {strides = array<i32>} : memref<384xf32, #tpu.memory_space<vmem>>, vector<16xf32>,
    %get3A_163 = arith.constant 192 : index
    %get3A_164 = tpu.vector_load %arg9[%get3A_163] {strides = array<i32>} : memref<384xf32, #tpu.memory_space<vmem>>, vector<16xf32>,
    %mul3A_165 = arith.mulf %get3A_162, %get3A_164 : vector<16xf32>
    %mul3A_166 = arith.constant 5.000000e-02 : f32
    %mul3A_167 = vector.broadcast %mul3A_166 : f32 to vector<16xf32>
    %mul3A_168 = arith.mulf %mul3A_165, %mul3A_167 : vector<16xf32>
    %swap3A_169 = arith.constant 192 : index
    %swap3A_170 = tpu.vector_load %arg10[%swap3A_169] {strides = array<i32>} : memref<384xf32, #tpu.memory_space<vmem>>, vector<16xf32>,
    tpu.vector_store %arg10[%swap3A_169], %mul3A_168 {strides = array<i32>} : memref<384xf32, #tpu.memory_space<vmem>>, vector<16xf32>,
    %get3A_171 = arith.constant 208 : index
    %get3A_172 = tpu.vector_load %arg8[%get3A_171] {strides = array<i32>} : memref<384xf32, #tpu.memory_space<vmem>>, vector<16xf32>,
    %get3A_173 = arith.constant 208 : index
    %get3A_174 = tpu.vector_load %arg9[%get3A_173] {strides = array<i32>} : memref<384xf32, #tpu.memory_space<vmem>>, vector<16xf32>,
    %mul3A_175 = arith.mulf %get3A_172, %get3A_174 : vector<16xf32>
    %mul3A_176 = arith.constant 5.000000e-02 : f32
    %mul3A_177 = vector.broadcast %mul3A_176 : f32 to vector<16xf32>
    %mul3A_178 = arith.mulf %mul3A_175, %mul3A_177 : vector<16xf32>
    %swap3A_179 = arith.constant 208 : index
    %swap3A_180 = tpu.vector_load %arg10[%swap3A_179] {strides = array<i32>} : memref<384xf32, #tpu.memory_space<vmem>>, vector<16xf32>,
    tpu.vector_store %arg10[%swap3A_179], %mul3A_178 {strides = array<i32>} : memref<384xf32, #tpu.memory_space<vmem>>, vector<16xf32>,
    %get3A_181 = arith.constant 224 : index
    %get3A_182 = tpu.vector_load %arg8[%get3A_181] {strides = array<i32>} : memref<384xf32, #tpu.memory_space<vmem>>, vector<16xf32>,
    %get3A_183 = arith.constant 224 : index
    %get3A_184 = tpu.vector_load %arg9[%get3A_183] {strides = array<i32>} : memref<384xf32, #tpu.memory_space<vmem>>, vector<16xf32>,
    %mul3A_185 = arith.mulf %get3A_182, %get3A_184 : vector<16xf32>
    %mul3A_186 = arith.constant 5.000000e-02 : f32
    %mul3A_187 = vector.broadcast %mul3A_186 : f32 to vector<16xf32>
    %mul3A_188 = arith.mulf %mul3A_185, %mul3A_187 : vector<16xf32>
    %swap3A_189 = arith.constant 224 : index
    %swap3A_190 = tpu.vector_load %arg10[%swap3A_189] {strides = array<i32>} : memref<384xf32, #tpu.memory_space<vmem>>, vector<16xf32>,
    tpu.vector_store %arg10[%swap3A_189], %mul3A_188 {strides = array<i32>} : memref<384xf32, #tpu.memory_space<vmem>>, vector<16xf32>,
    %get3A_191 = arith.constant 240 : index
    %get3A_192 = tpu.vector_load %arg8[%get3A_191] {strides = array<i32>} : memref<384xf32, #tpu.memory_space<vmem>>, vector<16xf32>,
    %get3A_193 = arith.constant 240 : index
    %get3A_194 = tpu.vector_load %arg9[%get3A_193] {strides = array<i32>} : memref<384xf32, #tpu.memory_space<vmem>>, vector<16xf32>,
    %mul3A_195 = arith.mulf %get3A_192, %get3A_194 : vector<16xf32>
    %mul3A_196 = arith.constant 5.000000e-02 : f32
    %mul3A_197 = vector.broadcast %mul3A_196 : f32 to vector<16xf32>
    %mul3A_198 = arith.mulf %mul3A_195, %mul3A_197 : vector<16xf32>
    %swap3A_199 = arith.constant 240 : index
    %swap3A_200 = tpu.vector_load %arg10[%swap3A_199] {strides = array<i32>} : memref<384xf32, #tpu.memory_space<vmem>>, vector<16xf32>,
    tpu.vector_store %arg10[%swap3A_199], %mul3A_198 {strides = array<i32>} : memref<384xf32, #tpu.memory_space<vmem>>, vector<16xf32>,
    %get3A_201 = arith.constant 256 : index
    %get3A_202 = tpu.vector_load %arg8[%get3A_201] {strides = array<i32>} : memref<384xf32, #tpu.memory_space<vmem>>, vector<16xf32>,
    %get3A_203 = arith.constant 256 : index
    %get3A_204 = tpu.vector_load %arg9[%get3A_203] {strides = array<i32>} : memref<384xf32, #tpu.memory_space<vmem>>, vector<16xf32>,
    %mul3A_205 = arith.mulf %get3A_202, %get3A_204 : vector<16xf32>
    %mul3A_206 = arith.constant 5.000000e-02 : f32
    %mul3A_207 = vector.broadcast %mul3A_206 : f32 to vector<16xf32>
    %mul3A_208 = arith.mulf %mul3A_205, %mul3A_207 : vector<16xf32>
    %swap3A_209 = arith.constant 256 : index
    %swap3A_210 = tpu.vector_load %arg10[%swap3A_209] {strides = array<i32>} : memref<384xf32, #tpu.memory_space<vmem>>, vector<16xf32>,
    tpu.vector_store %arg10[%swap3A_209], %mul3A_208 {strides = array<i32>} : memref<384xf32, #tpu.memory_space<vmem>>, vector<16xf32>,
    %get3A_211 = arith.constant 272 : index
    %get3A_212 = tpu.vector_load %arg8[%get3A_211] {strides = array<i32>} : memref<384xf32, #tpu.memory_space<vmem>>, vector<16xf32>,
    %get3A_213 = arith.constant 272 : index
    %get3A_214 = tpu.vector_load %arg9[%get3A_213] {strides = array<i32>} : memref<384xf32, #tpu.memory_space<vmem>>, vector<16xf32>,
    %mul3A_215 = arith.mulf %get3A_212, %get3A_214 : vector<16xf32>
    %mul3A_216 = arith.constant 5.000000e-02 : f32
    %mul3A_217 = vector.broadcast %mul3A_216 : f32 to vector<16xf32>
    %mul3A_218 = arith.mulf %mul3A_215, %mul3A_217 : vector<16xf32>
    %swap3A_219 = arith.constant 272 : index
    %swap3A_220 = tpu.vector_load %arg10[%swap3A_219] {strides = array<i32>} : memref<384xf32, #tpu.memory_space<vmem>>, vector<16xf32>,
    tpu.vector_store %arg10[%swap3A_219], %mul3A_218 {strides = array<i32>} : memref<384xf32, #tpu.memory_space<vmem>>, vector<16xf32>,
    %get3A_221 = arith.constant 288 : index
    %get3A_222 = tpu.vector_load %arg8[%get3A_221] {strides = array<i32>} : memref<384xf32, #tpu.memory_space<vmem>>, vector<16xf32>,
    %get3A_223 = arith.constant 288 : index
    %get3A_224 = tpu.vector_load %arg9[%get3A_223] {strides = array<i32>} : memref<384xf32, #tpu.memory_space<vmem>>, vector<16xf32>,
    %mul3A_225 = arith.mulf %get3A_222, %get3A_224 : vector<16xf32>
    %mul3A_226 = arith.constant 5.000000e-02 : f32
    %mul3A_227 = vector.broadcast %mul3A_226 : f32 to vector<16xf32>
    %mul3A_228 = arith.mulf %mul3A_225, %mul3A_227 : vector<16xf32>
    %swap3A_229 = arith.constant 288 : index
    %swap3A_230 = tpu.vector_load %arg10[%swap3A_229] {strides = array<i32>} : memref<384xf32, #tpu.memory_space<vmem>>, vector<16xf32>,
    tpu.vector_store %arg10[%swap3A_229], %mul3A_228 {strides = array<i32>} : memref<384xf32, #tpu.memory_space<vmem>>, vector<16xf32>,
    %get3A_231 = arith.constant 304 : index
    %get3A_232 = tpu.vector_load %arg8[%get3A_231] {strides = array<i32>} : memref<384xf32, #tpu.memory_space<vmem>>, vector<16xf32>,
    %get3A_233 = arith.constant 304 : index
    %get3A_234 = tpu.vector_load %arg9[%get3A_233] {strides = array<i32>} : memref<384xf32, #tpu.memory_space<vmem>>, vector<16xf32>,
    %mul3A_235 = arith.mulf %get3A_232, %get3A_234 : vector<16xf32>
    %mul3A_236 = arith.constant 5.000000e-02 : f32
    %mul3A_237 = vector.broadcast %mul3A_236 : f32 to vector<16xf32>
    %mul3A_238 = arith.mulf %mul3A_235, %mul3A_237 : vector<16xf32>
    %swap3A_239 = arith.constant 304 : index
    %swap3A_240 = tpu.vector_load %arg10[%swap3A_239] {strides = array<i32>} : memref<384xf32, #tpu.memory_space<vmem>>, vector<16xf32>,
    tpu.vector_store %arg10[%swap3A_239], %mul3A_238 {strides = array<i32>} : memref<384xf32, #tpu.memory_space<vmem>>, vector<16xf32>,
    %get3A_241 = arith.constant 320 : index
    %get3A_242 = tpu.vector_load %arg8[%get3A_241] {strides = array<i32>} : memref<384xf32, #tpu.memory_space<vmem>>, vector<16xf32>,
    %get3A_243 = arith.constant 320 : index
    %get3A_244 = tpu.vector_load %arg9[%get3A_243] {strides = array<i32>} : memref<384xf32, #tpu.memory_space<vmem>>, vector<16xf32>,
    %mul3A_245 = arith.mulf %get3A_242, %get3A_244 : vector<16xf32>
    %mul3A_246 = arith.constant 5.000000e-02 : f32
    %mul3A_247 = vector.broadcast %mul3A_246 : f32 to vector<16xf32>
    %mul3A_248 = arith.mulf %mul3A_245, %mul3A_247 : vector<16xf32>
    %swap3A_249 = arith.constant 320 : index
    %swap3A_250 = tpu.vector_load %arg10[%swap3A_249] {strides = array<i32>} : memref<384xf32, #tpu.memory_space<vmem>>, vector<16xf32>,
    tpu.vector_store %arg10[%swap3A_249], %mul3A_248 {strides = array<i32>} : memref<384xf32, #tpu.memory_space<vmem>>, vector<16xf32>,
    %get3A_251 = arith.constant 336 : index
    %get3A_252 = tpu.vector_load %arg8[%get3A_251] {strides = array<i32>} : memref<384xf32, #tpu.memory_space<vmem>>, vector<16xf32>,
    %get3A_253 = arith.constant 336 : index
    %get3A_254 = tpu.vector_load %arg9[%get3A_253] {strides = array<i32>} : memref<384xf32, #tpu.memory_space<vmem>>, vector<16xf32>,
    %mul3A_255 = arith.mulf %get3A_252, %get3A_254 : vector<16xf32>
    %mul3A_256 = arith.constant 5.000000e-02 : f32
    %mul3A_257 = vector.broadcast %mul3A_256 : f32 to vector<16xf32>
    %mul3A_258 = arith.mulf %mul3A_255, %mul3A_257 : vector<16xf32>
    %swap3A_259 = arith.constant 336 : index
    %swap3A_260 = tpu.vector_load %arg10[%swap3A_259] {strides = array<i32>} : memref<384xf32, #tpu.memory_space<vmem>>, vector<16xf32>,
    tpu.vector_store %arg10[%swap3A_259], %mul3A_258 {strides = array<i32>} : memref<384xf32, #tpu.memory_space<vmem>>, vector<16xf32>,
    %get3A_261 = arith.constant 352 : index
    %get3A_262 = tpu.vector_load %arg8[%get3A_261] {strides = array<i32>} : memref<384xf32, #tpu.memory_space<vmem>>, vector<16xf32>,
    %get3A_263 = arith.constant 352 : index
    %get3A_264 = tpu.vector_load %arg9[%get3A_263] {strides = array<i32>} : memref<384xf32, #tpu.memory_space<vmem>>, vector<16xf32>,
    %mul3A_265 = arith.mulf %get3A_262, %get3A_264 : vector<16xf32>
    %mul3A_266 = arith.constant 5.000000e-02 : f32
    %mul3A_267 = vector.broadcast %mul3A_266 : f32 to vector<16xf32>
    %mul3A_268 = arith.mulf %mul3A_265, %mul3A_267 : vector<16xf32>
    %swap3A_269 = arith.constant 352 : index
    %swap3A_270 = tpu.vector_load %arg10[%swap3A_269] {strides = array<i32>} : memref<384xf32, #tpu.memory_space<vmem>>, vector<16xf32>,
    tpu.vector_store %arg10[%swap3A_269], %mul3A_268 {strides = array<i32>} : memref<384xf32, #tpu.memory_space<vmem>>, vector<16xf32>,
    %get3A_271 = arith.constant 368 : index
    %get3A_272 = tpu.vector_load %arg8[%get3A_271] {strides = array<i32>} : memref<384xf32, #tpu.memory_space<vmem>>, vector<16xf32>,
    %get3A_273 = arith.constant 368 : index
    %get3A_274 = tpu.vector_load %arg9[%get3A_273] {strides = array<i32>} : memref<384xf32, #tpu.memory_space<vmem>>, vector<16xf32>,
    %mul3A_275 = arith.mulf %get3A_272, %get3A_274 : vector<16xf32>
    %mul3A_276 = arith.constant 5.000000e-02 : f32
    %mul3A_277 = vector.broadcast %mul3A_276 : f32 to vector<16xf32>
    %mul3A_278 = arith.mulf %mul3A_275, %mul3A_277 : vector<16xf32>
    %swap3A_279 = arith.constant 368 : index
    %swap3A_280 = tpu.vector_load %arg10[%swap3A_279] {strides = array<i32>} : memref<384xf32, #tpu.memory_space<vmem>>, vector<16xf32>,
    tpu.vector_store %arg10[%swap3A_279], %mul3A_278 {strides = array<i32>} : memref<384xf32, #tpu.memory_space<vmem>>, vector<16xf32>,
    %broadcast_in_dim3A = arith.constant 0.000000e+00 : f32
    %broadcast_in_dim3A_281 = vector.broadcast %broadcast_in_dim3A : f32 to vector<16xf32>
    %add3A_282 = arith.constant 0 : i32
    %add3A_283 = arith.addi %mul3A_32, %add3A_282 : i32
    %dma_wait3A = arith.constant 0 : i32
    %dma_wait3A_284 = arith.constant 0 : i32
    %dma_wait3A_285 = tpu.memref_slice %arg4[%select_n3A, %add3A_283, %dma_wait3A_284] : memref<16x2048x640xf32, #tpu.memory_space<hbm>> -> memref<1x64x640xf32, #tpu.memory_space<hbm>>
    %dma_wait3A_286 = tpu.memref_squeeze %dma_wait3A_285 : memref<1x64x640xf32, #tpu.memory_space<hbm>> -> memref<64x640xf32, #tpu.memory_space<hbm>>
    %dma_wait3A_287 = tpu.memref_slice %arg12[%dma_wait3A] : memref<2x!tpu.dma_semaphore, #tpu.memory_space<semaphore_mem>> -> memref<1x!tpu.dma_semaphore, #tpu.memory_space<semaphore_mem>>
    %dma_wait3A_288 = tpu.memref_squeeze %dma_wait3A_287 : memref<1x!tpu.dma_semaphore, #tpu.memory_space<semaphore_mem>> -> memref<!tpu.dma_semaphore, #tpu.memory_space<semaphore_mem>>
    %dma_wait3A_289 = arith.constant 0 : i32
    %dma_wait3A_290 = tpu.memref_slice %arg4[%select_n3A, %add3A_283, %dma_wait3A_289] : memref<16x2048x640xf32, #tpu.memory_space<hbm>> -> memref<1x64x640xf32, #tpu.memory_space<hbm>>
    %dma_wait3A_291 = tpu.memref_squeeze %dma_wait3A_290 : memref<1x64x640xf32, #tpu.memory_space<hbm>> -> memref<64x640xf32, #tpu.memory_space<hbm>>
    tpu.wait_dma2 semaphore(%dma_wait3A_288 : memref<!tpu.dma_semaphore, #tpu.memory_space<semaphore_mem>>) src(%dma_wait3A_291 : memref<64x640xf32, #tpu.memory_space<hbm>>) dst(%arg6 : memref<64x640xf32, #tpu.memory_space<vmem>>)
    %add3A_292 = arith.constant 64 : i32
    %add3A_293 = arith.addi %mul3A_32, %add3A_292 : i32
    %dma_start3A_294 = arith.constant 1 : i32
    %dma_start3A_295 = arith.constant 0 : i32
    %dma_start3A_296 = tpu.memref_slice %arg4[%select_n3A, %add3A_293, %dma_start3A_295] : memref<16x2048x640xf32, #tpu.memory_space<hbm>> -> memref<1x64x640xf32, #tpu.memory_space<hbm>>
    %dma_start3A_297 = tpu.memref_squeeze %dma_start3A_296 : memref<1x64x640xf32, #tpu.memory_space<hbm>> -> memref<64x640xf32, #tpu.memory_space<hbm>>
    %dma_start3A_298 = tpu.memref_slice %arg12[%dma_start3A_294] : memref<2x!tpu.dma_semaphore, #tpu.memory_space<semaphore_mem>> -> memref<1x!tpu.dma_semaphore, #tpu.memory_space<semaphore_mem>>
    %dma_start3A_299 = tpu.memref_squeeze %dma_start3A_298 : memref<1x!tpu.dma_semaphore, #tpu.memory_space<semaphore_mem>> -> memref<!tpu.dma_semaphore, #tpu.memory_space<semaphore_mem>>
    %dma_start3A_300 = arith.constant 0 : i32
    %dma_start3A_301 = tpu.memref_slice %arg4[%select_n3A, %add3A_293, %dma_start3A_300] : memref<16x2048x640xf32, #tpu.memory_space<hbm>> -> memref<1x64x640xf32, #tpu.memory_space<hbm>>
    %dma_start3A_302 = tpu.memref_squeeze %dma_start3A_301 : memref<1x64x640xf32, #tpu.memory_space<hbm>> -> memref<64x640xf32, #tpu.memory_space<hbm>>
    tpu.enqueue_dma source(%dma_start3A_302 : memref<64x640xf32, #tpu.memory_space<hbm>>) target(%arg7 : memref<64x640xf32, #tpu.memory_space<vmem>>) target_semaphore(%dma_start3A_299 : memref<!tpu.dma_semaphore, #tpu.memory_space<semaphore_mem>>)
    %scan3A = arith.constant 0 : i32
    %scan3A_303 = arith.constant 64 : i32
    %scan3A_304 = arith.addi %scan3A, %scan3A_303 : i32
    %scan3A_305 = arith.constant 1 : i32
    %scan3A_306 = scf.for %scan3A_439 = %scan3A to %scan3A_304 step %scan3A_305 iter_args(%scan3A_440 = %broadcast_in_dim3A_281) -> (vector<16xf32>)  : i32 {
      %add3A_441 = arith.constant 0 : i32
      %add3A_442 = arith.addi %add3A_441, %scan3A_439 : i32
      %broadcast_in_dim3A_443 = vector.broadcast %add3A_442 : i32 to vector<16xi32>
      %gather3A = tpu.vector_load_idx %arg10[%broadcast_in_dim3A_443] : memref<384xf32, #tpu.memory_space<vmem>>[vector<16xi32>], vector<16xf32>,
      %broadcast_in_dim3A_444 = arith.constant 0.000000e+00 : f32
      %broadcast_in_dim3A_445 = vector.broadcast %broadcast_in_dim3A_444 : f32 to vector<16xf32>
      %broadcast_in_dim3A_446 = arith.constant 0.000000e+00 : f32
      %broadcast_in_dim3A_447 = vector.broadcast %broadcast_in_dim3A_446 : f32 to vector<16xf32>
      %broadcast_in_dim3A_448 = arith.constant 0.000000e+00 : f32
      %broadcast_in_dim3A_449 = vector.broadcast %broadcast_in_dim3A_448 : f32 to vector<16xf32>
      %broadcast_in_dim3A_450 = arith.constant 0.000000e+00 : f32
      %broadcast_in_dim3A_451 = vector.broadcast %broadcast_in_dim3A_450 : f32 to vector<16xf32>
      %get3A_452 = arith.index_cast %scan3A_439 : i32 to index
      %get3A_453 = arith.constant 0 : index
      %get3A_454 = tpu.vector_load %arg6[%get3A_452, %get3A_453] {strides = array<i32>} : memref<64x640xf32, #tpu.memory_space<vmem>>, vector<16xf32>,
      %add3A_455 = arith.addf %broadcast_in_dim3A_445, %get3A_454 : vector<16xf32>
      %get3A_456 = arith.index_cast %scan3A_439 : i32 to index
      %get3A_457 = arith.constant 16 : index
      %get3A_458 = tpu.vector_load %arg6[%get3A_456, %get3A_457] {strides = array<i32>} : memref<64x640xf32, #tpu.memory_space<vmem>>, vector<16xf32>,
      %add3A_459 = arith.addf %broadcast_in_dim3A_447, %get3A_458 : vector<16xf32>
      %get3A_460 = arith.index_cast %scan3A_439 : i32 to index
      %get3A_461 = arith.constant 32 : index
      %get3A_462 = tpu.vector_load %arg6[%get3A_460, %get3A_461] {strides = array<i32>} : memref<64x640xf32, #tpu.memory_space<vmem>>, vector<16xf32>,
      %add3A_463 = arith.addf %broadcast_in_dim3A_449, %get3A_462 : vector<16xf32>
      %get3A_464 = arith.index_cast %scan3A_439 : i32 to index
      %get3A_465 = arith.constant 48 : index
      %get3A_466 = tpu.vector_load %arg6[%get3A_464, %get3A_465] {strides = array<i32>} : memref<64x640xf32, #tpu.memory_space<vmem>>, vector<16xf32>,
      %add3A_467 = arith.addf %broadcast_in_dim3A_451, %get3A_466 : vector<16xf32>
      %get3A_468 = arith.index_cast %scan3A_439 : i32 to index
      %get3A_469 = arith.constant 64 : index
      %get3A_470 = tpu.vector_load %arg6[%get3A_468, %get3A_469] {strides = array<i32>} : memref<64x640xf32, #tpu.memory_space<vmem>>, vector<16xf32>,
      %add3A_471 = arith.addf %add3A_455, %get3A_470 : vector<16xf32>
      %get3A_472 = arith.index_cast %scan3A_439 : i32 to index
      %get3A_473 = arith.constant 80 : index
      %get3A_474 = tpu.vector_load %arg6[%get3A_472, %get3A_473] {strides = array<i32>} : memref<64x640xf32, #tpu.memory_space<vmem>>, vector<16xf32>,
      %add3A_475 = arith.addf %add3A_459, %get3A_474 : vector<16xf32>
      %get3A_476 = arith.index_cast %scan3A_439 : i32 to index
      %get3A_477 = arith.constant 96 : index
      %get3A_478 = tpu.vector_load %arg6[%get3A_476, %get3A_477] {strides = array<i32>} : memref<64x640xf32, #tpu.memory_space<vmem>>, vector<16xf32>,
      %add3A_479 = arith.addf %add3A_463, %get3A_478 : vector<16xf32>
      %get3A_480 = arith.index_cast %scan3A_439 : i32 to index
      %get3A_481 = arith.constant 112 : index
      %get3A_482 = tpu.vector_load %arg6[%get3A_480, %get3A_481] {strides = array<i32>} : memref<64x640xf32, #tpu.memory_space<vmem>>, vector<16xf32>,
      %add3A_483 = arith.addf %add3A_467, %get3A_482 : vector<16xf32>
      %get3A_484 = arith.index_cast %scan3A_439 : i32 to index
      %get3A_485 = arith.constant 128 : index
      %get3A_486 = tpu.vector_load %arg6[%get3A_484, %get3A_485] {strides = array<i32>} : memref<64x640xf32, #tpu.memory_space<vmem>>, vector<16xf32>,
      %add3A_487 = arith.addf %add3A_471, %get3A_486 : vector<16xf32>
      %get3A_488 = arith.index_cast %scan3A_439 : i32 to index
      %get3A_489 = arith.constant 144 : index
      %get3A_490 = tpu.vector_load %arg6[%get3A_488, %get3A_489] {strides = array<i32>} : memref<64x640xf32, #tpu.memory_space<vmem>>, vector<16xf32>,
      %add3A_491 = arith.addf %add3A_475, %get3A_490 : vector<16xf32>
      %get3A_492 = arith.index_cast %scan3A_439 : i32 to index
      %get3A_493 = arith.constant 160 : index
      %get3A_494 = tpu.vector_load %arg6[%get3A_492, %get3A_493] {strides = array<i32>} : memref<64x640xf32, #tpu.memory_space<vmem>>, vector<16xf32>,
      %add3A_495 = arith.addf %add3A_479, %get3A_494 : vector<16xf32>
      %get3A_496 = arith.index_cast %scan3A_439 : i32 to index
      %get3A_497 = arith.constant 176 : index
      %get3A_498 = tpu.vector_load %arg6[%get3A_496, %get3A_497] {strides = array<i32>} : memref<64x640xf32, #tpu.memory_space<vmem>>, vector<16xf32>,
      %add3A_499 = arith.addf %add3A_483, %get3A_498 : vector<16xf32>
      %get3A_500 = arith.index_cast %scan3A_439 : i32 to index
      %get3A_501 = arith.constant 192 : index
      %get3A_502 = tpu.vector_load %arg6[%get3A_500, %get3A_501] {strides = array<i32>} : memref<64x640xf32, #tpu.memory_space<vmem>>, vector<16xf32>,
      %add3A_503 = arith.addf %add3A_487, %get3A_502 : vector<16xf32>
      %get3A_504 = arith.index_cast %scan3A_439 : i32 to index
      %get3A_505 = arith.constant 208 : index
      %get3A_506 = tpu.vector_load %arg6[%get3A_504, %get3A_505] {strides = array<i32>} : memref<64x640xf32, #tpu.memory_space<vmem>>, vector<16xf32>,
      %add3A_507 = arith.addf %add3A_491, %get3A_506 : vector<16xf32>
      %get3A_508 = arith.index_cast %scan3A_439 : i32 to index
      %get3A_509 = arith.constant 224 : index
      %get3A_510 = tpu.vector_load %arg6[%get3A_508, %get3A_509] {strides = array<i32>} : memref<64x640xf32, #tpu.memory_space<vmem>>, vector<16xf32>,
      %add3A_511 = arith.addf %add3A_495, %get3A_510 : vector<16xf32>
      %get3A_512 = arith.index_cast %scan3A_439 : i32 to index
      %get3A_513 = arith.constant 240 : index
      %get3A_514 = tpu.vector_load %arg6[%get3A_512, %get3A_513] {strides = array<i32>} : memref<64x640xf32, #tpu.memory_space<vmem>>, vector<16xf32>,
      %add3A_515 = arith.addf %add3A_499, %get3A_514 : vector<16xf32>
      %get3A_516 = arith.index_cast %scan3A_439 : i32 to index
      %get3A_517 = arith.constant 256 : index
      %get3A_518 = tpu.vector_load %arg6[%get3A_516, %get3A_517] {strides = array<i32>} : memref<64x640xf32, #tpu.memory_space<vmem>>, vector<16xf32>,
      %add3A_519 = arith.addf %add3A_503, %get3A_518 : vector<16xf32>
      %get3A_520 = arith.index_cast %scan3A_439 : i32 to index
      %get3A_521 = arith.constant 272 : index
      %get3A_522 = tpu.vector_load %arg6[%get3A_520, %get3A_521] {strides = array<i32>} : memref<64x640xf32, #tpu.memory_space<vmem>>, vector<16xf32>,
      %add3A_523 = arith.addf %add3A_507, %get3A_522 : vector<16xf32>
      %get3A_524 = arith.index_cast %scan3A_439 : i32 to index
      %get3A_525 = arith.constant 288 : index
      %get3A_526 = tpu.vector_load %arg6[%get3A_524, %get3A_525] {strides = array<i32>} : memref<64x640xf32, #tpu.memory_space<vmem>>, vector<16xf32>,
      %add3A_527 = arith.addf %add3A_511, %get3A_526 : vector<16xf32>
      %get3A_528 = arith.index_cast %scan3A_439 : i32 to index
      %get3A_529 = arith.constant 304 : index
      %get3A_530 = tpu.vector_load %arg6[%get3A_528, %get3A_529] {strides = array<i32>} : memref<64x640xf32, #tpu.memory_space<vmem>>, vector<16xf32>,
      %add3A_531 = arith.addf %add3A_515, %get3A_530 : vector<16xf32>
      %get3A_532 = arith.index_cast %scan3A_439 : i32 to index
      %get3A_533 = arith.constant 320 : index
      %get3A_534 = tpu.vector_load %arg6[%get3A_532, %get3A_533] {strides = array<i32>} : memref<64x640xf32, #tpu.memory_space<vmem>>, vector<16xf32>,
      %add3A_535 = arith.addf %add3A_519, %get3A_534 : vector<16xf32>
      %get3A_536 = arith.index_cast %scan3A_439 : i32 to index
      %get3A_537 = arith.constant 336 : index
      %get3A_538 = tpu.vector_load %arg6[%get3A_536, %get3A_537] {strides = array<i32>} : memref<64x640xf32, #tpu.memory_space<vmem>>, vector<16xf32>,
      %add3A_539 = arith.addf %add3A_523, %get3A_538 : vector<16xf32>
      %get3A_540 = arith.index_cast %scan3A_439 : i32 to index
      %get3A_541 = arith.constant 352 : index
      %get3A_542 = tpu.vector_load %arg6[%get3A_540, %get3A_541] {strides = array<i32>} : memref<64x640xf32, #tpu.memory_space<vmem>>, vector<16xf32>,
      %add3A_543 = arith.addf %add3A_527, %get3A_542 : vector<16xf32>
      %get3A_544 = arith.index_cast %scan3A_439 : i32 to index
      %get3A_545 = arith.constant 368 : index
      %get3A_546 = tpu.vector_load %arg6[%get3A_544, %get3A_545] {strides = array<i32>} : memref<64x640xf32, #tpu.memory_space<vmem>>, vector<16xf32>,
      %add3A_547 = arith.addf %add3A_531, %get3A_546 : vector<16xf32>
      %get3A_548 = arith.index_cast %scan3A_439 : i32 to index
      %get3A_549 = arith.constant 384 : index
      %get3A_550 = tpu.vector_load %arg6[%get3A_548, %get3A_549] {strides = array<i32>} : memref<64x640xf32, #tpu.memory_space<vmem>>, vector<16xf32>,
      %add3A_551 = arith.addf %add3A_535, %get3A_550 : vector<16xf32>
      %get3A_552 = arith.index_cast %scan3A_439 : i32 to index
      %get3A_553 = arith.constant 400 : index
      %get3A_554 = tpu.vector_load %arg6[%get3A_552, %get3A_553] {strides = array<i32>} : memref<64x640xf32, #tpu.memory_space<vmem>>, vector<16xf32>,
      %add3A_555 = arith.addf %add3A_539, %get3A_554 : vector<16xf32>
      %get3A_556 = arith.index_cast %scan3A_439 : i32 to index
      %get3A_557 = arith.constant 416 : index
      %get3A_558 = tpu.vector_load %arg6[%get3A_556, %get3A_557] {strides = array<i32>} : memref<64x640xf32, #tpu.memory_space<vmem>>, vector<16xf32>,
      %add3A_559 = arith.addf %add3A_543, %get3A_558 : vector<16xf32>
      %get3A_560 = arith.index_cast %scan3A_439 : i32 to index
      %get3A_561 = arith.constant 432 : index
      %get3A_562 = tpu.vector_load %arg6[%get3A_560, %get3A_561] {strides = array<i32>} : memref<64x640xf32, #tpu.memory_space<vmem>>, vector<16xf32>,
      %add3A_563 = arith.addf %add3A_547, %get3A_562 : vector<16xf32>
      %get3A_564 = arith.index_cast %scan3A_439 : i32 to index
      %get3A_565 = arith.constant 448 : index
      %get3A_566 = tpu.vector_load %arg6[%get3A_564, %get3A_565] {strides = array<i32>} : memref<64x640xf32, #tpu.memory_space<vmem>>, vector<16xf32>,
      %add3A_567 = arith.addf %add3A_551, %get3A_566 : vector<16xf32>
      %get3A_568 = arith.index_cast %scan3A_439 : i32 to index
      %get3A_569 = arith.constant 464 : index
      %get3A_570 = tpu.vector_load %arg6[%get3A_568, %get3A_569] {strides = array<i32>} : memref<64x640xf32, #tpu.memory_space<vmem>>, vector<16xf32>,
      %add3A_571 = arith.addf %add3A_555, %get3A_570 : vector<16xf32>
      %get3A_572 = arith.index_cast %scan3A_439 : i32 to index
      %get3A_573 = arith.constant 480 : index
      %get3A_574 = tpu.vector_load %arg6[%get3A_572, %get3A_573] {strides = array<i32>} : memref<64x640xf32, #tpu.memory_space<vmem>>, vector<16xf32>,
      %add3A_575 = arith.addf %add3A_559, %get3A_574 : vector<16xf32>
      %get3A_576 = arith.index_cast %scan3A_439 : i32 to index
      %get3A_577 = arith.constant 496 : index
      %get3A_578 = tpu.vector_load %arg6[%get3A_576, %get3A_577] {strides = array<i32>} : memref<64x640xf32, #tpu.memory_space<vmem>>, vector<16xf32>,
      %add3A_579 = arith.addf %add3A_563, %get3A_578 : vector<16xf32>
      %get3A_580 = arith.index_cast %scan3A_439 : i32 to index
      %get3A_581 = arith.constant 512 : index
      %get3A_582 = tpu.vector_load %arg6[%get3A_580, %get3A_581] {strides = array<i32>} : memref<64x640xf32, #tpu.memory_space<vmem>>, vector<16xf32>,
      %add3A_583 = arith.addf %add3A_567, %get3A_582 : vector<16xf32>
      %get3A_584 = arith.index_cast %scan3A_439 : i32 to index
      %get3A_585 = arith.constant 528 : index
      %get3A_586 = tpu.vector_load %arg6[%get3A_584, %get3A_585] {strides = array<i32>} : memref<64x640xf32, #tpu.memory_space<vmem>>, vector<16xf32>,
      %add3A_587 = arith.addf %add3A_571, %get3A_586 : vector<16xf32>
      %get3A_588 = arith.index_cast %scan3A_439 : i32 to index
      %get3A_589 = arith.constant 544 : index
      %get3A_590 = tpu.vector_load %arg6[%get3A_588, %get3A_589] {strides = array<i32>} : memref<64x640xf32, #tpu.memory_space<vmem>>, vector<16xf32>,
      %add3A_591 = arith.addf %add3A_575, %get3A_590 : vector<16xf32>
      %get3A_592 = arith.index_cast %scan3A_439 : i32 to index
      %get3A_593 = arith.constant 560 : index
      %get3A_594 = tpu.vector_load %arg6[%get3A_592, %get3A_593] {strides = array<i32>} : memref<64x640xf32, #tpu.memory_space<vmem>>, vector<16xf32>,
      %add3A_595 = arith.addf %add3A_579, %get3A_594 : vector<16xf32>
      %get3A_596 = arith.index_cast %scan3A_439 : i32 to index
      %get3A_597 = arith.constant 576 : index
      %get3A_598 = tpu.vector_load %arg6[%get3A_596, %get3A_597] {strides = array<i32>} : memref<64x640xf32, #tpu.memory_space<vmem>>, vector<16xf32>,
      %add3A_599 = arith.addf %add3A_583, %get3A_598 : vector<16xf32>
      %get3A_600 = arith.index_cast %scan3A_439 : i32 to index
      %get3A_601 = arith.constant 592 : index
      %get3A_602 = tpu.vector_load %arg6[%get3A_600, %get3A_601] {strides = array<i32>} : memref<64x640xf32, #tpu.memory_space<vmem>>, vector<16xf32>,
      %add3A_603 = arith.addf %add3A_587, %get3A_602 : vector<16xf32>
      %get3A_604 = arith.index_cast %scan3A_439 : i32 to index
      %get3A_605 = arith.constant 608 : index
      %get3A_606 = tpu.vector_load %arg6[%get3A_604, %get3A_605] {strides = array<i32>} : memref<64x640xf32, #tpu.memory_space<vmem>>, vector<16xf32>,
      %add3A_607 = arith.addf %add3A_591, %get3A_606 : vector<16xf32>
      %get3A_608 = arith.index_cast %scan3A_439 : i32 to index
      %get3A_609 = arith.constant 624 : index
      %get3A_610 = tpu.vector_load %arg6[%get3A_608, %get3A_609] {strides = array<i32>} : memref<64x640xf32, #tpu.memory_space<vmem>>, vector<16xf32>,
      %add3A_611 = arith.addf %add3A_595, %get3A_610 : vector<16xf32>
      %add3A_612 = arith.addf %add3A_599, %add3A_603 : vector<16xf32>
      %add3A_613 = arith.addf %add3A_607, %add3A_611 : vector<16xf32>
      %add3A_614 = arith.addf %add3A_612, %add3A_613 : vector<16xf32>
      %mul3A_615 = arith.mulf %add3A_614, %gather3A : vector<16xf32>
      %add3A_616 = arith.addf %scan3A_440, %mul3A_615 : vector<16xf32>
      scf.yield %add3A_616 : vector<16xf32>
    }
    %scan3A_307 = arith.constant 64 : i32
    %add3A_308 = arith.constant 64 : i32
    %add3A_309 = arith.addi %mul3A_32, %add3A_308 : i32
    %dma_wait3A_310 = arith.constant 1 : i32
    %dma_wait3A_311 = arith.constant 0 : i32
    %dma_wait3A_312 = tpu.memref_slice %arg4[%select_n3A, %add3A_309, %dma_wait3A_311] : memref<16x2048x640xf32, #tpu.memory_space<hbm>> -> memref<1x64x640xf32, #tpu.memory_space<hbm>>
    %dma_wait3A_313 = tpu.memref_squeeze %dma_wait3A_312 : memref<1x64x640xf32, #tpu.memory_space<hbm>> -> memref<64x640xf32, #tpu.memory_space<hbm>>
    %dma_wait3A_314 = tpu.memref_slice %arg12[%dma_wait3A_310] : memref<2x!tpu.dma_semaphore, #tpu.memory_space<semaphore_mem>> -> memref<1x!tpu.dma_semaphore, #tpu.memory_space<semaphore_mem>>
    %dma_wait3A_315 = tpu.memref_squeeze %dma_wait3A_314 : memref<1x!tpu.dma_semaphore, #tpu.memory_space<semaphore_mem>> -> memref<!tpu.dma_semaphore, #tpu.memory_space<semaphore_mem>>
    %dma_wait3A_316 = arith.constant 0 : i32
    %dma_wait3A_317 = tpu.memref_slice %arg4[%select_n3A, %add3A_309, %dma_wait3A_316] : memref<16x2048x640xf32, #tpu.memory_space<hbm>> -> memref<1x64x640xf32, #tpu.memory_space<hbm>>
    %dma_wait3A_318 = tpu.memref_squeeze %dma_wait3A_317 : memref<1x64x640xf32, #tpu.memory_space<hbm>> -> memref<64x640xf32, #tpu.memory_space<hbm>>
    tpu.wait_dma2 semaphore(%dma_wait3A_315 : memref<!tpu.dma_semaphore, #tpu.memory_space<semaphore_mem>>) src(%dma_wait3A_318 : memref<64x640xf32, #tpu.memory_space<hbm>>) dst(%arg7 : memref<64x640xf32, #tpu.memory_space<vmem>>)
    %add3A_319 = arith.constant 128 : i32
    %add3A_320 = arith.addi %mul3A_32, %add3A_319 : i32
    %dma_start3A_321 = arith.constant 0 : i32
    %dma_start3A_322 = arith.constant 0 : i32
    %dma_start3A_323 = tpu.memref_slice %arg4[%select_n3A, %add3A_320, %dma_start3A_322] : memref<16x2048x640xf32, #tpu.memory_space<hbm>> -> memref<1x64x640xf32, #tpu.memory_space<hbm>>
    %dma_start3A_324 = tpu.memref_squeeze %dma_start3A_323 : memref<1x64x640xf32, #tpu.memory_space<hbm>> -> memref<64x640xf32, #tpu.memory_space<hbm>>
    %dma_start3A_325 = tpu.memref_slice %arg12[%dma_start3A_321] : memref<2x!tpu.dma_semaphore, #tpu.memory_space<semaphore_mem>> -> memref<1x!tpu.dma_semaphore, #tpu.memory_space<semaphore_mem>>
    %dma_start3A_326 = tpu.memref_squeeze %dma_start3A_325 : memref<1x!tpu.dma_semaphore, #tpu.memory_space<semaphore_mem>> -> memref<!tpu.dma_semaphore, #tpu.memory_space<semaphore_mem>>
    %dma_start3A_327 = arith.constant 0 : i32
    %dma_start3A_328 = tpu.memref_slice %arg4[%select_n3A, %add3A_320, %dma_start3A_327] : memref<16x2048x640xf32, #tpu.memory_space<hbm>> -> memref<1x64x640xf32, #tpu.memory_space<hbm>>
    %dma_start3A_329 = tpu.memref_squeeze %dma_start3A_328 : memref<1x64x640xf32, #tpu.memory_space<hbm>> -> memref<64x640xf32, #tpu.memory_space<hbm>>
    tpu.enqueue_dma source(%dma_start3A_329 : memref<64x640xf32, #tpu.memory_space<hbm>>) target(%arg6 : memref<64x640xf32, #tpu.memory_space<vmem>>) target_semaphore(%dma_start3A_326 : memref<!tpu.dma_semaphore, #tpu.memory_space<semaphore_mem>>)
    %scan3A_330 = arith.constant 0 : i32
    %scan3A_331 = arith.constant 64 : i32
    %scan3A_332 = arith.addi %scan3A_330, %scan3A_331 : i32
    %scan3A_333 = arith.constant 1 : i32
    %scan3A_334 = scf.for %scan3A_439 = %scan3A_330 to %scan3A_332 step %scan3A_333 iter_args(%scan3A_440 = %scan3A_306) -> (vector<16xf32>)  : i32 {
      %add3A_441 = arith.constant 64 : i32
      %add3A_442 = arith.addi %add3A_441, %scan3A_439 : i32
      %broadcast_in_dim3A_443 = vector.broadcast %add3A_442 : i32 to vector<16xi32>
      %gather3A = tpu.vector_load_idx %arg10[%broadcast_in_dim3A_443] : memref<384xf32, #tpu.memory_space<vmem>>[vector<16xi32>], vector<16xf32>,
      %broadcast_in_dim3A_444 = arith.constant 0.000000e+00 : f32
      %broadcast_in_dim3A_445 = vector.broadcast %broadcast_in_dim3A_444 : f32 to vector<16xf32>
      %broadcast_in_dim3A_446 = arith.constant 0.000000e+00 : f32
      %broadcast_in_dim3A_447 = vector.broadcast %broadcast_in_dim3A_446 : f32 to vector<16xf32>
      %broadcast_in_dim3A_448 = arith.constant 0.000000e+00 : f32
      %broadcast_in_dim3A_449 = vector.broadcast %broadcast_in_dim3A_448 : f32 to vector<16xf32>
      %broadcast_in_dim3A_450 = arith.constant 0.000000e+00 : f32
      %broadcast_in_dim3A_451 = vector.broadcast %broadcast_in_dim3A_450 : f32 to vector<16xf32>
      %get3A_452 = arith.index_cast %scan3A_439 : i32 to index
      %get3A_453 = arith.constant 0 : index
      %get3A_454 = tpu.vector_load %arg7[%get3A_452, %get3A_453] {strides = array<i32>} : memref<64x640xf32, #tpu.memory_space<vmem>>, vector<16xf32>,
      %add3A_455 = arith.addf %broadcast_in_dim3A_445, %get3A_454 : vector<16xf32>
      %get3A_456 = arith.index_cast %scan3A_439 : i32 to index
      %get3A_457 = arith.constant 16 : index
      %get3A_458 = tpu.vector_load %arg7[%get3A_456, %get3A_457] {strides = array<i32>} : memref<64x640xf32, #tpu.memory_space<vmem>>, vector<16xf32>,
      %add3A_459 = arith.addf %broadcast_in_dim3A_447, %get3A_458 : vector<16xf32>
      %get3A_460 = arith.index_cast %scan3A_439 : i32 to index
      %get3A_461 = arith.constant 32 : index
      %get3A_462 = tpu.vector_load %arg7[%get3A_460, %get3A_461] {strides = array<i32>} : memref<64x640xf32, #tpu.memory_space<vmem>>, vector<16xf32>,
      %add3A_463 = arith.addf %broadcast_in_dim3A_449, %get3A_462 : vector<16xf32>
      %get3A_464 = arith.index_cast %scan3A_439 : i32 to index
      %get3A_465 = arith.constant 48 : index
      %get3A_466 = tpu.vector_load %arg7[%get3A_464, %get3A_465] {strides = array<i32>} : memref<64x640xf32, #tpu.memory_space<vmem>>, vector<16xf32>,
      %add3A_467 = arith.addf %broadcast_in_dim3A_451, %get3A_466 : vector<16xf32>
      %get3A_468 = arith.index_cast %scan3A_439 : i32 to index
      %get3A_469 = arith.constant 64 : index
      %get3A_470 = tpu.vector_load %arg7[%get3A_468, %get3A_469] {strides = array<i32>} : memref<64x640xf32, #tpu.memory_space<vmem>>, vector<16xf32>,
      %add3A_471 = arith.addf %add3A_455, %get3A_470 : vector<16xf32>
      %get3A_472 = arith.index_cast %scan3A_439 : i32 to index
      %get3A_473 = arith.constant 80 : index
      %get3A_474 = tpu.vector_load %arg7[%get3A_472, %get3A_473] {strides = array<i32>} : memref<64x640xf32, #tpu.memory_space<vmem>>, vector<16xf32>,
      %add3A_475 = arith.addf %add3A_459, %get3A_474 : vector<16xf32>
      %get3A_476 = arith.index_cast %scan3A_439 : i32 to index
      %get3A_477 = arith.constant 96 : index
      %get3A_478 = tpu.vector_load %arg7[%get3A_476, %get3A_477] {strides = array<i32>} : memref<64x640xf32, #tpu.memory_space<vmem>>, vector<16xf32>,
      %add3A_479 = arith.addf %add3A_463, %get3A_478 : vector<16xf32>
      %get3A_480 = arith.index_cast %scan3A_439 : i32 to index
      %get3A_481 = arith.constant 112 : index
      %get3A_482 = tpu.vector_load %arg7[%get3A_480, %get3A_481] {strides = array<i32>} : memref<64x640xf32, #tpu.memory_space<vmem>>, vector<16xf32>,
      %add3A_483 = arith.addf %add3A_467, %get3A_482 : vector<16xf32>
      %get3A_484 = arith.index_cast %scan3A_439 : i32 to index
      %get3A_485 = arith.constant 128 : index
      %get3A_486 = tpu.vector_load %arg7[%get3A_484, %get3A_485] {strides = array<i32>} : memref<64x640xf32, #tpu.memory_space<vmem>>, vector<16xf32>,
      %add3A_487 = arith.addf %add3A_471, %get3A_486 : vector<16xf32>
      %get3A_488 = arith.index_cast %scan3A_439 : i32 to index
      %get3A_489 = arith.constant 144 : index
      %get3A_490 = tpu.vector_load %arg7[%get3A_488, %get3A_489] {strides = array<i32>} : memref<64x640xf32, #tpu.memory_space<vmem>>, vector<16xf32>,
      %add3A_491 = arith.addf %add3A_475, %get3A_490 : vector<16xf32>
      %get3A_492 = arith.index_cast %scan3A_439 : i32 to index
      %get3A_493 = arith.constant 160 : index
      %get3A_494 = tpu.vector_load %arg7[%get3A_492, %get3A_493] {strides = array<i32>} : memref<64x640xf32, #tpu.memory_space<vmem>>, vector<16xf32>,
      %add3A_495 = arith.addf %add3A_479, %get3A_494 : vector<16xf32>
      %get3A_496 = arith.index_cast %scan3A_439 : i32 to index
      %get3A_497 = arith.constant 176 : index
      %get3A_498 = tpu.vector_load %arg7[%get3A_496, %get3A_497] {strides = array<i32>} : memref<64x640xf32, #tpu.memory_space<vmem>>, vector<16xf32>,
      %add3A_499 = arith.addf %add3A_483, %get3A_498 : vector<16xf32>
      %get3A_500 = arith.index_cast %scan3A_439 : i32 to index
      %get3A_501 = arith.constant 192 : index
      %get3A_502 = tpu.vector_load %arg7[%get3A_500, %get3A_501] {strides = array<i32>} : memref<64x640xf32, #tpu.memory_space<vmem>>, vector<16xf32>,
      %add3A_503 = arith.addf %add3A_487, %get3A_502 : vector<16xf32>
      %get3A_504 = arith.index_cast %scan3A_439 : i32 to index
      %get3A_505 = arith.constant 208 : index
      %get3A_506 = tpu.vector_load %arg7[%get3A_504, %get3A_505] {strides = array<i32>} : memref<64x640xf32, #tpu.memory_space<vmem>>, vector<16xf32>,
      %add3A_507 = arith.addf %add3A_491, %get3A_506 : vector<16xf32>
      %get3A_508 = arith.index_cast %scan3A_439 : i32 to index
      %get3A_509 = arith.constant 224 : index
      %get3A_510 = tpu.vector_load %arg7[%get3A_508, %get3A_509] {strides = array<i32>} : memref<64x640xf32, #tpu.memory_space<vmem>>, vector<16xf32>,
      %add3A_511 = arith.addf %add3A_495, %get3A_510 : vector<16xf32>
      %get3A_512 = arith.index_cast %scan3A_439 : i32 to index
      %get3A_513 = arith.constant 240 : index
      %get3A_514 = tpu.vector_load %arg7[%get3A_512, %get3A_513] {strides = array<i32>} : memref<64x640xf32, #tpu.memory_space<vmem>>, vector<16xf32>,
      %add3A_515 = arith.addf %add3A_499, %get3A_514 : vector<16xf32>
      %get3A_516 = arith.index_cast %scan3A_439 : i32 to index
      %get3A_517 = arith.constant 256 : index
      %get3A_518 = tpu.vector_load %arg7[%get3A_516, %get3A_517] {strides = array<i32>} : memref<64x640xf32, #tpu.memory_space<vmem>>, vector<16xf32>,
      %add3A_519 = arith.addf %add3A_503, %get3A_518 : vector<16xf32>
      %get3A_520 = arith.index_cast %scan3A_439 : i32 to index
      %get3A_521 = arith.constant 272 : index
      %get3A_522 = tpu.vector_load %arg7[%get3A_520, %get3A_521] {strides = array<i32>} : memref<64x640xf32, #tpu.memory_space<vmem>>, vector<16xf32>,
      %add3A_523 = arith.addf %add3A_507, %get3A_522 : vector<16xf32>
      %get3A_524 = arith.index_cast %scan3A_439 : i32 to index
      %get3A_525 = arith.constant 288 : index
      %get3A_526 = tpu.vector_load %arg7[%get3A_524, %get3A_525] {strides = array<i32>} : memref<64x640xf32, #tpu.memory_space<vmem>>, vector<16xf32>,
      %add3A_527 = arith.addf %add3A_511, %get3A_526 : vector<16xf32>
      %get3A_528 = arith.index_cast %scan3A_439 : i32 to index
      %get3A_529 = arith.constant 304 : index
      %get3A_530 = tpu.vector_load %arg7[%get3A_528, %get3A_529] {strides = array<i32>} : memref<64x640xf32, #tpu.memory_space<vmem>>, vector<16xf32>,
      %add3A_531 = arith.addf %add3A_515, %get3A_530 : vector<16xf32>
      %get3A_532 = arith.index_cast %scan3A_439 : i32 to index
      %get3A_533 = arith.constant 320 : index
      %get3A_534 = tpu.vector_load %arg7[%get3A_532, %get3A_533] {strides = array<i32>} : memref<64x640xf32, #tpu.memory_space<vmem>>, vector<16xf32>,
      %add3A_535 = arith.addf %add3A_519, %get3A_534 : vector<16xf32>
      %get3A_536 = arith.index_cast %scan3A_439 : i32 to index
      %get3A_537 = arith.constant 336 : index
      %get3A_538 = tpu.vector_load %arg7[%get3A_536, %get3A_537] {strides = array<i32>} : memref<64x640xf32, #tpu.memory_space<vmem>>, vector<16xf32>,
      %add3A_539 = arith.addf %add3A_523, %get3A_538 : vector<16xf32>
      %get3A_540 = arith.index_cast %scan3A_439 : i32 to index
      %get3A_541 = arith.constant 352 : index
      %get3A_542 = tpu.vector_load %arg7[%get3A_540, %get3A_541] {strides = array<i32>} : memref<64x640xf32, #tpu.memory_space<vmem>>, vector<16xf32>,
      %add3A_543 = arith.addf %add3A_527, %get3A_542 : vector<16xf32>
      %get3A_544 = arith.index_cast %scan3A_439 : i32 to index
      %get3A_545 = arith.constant 368 : index
      %get3A_546 = tpu.vector_load %arg7[%get3A_544, %get3A_545] {strides = array<i32>} : memref<64x640xf32, #tpu.memory_space<vmem>>, vector<16xf32>,
      %add3A_547 = arith.addf %add3A_531, %get3A_546 : vector<16xf32>
      %get3A_548 = arith.index_cast %scan3A_439 : i32 to index
      %get3A_549 = arith.constant 384 : index
      %get3A_550 = tpu.vector_load %arg7[%get3A_548, %get3A_549] {strides = array<i32>} : memref<64x640xf32, #tpu.memory_space<vmem>>, vector<16xf32>,
      %add3A_551 = arith.addf %add3A_535, %get3A_550 : vector<16xf32>
      %get3A_552 = arith.index_cast %scan3A_439 : i32 to index
      %get3A_553 = arith.constant 400 : index
      %get3A_554 = tpu.vector_load %arg7[%get3A_552, %get3A_553] {strides = array<i32>} : memref<64x640xf32, #tpu.memory_space<vmem>>, vector<16xf32>,
      %add3A_555 = arith.addf %add3A_539, %get3A_554 : vector<16xf32>
      %get3A_556 = arith.index_cast %scan3A_439 : i32 to index
      %get3A_557 = arith.constant 416 : index
      %get3A_558 = tpu.vector_load %arg7[%get3A_556, %get3A_557] {strides = array<i32>} : memref<64x640xf32, #tpu.memory_space<vmem>>, vector<16xf32>,
      %add3A_559 = arith.addf %add3A_543, %get3A_558 : vector<16xf32>
      %get3A_560 = arith.index_cast %scan3A_439 : i32 to index
      %get3A_561 = arith.constant 432 : index
      %get3A_562 = tpu.vector_load %arg7[%get3A_560, %get3A_561] {strides = array<i32>} : memref<64x640xf32, #tpu.memory_space<vmem>>, vector<16xf32>,
      %add3A_563 = arith.addf %add3A_547, %get3A_562 : vector<16xf32>
      %get3A_564 = arith.index_cast %scan3A_439 : i32 to index
      %get3A_565 = arith.constant 448 : index
      %get3A_566 = tpu.vector_load %arg7[%get3A_564, %get3A_565] {strides = array<i32>} : memref<64x640xf32, #tpu.memory_space<vmem>>, vector<16xf32>,
      %add3A_567 = arith.addf %add3A_551, %get3A_566 : vector<16xf32>
      %get3A_568 = arith.index_cast %scan3A_439 : i32 to index
      %get3A_569 = arith.constant 464 : index
      %get3A_570 = tpu.vector_load %arg7[%get3A_568, %get3A_569] {strides = array<i32>} : memref<64x640xf32, #tpu.memory_space<vmem>>, vector<16xf32>,
      %add3A_571 = arith.addf %add3A_555, %get3A_570 : vector<16xf32>
      %get3A_572 = arith.index_cast %scan3A_439 : i32 to index
      %get3A_573 = arith.constant 480 : index
      %get3A_574 = tpu.vector_load %arg7[%get3A_572, %get3A_573] {strides = array<i32>} : memref<64x640xf32, #tpu.memory_space<vmem>>, vector<16xf32>,
      %add3A_575 = arith.addf %add3A_559, %get3A_574 : vector<16xf32>
      %get3A_576 = arith.index_cast %scan3A_439 : i32 to index
      %get3A_577 = arith.constant 496 : index
      %get3A_578 = tpu.vector_load %arg7[%get3A_576, %get3A_577] {strides = array<i32>} : memref<64x640xf32, #tpu.memory_space<vmem>>, vector<16xf32>,
      %add3A_579 = arith.addf %add3A_563, %get3A_578 : vector<16xf32>
      %get3A_580 = arith.index_cast %scan3A_439 : i32 to index
      %get3A_581 = arith.constant 512 : index
      %get3A_582 = tpu.vector_load %arg7[%get3A_580, %get3A_581] {strides = array<i32>} : memref<64x640xf32, #tpu.memory_space<vmem>>, vector<16xf32>,
      %add3A_583 = arith.addf %add3A_567, %get3A_582 : vector<16xf32>
      %get3A_584 = arith.index_cast %scan3A_439 : i32 to index
      %get3A_585 = arith.constant 528 : index
      %get3A_586 = tpu.vector_load %arg7[%get3A_584, %get3A_585] {strides = array<i32>} : memref<64x640xf32, #tpu.memory_space<vmem>>, vector<16xf32>,
      %add3A_587 = arith.addf %add3A_571, %get3A_586 : vector<16xf32>
      %get3A_588 = arith.index_cast %scan3A_439 : i32 to index
      %get3A_589 = arith.constant 544 : index
      %get3A_590 = tpu.vector_load %arg7[%get3A_588, %get3A_589] {strides = array<i32>} : memref<64x640xf32, #tpu.memory_space<vmem>>, vector<16xf32>,
      %add3A_591 = arith.addf %add3A_575, %get3A_590 : vector<16xf32>
      %get3A_592 = arith.index_cast %scan3A_439 : i32 to index
      %get3A_593 = arith.constant 560 : index
      %get3A_594 = tpu.vector_load %arg7[%get3A_592, %get3A_593] {strides = array<i32>} : memref<64x640xf32, #tpu.memory_space<vmem>>, vector<16xf32>,
      %add3A_595 = arith.addf %add3A_579, %get3A_594 : vector<16xf32>
      %get3A_596 = arith.index_cast %scan3A_439 : i32 to index
      %get3A_597 = arith.constant 576 : index
      %get3A_598 = tpu.vector_load %arg7[%get3A_596, %get3A_597] {strides = array<i32>} : memref<64x640xf32, #tpu.memory_space<vmem>>, vector<16xf32>,
      %add3A_599 = arith.addf %add3A_583, %get3A_598 : vector<16xf32>
      %get3A_600 = arith.index_cast %scan3A_439 : i32 to index
      %get3A_601 = arith.constant 592 : index
      %get3A_602 = tpu.vector_load %arg7[%get3A_600, %get3A_601] {strides = array<i32>} : memref<64x640xf32, #tpu.memory_space<vmem>>, vector<16xf32>,
      %add3A_603 = arith.addf %add3A_587, %get3A_602 : vector<16xf32>
      %get3A_604 = arith.index_cast %scan3A_439 : i32 to index
      %get3A_605 = arith.constant 608 : index
      %get3A_606 = tpu.vector_load %arg7[%get3A_604, %get3A_605] {strides = array<i32>} : memref<64x640xf32, #tpu.memory_space<vmem>>, vector<16xf32>,
      %add3A_607 = arith.addf %add3A_591, %get3A_606 : vector<16xf32>
      %get3A_608 = arith.index_cast %scan3A_439 : i32 to index
      %get3A_609 = arith.constant 624 : index
      %get3A_610 = tpu.vector_load %arg7[%get3A_608, %get3A_609] {strides = array<i32>} : memref<64x640xf32, #tpu.memory_space<vmem>>, vector<16xf32>,
      %add3A_611 = arith.addf %add3A_595, %get3A_610 : vector<16xf32>
      %add3A_612 = arith.addf %add3A_599, %add3A_603 : vector<16xf32>
      %add3A_613 = arith.addf %add3A_607, %add3A_611 : vector<16xf32>
      %add3A_614 = arith.addf %add3A_612, %add3A_613 : vector<16xf32>
      %mul3A_615 = arith.mulf %add3A_614, %gather3A : vector<16xf32>
      %add3A_616 = arith.addf %scan3A_440, %mul3A_615 : vector<16xf32>
      scf.yield %add3A_616 : vector<16xf32>
    }
    %scan3A_335 = arith.constant 64 : i32
    %add3A_336 = arith.constant 128 : i32
    %add3A_337 = arith.addi %mul3A_32, %add3A_336 : i32
    %dma_wait3A_338 = arith.constant 0 : i32
    %dma_wait3A_339 = arith.constant 0 : i32
    %dma_wait3A_340 = tpu.memref_slice %arg4[%select_n3A, %add3A_337, %dma_wait3A_339] : memref<16x2048x640xf32, #tpu.memory_space<hbm>> -> memref<1x64x640xf32, #tpu.memory_space<hbm>>
    %dma_wait3A_341 = tpu.memref_squeeze %dma_wait3A_340 : memref<1x64x640xf32, #tpu.memory_space<hbm>> -> memref<64x640xf32, #tpu.memory_space<hbm>>
    %dma_wait3A_342 = tpu.memref_slice %arg12[%dma_wait3A_338] : memref<2x!tpu.dma_semaphore, #tpu.memory_space<semaphore_mem>> -> memref<1x!tpu.dma_semaphore, #tpu.memory_space<semaphore_mem>>
    %dma_wait3A_343 = tpu.memref_squeeze %dma_wait3A_342 : memref<1x!tpu.dma_semaphore, #tpu.memory_space<semaphore_mem>> -> memref<!tpu.dma_semaphore, #tpu.memory_space<semaphore_mem>>
    %dma_wait3A_344 = arith.constant 0 : i32
    %dma_wait3A_345 = tpu.memref_slice %arg4[%select_n3A, %add3A_337, %dma_wait3A_344] : memref<16x2048x640xf32, #tpu.memory_space<hbm>> -> memref<1x64x640xf32, #tpu.memory_space<hbm>>
    %dma_wait3A_346 = tpu.memref_squeeze %dma_wait3A_345 : memref<1x64x640xf32, #tpu.memory_space<hbm>> -> memref<64x640xf32, #tpu.memory_space<hbm>>
    tpu.wait_dma2 semaphore(%dma_wait3A_343 : memref<!tpu.dma_semaphore, #tpu.memory_space<semaphore_mem>>) src(%dma_wait3A_346 : memref<64x640xf32, #tpu.memory_space<hbm>>) dst(%arg6 : memref<64x640xf32, #tpu.memory_space<vmem>>)
    %add3A_347 = arith.constant 192 : i32
    %add3A_348 = arith.addi %mul3A_32, %add3A_347 : i32
    %dma_start3A_349 = arith.constant 1 : i32
    %dma_start3A_350 = arith.constant 0 : i32
    %dma_start3A_351 = tpu.memref_slice %arg4[%select_n3A, %add3A_348, %dma_start3A_350] : memref<16x2048x640xf32, #tpu.memory_space<hbm>> -> memref<1x64x640xf32, #tpu.memory_space<hbm>>
    %dma_start3A_352 = tpu.memref_squeeze %dma_start3A_351 : memref<1x64x640xf32, #tpu.memory_space<hbm>> -> memref<64x640xf32, #tpu.memory_space<hbm>>
    %dma_start3A_353 = tpu.memref_slice %arg12[%dma_start3A_349] : memref<2x!tpu.dma_semaphore, #tpu.memory_space<semaphore_mem>> -> memref<1x!tpu.dma_semaphore, #tpu.memory_space<semaphore_mem>>
    %dma_start3A_354 = tpu.memref_squeeze %dma_start3A_353 : memref<1x!tpu.dma_semaphore, #tpu.memory_space<semaphore_mem>> -> memref<!tpu.dma_semaphore, #tpu.memory_space<semaphore_mem>>
    %dma_start3A_355 = arith.constant 0 : i32
    %dma_start3A_356 = tpu.memref_slice %arg4[%select_n3A, %add3A_348, %dma_start3A_355] : memref<16x2048x640xf32, #tpu.memory_space<hbm>> -> memref<1x64x640xf32, #tpu.memory_space<hbm>>
    %dma_start3A_357 = tpu.memref_squeeze %dma_start3A_356 : memref<1x64x640xf32, #tpu.memory_space<hbm>> -> memref<64x640xf32, #tpu.memory_space<hbm>>
    tpu.enqueue_dma source(%dma_start3A_357 : memref<64x640xf32, #tpu.memory_space<hbm>>) target(%arg7 : memref<64x640xf32, #tpu.memory_space<vmem>>) target_semaphore(%dma_start3A_354 : memref<!tpu.dma_semaphore, #tpu.memory_space<semaphore_mem>>)
    %scan3A_358 = arith.constant 0 : i32
    %scan3A_359 = arith.constant 64 : i32
    %scan3A_360 = arith.addi %scan3A_358, %scan3A_359 : i32
    %scan3A_361 = arith.constant 1 : i32
    %scan3A_362 = scf.for %scan3A_439 = %scan3A_358 to %scan3A_360 step %scan3A_361 iter_args(%scan3A_440 = %scan3A_334) -> (vector<16xf32>)  : i32 {
      %add3A_441 = arith.constant 128 : i32
      %add3A_442 = arith.addi %add3A_441, %scan3A_439 : i32
      %broadcast_in_dim3A_443 = vector.broadcast %add3A_442 : i32 to vector<16xi32>
      %gather3A = tpu.vector_load_idx %arg10[%broadcast_in_dim3A_443] : memref<384xf32, #tpu.memory_space<vmem>>[vector<16xi32>], vector<16xf32>,
      %broadcast_in_dim3A_444 = arith.constant 0.000000e+00 : f32
      %broadcast_in_dim3A_445 = vector.broadcast %broadcast_in_dim3A_444 : f32 to vector<16xf32>
      %broadcast_in_dim3A_446 = arith.constant 0.000000e+00 : f32
      %broadcast_in_dim3A_447 = vector.broadcast %broadcast_in_dim3A_446 : f32 to vector<16xf32>
      %broadcast_in_dim3A_448 = arith.constant 0.000000e+00 : f32
      %broadcast_in_dim3A_449 = vector.broadcast %broadcast_in_dim3A_448 : f32 to vector<16xf32>
      %broadcast_in_dim3A_450 = arith.constant 0.000000e+00 : f32
      %broadcast_in_dim3A_451 = vector.broadcast %broadcast_in_dim3A_450 : f32 to vector<16xf32>
      %get3A_452 = arith.index_cast %scan3A_439 : i32 to index
      %get3A_453 = arith.constant 0 : index
      %get3A_454 = tpu.vector_load %arg6[%get3A_452, %get3A_453] {strides = array<i32>} : memref<64x640xf32, #tpu.memory_space<vmem>>, vector<16xf32>,
      %add3A_455 = arith.addf %broadcast_in_dim3A_445, %get3A_454 : vector<16xf32>
      %get3A_456 = arith.index_cast %scan3A_439 : i32 to index
      %get3A_457 = arith.constant 16 : index
      %get3A_458 = tpu.vector_load %arg6[%get3A_456, %get3A_457] {strides = array<i32>} : memref<64x640xf32, #tpu.memory_space<vmem>>, vector<16xf32>,
      %add3A_459 = arith.addf %broadcast_in_dim3A_447, %get3A_458 : vector<16xf32>
      %get3A_460 = arith.index_cast %scan3A_439 : i32 to index
      %get3A_461 = arith.constant 32 : index
      %get3A_462 = tpu.vector_load %arg6[%get3A_460, %get3A_461] {strides = array<i32>} : memref<64x640xf32, #tpu.memory_space<vmem>>, vector<16xf32>,
      %add3A_463 = arith.addf %broadcast_in_dim3A_449, %get3A_462 : vector<16xf32>
      %get3A_464 = arith.index_cast %scan3A_439 : i32 to index
      %get3A_465 = arith.constant 48 : index
      %get3A_466 = tpu.vector_load %arg6[%get3A_464, %get3A_465] {strides = array<i32>} : memref<64x640xf32, #tpu.memory_space<vmem>>, vector<16xf32>,
      %add3A_467 = arith.addf %broadcast_in_dim3A_451, %get3A_466 : vector<16xf32>
      %get3A_468 = arith.index_cast %scan3A_439 : i32 to index
      %get3A_469 = arith.constant 64 : index
      %get3A_470 = tpu.vector_load %arg6[%get3A_468, %get3A_469] {strides = array<i32>} : memref<64x640xf32, #tpu.memory_space<vmem>>, vector<16xf32>,
      %add3A_471 = arith.addf %add3A_455, %get3A_470 : vector<16xf32>
      %get3A_472 = arith.index_cast %scan3A_439 : i32 to index
      %get3A_473 = arith.constant 80 : index
      %get3A_474 = tpu.vector_load %arg6[%get3A_472, %get3A_473] {strides = array<i32>} : memref<64x640xf32, #tpu.memory_space<vmem>>, vector<16xf32>,
      %add3A_475 = arith.addf %add3A_459, %get3A_474 : vector<16xf32>
      %get3A_476 = arith.index_cast %scan3A_439 : i32 to index
      %get3A_477 = arith.constant 96 : index
      %get3A_478 = tpu.vector_load %arg6[%get3A_476, %get3A_477] {strides = array<i32>} : memref<64x640xf32, #tpu.memory_space<vmem>>, vector<16xf32>,
      %add3A_479 = arith.addf %add3A_463, %get3A_478 : vector<16xf32>
      %get3A_480 = arith.index_cast %scan3A_439 : i32 to index
      %get3A_481 = arith.constant 112 : index
      %get3A_482 = tpu.vector_load %arg6[%get3A_480, %get3A_481] {strides = array<i32>} : memref<64x640xf32, #tpu.memory_space<vmem>>, vector<16xf32>,
      %add3A_483 = arith.addf %add3A_467, %get3A_482 : vector<16xf32>
      %get3A_484 = arith.index_cast %scan3A_439 : i32 to index
      %get3A_485 = arith.constant 128 : index
      %get3A_486 = tpu.vector_load %arg6[%get3A_484, %get3A_485] {strides = array<i32>} : memref<64x640xf32, #tpu.memory_space<vmem>>, vector<16xf32>,
      %add3A_487 = arith.addf %add3A_471, %get3A_486 : vector<16xf32>
      %get3A_488 = arith.index_cast %scan3A_439 : i32 to index
      %get3A_489 = arith.constant 144 : index
      %get3A_490 = tpu.vector_load %arg6[%get3A_488, %get3A_489] {strides = array<i32>} : memref<64x640xf32, #tpu.memory_space<vmem>>, vector<16xf32>,
      %add3A_491 = arith.addf %add3A_475, %get3A_490 : vector<16xf32>
      %get3A_492 = arith.index_cast %scan3A_439 : i32 to index
      %get3A_493 = arith.constant 160 : index
      %get3A_494 = tpu.vector_load %arg6[%get3A_492, %get3A_493] {strides = array<i32>} : memref<64x640xf32, #tpu.memory_space<vmem>>, vector<16xf32>,
      %add3A_495 = arith.addf %add3A_479, %get3A_494 : vector<16xf32>
      %get3A_496 = arith.index_cast %scan3A_439 : i32 to index
      %get3A_497 = arith.constant 176 : index
      %get3A_498 = tpu.vector_load %arg6[%get3A_496, %get3A_497] {strides = array<i32>} : memref<64x640xf32, #tpu.memory_space<vmem>>, vector<16xf32>,
      %add3A_499 = arith.addf %add3A_483, %get3A_498 : vector<16xf32>
      %get3A_500 = arith.index_cast %scan3A_439 : i32 to index
      %get3A_501 = arith.constant 192 : index
      %get3A_502 = tpu.vector_load %arg6[%get3A_500, %get3A_501] {strides = array<i32>} : memref<64x640xf32, #tpu.memory_space<vmem>>, vector<16xf32>,
      %add3A_503 = arith.addf %add3A_487, %get3A_502 : vector<16xf32>
      %get3A_504 = arith.index_cast %scan3A_439 : i32 to index
      %get3A_505 = arith.constant 208 : index
      %get3A_506 = tpu.vector_load %arg6[%get3A_504, %get3A_505] {strides = array<i32>} : memref<64x640xf32, #tpu.memory_space<vmem>>, vector<16xf32>,
      %add3A_507 = arith.addf %add3A_491, %get3A_506 : vector<16xf32>
      %get3A_508 = arith.index_cast %scan3A_439 : i32 to index
      %get3A_509 = arith.constant 224 : index
      %get3A_510 = tpu.vector_load %arg6[%get3A_508, %get3A_509] {strides = array<i32>} : memref<64x640xf32, #tpu.memory_space<vmem>>, vector<16xf32>,
      %add3A_511 = arith.addf %add3A_495, %get3A_510 : vector<16xf32>
      %get3A_512 = arith.index_cast %scan3A_439 : i32 to index
      %get3A_513 = arith.constant 240 : index
      %get3A_514 = tpu.vector_load %arg6[%get3A_512, %get3A_513] {strides = array<i32>} : memref<64x640xf32, #tpu.memory_space<vmem>>, vector<16xf32>,
      %add3A_515 = arith.addf %add3A_499, %get3A_514 : vector<16xf32>
      %get3A_516 = arith.index_cast %scan3A_439 : i32 to index
      %get3A_517 = arith.constant 256 : index
      %get3A_518 = tpu.vector_load %arg6[%get3A_516, %get3A_517] {strides = array<i32>} : memref<64x640xf32, #tpu.memory_space<vmem>>, vector<16xf32>,
      %add3A_519 = arith.addf %add3A_503, %get3A_518 : vector<16xf32>
      %get3A_520 = arith.index_cast %scan3A_439 : i32 to index
      %get3A_521 = arith.constant 272 : index
      %get3A_522 = tpu.vector_load %arg6[%get3A_520, %get3A_521] {strides = array<i32>} : memref<64x640xf32, #tpu.memory_space<vmem>>, vector<16xf32>,
      %add3A_523 = arith.addf %add3A_507, %get3A_522 : vector<16xf32>
      %get3A_524 = arith.index_cast %scan3A_439 : i32 to index
      %get3A_525 = arith.constant 288 : index
      %get3A_526 = tpu.vector_load %arg6[%get3A_524, %get3A_525] {strides = array<i32>} : memref<64x640xf32, #tpu.memory_space<vmem>>, vector<16xf32>,
      %add3A_527 = arith.addf %add3A_511, %get3A_526 : vector<16xf32>
      %get3A_528 = arith.index_cast %scan3A_439 : i32 to index
      %get3A_529 = arith.constant 304 : index
      %get3A_530 = tpu.vector_load %arg6[%get3A_528, %get3A_529] {strides = array<i32>} : memref<64x640xf32, #tpu.memory_space<vmem>>, vector<16xf32>,
      %add3A_531 = arith.addf %add3A_515, %get3A_530 : vector<16xf32>
      %get3A_532 = arith.index_cast %scan3A_439 : i32 to index
      %get3A_533 = arith.constant 320 : index
      %get3A_534 = tpu.vector_load %arg6[%get3A_532, %get3A_533] {strides = array<i32>} : memref<64x640xf32, #tpu.memory_space<vmem>>, vector<16xf32>,
      %add3A_535 = arith.addf %add3A_519, %get3A_534 : vector<16xf32>
      %get3A_536 = arith.index_cast %scan3A_439 : i32 to index
      %get3A_537 = arith.constant 336 : index
      %get3A_538 = tpu.vector_load %arg6[%get3A_536, %get3A_537] {strides = array<i32>} : memref<64x640xf32, #tpu.memory_space<vmem>>, vector<16xf32>,
      %add3A_539 = arith.addf %add3A_523, %get3A_538 : vector<16xf32>
      %get3A_540 = arith.index_cast %scan3A_439 : i32 to index
      %get3A_541 = arith.constant 352 : index
      %get3A_542 = tpu.vector_load %arg6[%get3A_540, %get3A_541] {strides = array<i32>} : memref<64x640xf32, #tpu.memory_space<vmem>>, vector<16xf32>,
      %add3A_543 = arith.addf %add3A_527, %get3A_542 : vector<16xf32>
      %get3A_544 = arith.index_cast %scan3A_439 : i32 to index
      %get3A_545 = arith.constant 368 : index
      %get3A_546 = tpu.vector_load %arg6[%get3A_544, %get3A_545] {strides = array<i32>} : memref<64x640xf32, #tpu.memory_space<vmem>>, vector<16xf32>,
      %add3A_547 = arith.addf %add3A_531, %get3A_546 : vector<16xf32>
      %get3A_548 = arith.index_cast %scan3A_439 : i32 to index
      %get3A_549 = arith.constant 384 : index
      %get3A_550 = tpu.vector_load %arg6[%get3A_548, %get3A_549] {strides = array<i32>} : memref<64x640xf32, #tpu.memory_space<vmem>>, vector<16xf32>,
      %add3A_551 = arith.addf %add3A_535, %get3A_550 : vector<16xf32>
      %get3A_552 = arith.index_cast %scan3A_439 : i32 to index
      %get3A_553 = arith.constant 400 : index
      %get3A_554 = tpu.vector_load %arg6[%get3A_552, %get3A_553] {strides = array<i32>} : memref<64x640xf32, #tpu.memory_space<vmem>>, vector<16xf32>,
      %add3A_555 = arith.addf %add3A_539, %get3A_554 : vector<16xf32>
      %get3A_556 = arith.index_cast %scan3A_439 : i32 to index
      %get3A_557 = arith.constant 416 : index
      %get3A_558 = tpu.vector_load %arg6[%get3A_556, %get3A_557] {strides = array<i32>} : memref<64x640xf32, #tpu.memory_space<vmem>>, vector<16xf32>,
      %add3A_559 = arith.addf %add3A_543, %get3A_558 : vector<16xf32>
      %get3A_560 = arith.index_cast %scan3A_439 : i32 to index
      %get3A_561 = arith.constant 432 : index
      %get3A_562 = tpu.vector_load %arg6[%get3A_560, %get3A_561] {strides = array<i32>} : memref<64x640xf32, #tpu.memory_space<vmem>>, vector<16xf32>,
      %add3A_563 = arith.addf %add3A_547, %get3A_562 : vector<16xf32>
      %get3A_564 = arith.index_cast %scan3A_439 : i32 to index
      %get3A_565 = arith.constant 448 : index
      %get3A_566 = tpu.vector_load %arg6[%get3A_564, %get3A_565] {strides = array<i32>} : memref<64x640xf32, #tpu.memory_space<vmem>>, vector<16xf32>,
      %add3A_567 = arith.addf %add3A_551, %get3A_566 : vector<16xf32>
      %get3A_568 = arith.index_cast %scan3A_439 : i32 to index
      %get3A_569 = arith.constant 464 : index
      %get3A_570 = tpu.vector_load %arg6[%get3A_568, %get3A_569] {strides = array<i32>} : memref<64x640xf32, #tpu.memory_space<vmem>>, vector<16xf32>,
      %add3A_571 = arith.addf %add3A_555, %get3A_570 : vector<16xf32>
      %get3A_572 = arith.index_cast %scan3A_439 : i32 to index
      %get3A_573 = arith.constant 480 : index
      %get3A_574 = tpu.vector_load %arg6[%get3A_572, %get3A_573] {strides = array<i32>} : memref<64x640xf32, #tpu.memory_space<vmem>>, vector<16xf32>,
      %add3A_575 = arith.addf %add3A_559, %get3A_574 : vector<16xf32>
      %get3A_576 = arith.index_cast %scan3A_439 : i32 to index
      %get3A_577 = arith.constant 496 : index
      %get3A_578 = tpu.vector_load %arg6[%get3A_576, %get3A_577] {strides = array<i32>} : memref<64x640xf32, #tpu.memory_space<vmem>>, vector<16xf32>,
      %add3A_579 = arith.addf %add3A_563, %get3A_578 : vector<16xf32>
      %get3A_580 = arith.index_cast %scan3A_439 : i32 to index
      %get3A_581 = arith.constant 512 : index
      %get3A_582 = tpu.vector_load %arg6[%get3A_580, %get3A_581] {strides = array<i32>} : memref<64x640xf32, #tpu.memory_space<vmem>>, vector<16xf32>,
      %add3A_583 = arith.addf %add3A_567, %get3A_582 : vector<16xf32>
      %get3A_584 = arith.index_cast %scan3A_439 : i32 to index
      %get3A_585 = arith.constant 528 : index
      %get3A_586 = tpu.vector_load %arg6[%get3A_584, %get3A_585] {strides = array<i32>} : memref<64x640xf32, #tpu.memory_space<vmem>>, vector<16xf32>,
      %add3A_587 = arith.addf %add3A_571, %get3A_586 : vector<16xf32>
      %get3A_588 = arith.index_cast %scan3A_439 : i32 to index
      %get3A_589 = arith.constant 544 : index
      %get3A_590 = tpu.vector_load %arg6[%get3A_588, %get3A_589] {strides = array<i32>} : memref<64x640xf32, #tpu.memory_space<vmem>>, vector<16xf32>,
      %add3A_591 = arith.addf %add3A_575, %get3A_590 : vector<16xf32>
      %get3A_592 = arith.index_cast %scan3A_439 : i32 to index
      %get3A_593 = arith.constant 560 : index
      %get3A_594 = tpu.vector_load %arg6[%get3A_592, %get3A_593] {strides = array<i32>} : memref<64x640xf32, #tpu.memory_space<vmem>>, vector<16xf32>,
      %add3A_595 = arith.addf %add3A_579, %get3A_594 : vector<16xf32>
      %get3A_596 = arith.index_cast %scan3A_439 : i32 to index
      %get3A_597 = arith.constant 576 : index
      %get3A_598 = tpu.vector_load %arg6[%get3A_596, %get3A_597] {strides = array<i32>} : memref<64x640xf32, #tpu.memory_space<vmem>>, vector<16xf32>,
      %add3A_599 = arith.addf %add3A_583, %get3A_598 : vector<16xf32>
      %get3A_600 = arith.index_cast %scan3A_439 : i32 to index
      %get3A_601 = arith.constant 592 : index
      %get3A_602 = tpu.vector_load %arg6[%get3A_600, %get3A_601] {strides = array<i32>} : memref<64x640xf32, #tpu.memory_space<vmem>>, vector<16xf32>,
      %add3A_603 = arith.addf %add3A_587, %get3A_602 : vector<16xf32>
      %get3A_604 = arith.index_cast %scan3A_439 : i32 to index
      %get3A_605 = arith.constant 608 : index
      %get3A_606 = tpu.vector_load %arg6[%get3A_604, %get3A_605] {strides = array<i32>} : memref<64x640xf32, #tpu.memory_space<vmem>>, vector<16xf32>,
      %add3A_607 = arith.addf %add3A_591, %get3A_606 : vector<16xf32>
      %get3A_608 = arith.index_cast %scan3A_439 : i32 to index
      %get3A_609 = arith.constant 624 : index
      %get3A_610 = tpu.vector_load %arg6[%get3A_608, %get3A_609] {strides = array<i32>} : memref<64x640xf32, #tpu.memory_space<vmem>>, vector<16xf32>,
      %add3A_611 = arith.addf %add3A_595, %get3A_610 : vector<16xf32>
      %add3A_612 = arith.addf %add3A_599, %add3A_603 : vector<16xf32>
      %add3A_613 = arith.addf %add3A_607, %add3A_611 : vector<16xf32>
      %add3A_614 = arith.addf %add3A_612, %add3A_613 : vector<16xf32>
      %mul3A_615 = arith.mulf %add3A_614, %gather3A : vector<16xf32>
      %add3A_616 = arith.addf %scan3A_440, %mul3A_615 : vector<16xf32>
      scf.yield %add3A_616 : vector<16xf32>
    }
    %scan3A_363 = arith.constant 64 : i32
    %add3A_364 = arith.constant 192 : i32
    %add3A_365 = arith.addi %mul3A_32, %add3A_364 : i32
    %dma_wait3A_366 = arith.constant 1 : i32
    %dma_wait3A_367 = arith.constant 0 : i32
    %dma_wait3A_368 = tpu.memref_slice %arg4[%select_n3A, %add3A_365, %dma_wait3A_367] : memref<16x2048x640xf32, #tpu.memory_space<hbm>> -> memref<1x64x640xf32, #tpu.memory_space<hbm>>
    %dma_wait3A_369 = tpu.memref_squeeze %dma_wait3A_368 : memref<1x64x640xf32, #tpu.memory_space<hbm>> -> memref<64x640xf32, #tpu.memory_space<hbm>>
    %dma_wait3A_370 = tpu.memref_slice %arg12[%dma_wait3A_366] : memref<2x!tpu.dma_semaphore, #tpu.memory_space<semaphore_mem>> -> memref<1x!tpu.dma_semaphore, #tpu.memory_space<semaphore_mem>>
    %dma_wait3A_371 = tpu.memref_squeeze %dma_wait3A_370 : memref<1x!tpu.dma_semaphore, #tpu.memory_space<semaphore_mem>> -> memref<!tpu.dma_semaphore, #tpu.memory_space<semaphore_mem>>
    %dma_wait3A_372 = arith.constant 0 : i32
    %dma_wait3A_373 = tpu.memref_slice %arg4[%select_n3A, %add3A_365, %dma_wait3A_372] : memref<16x2048x640xf32, #tpu.memory_space<hbm>> -> memref<1x64x640xf32, #tpu.memory_space<hbm>>
    %dma_wait3A_374 = tpu.memref_squeeze %dma_wait3A_373 : memref<1x64x640xf32, #tpu.memory_space<hbm>> -> memref<64x640xf32, #tpu.memory_space<hbm>>
    tpu.wait_dma2 semaphore(%dma_wait3A_371 : memref<!tpu.dma_semaphore, #tpu.memory_space<semaphore_mem>>) src(%dma_wait3A_374 : memref<64x640xf32, #tpu.memory_space<hbm>>) dst(%arg7 : memref<64x640xf32, #tpu.memory_space<vmem>>)
    %add3A_375 = arith.constant 256 : i32
    %add3A_376 = arith.addi %mul3A_32, %add3A_375 : i32
    %dma_start3A_377 = arith.constant 0 : i32
    %dma_start3A_378 = arith.constant 0 : i32
    %dma_start3A_379 = tpu.memref_slice %arg4[%select_n3A, %add3A_376, %dma_start3A_378] : memref<16x2048x640xf32, #tpu.memory_space<hbm>> -> memref<1x64x640xf32, #tpu.memory_space<hbm>>
    %dma_start3A_380 = tpu.memref_squeeze %dma_start3A_379 : memref<1x64x640xf32, #tpu.memory_space<hbm>> -> memref<64x640xf32, #tpu.memory_space<hbm>>
    %dma_start3A_381 = tpu.memref_slice %arg12[%dma_start3A_377] : memref<2x!tpu.dma_semaphore, #tpu.memory_space<semaphore_mem>> -> memref<1x!tpu.dma_semaphore, #tpu.memory_space<semaphore_mem>>
    %dma_start3A_382 = tpu.memref_squeeze %dma_start3A_381 : memref<1x!tpu.dma_semaphore, #tpu.memory_space<semaphore_mem>> -> memref<!tpu.dma_semaphore, #tpu.memory_space<semaphore_mem>>
    %dma_start3A_383 = arith.constant 0 : i32
    %dma_start3A_384 = tpu.memref_slice %arg4[%select_n3A, %add3A_376, %dma_start3A_383] : memref<16x2048x640xf32, #tpu.memory_space<hbm>> -> memref<1x64x640xf32, #tpu.memory_space<hbm>>
    %dma_start3A_385 = tpu.memref_squeeze %dma_start3A_384 : memref<1x64x640xf32, #tpu.memory_space<hbm>> -> memref<64x640xf32, #tpu.memory_space<hbm>>
    tpu.enqueue_dma source(%dma_start3A_385 : memref<64x640xf32, #tpu.memory_space<hbm>>) target(%arg6 : memref<64x640xf32, #tpu.memory_space<vmem>>) target_semaphore(%dma_start3A_382 : memref<!tpu.dma_semaphore, #tpu.memory_space<semaphore_mem>>)
    %scan3A_386 = arith.constant 0 : i32
    %scan3A_387 = arith.constant 64 : i32
    %scan3A_388 = arith.addi %scan3A_386, %scan3A_387 : i32
    %scan3A_389 = arith.constant 1 : i32
    %scan3A_390 = scf.for %scan3A_439 = %scan3A_386 to %scan3A_388 step %scan3A_389 iter_args(%scan3A_440 = %scan3A_362) -> (vector<16xf32>)  : i32 {
      %add3A_441 = arith.constant 192 : i32
      %add3A_442 = arith.addi %add3A_441, %scan3A_439 : i32
      %broadcast_in_dim3A_443 = vector.broadcast %add3A_442 : i32 to vector<16xi32>
      %gather3A = tpu.vector_load_idx %arg10[%broadcast_in_dim3A_443] : memref<384xf32, #tpu.memory_space<vmem>>[vector<16xi32>], vector<16xf32>,
      %broadcast_in_dim3A_444 = arith.constant 0.000000e+00 : f32
      %broadcast_in_dim3A_445 = vector.broadcast %broadcast_in_dim3A_444 : f32 to vector<16xf32>
      %broadcast_in_dim3A_446 = arith.constant 0.000000e+00 : f32
      %broadcast_in_dim3A_447 = vector.broadcast %broadcast_in_dim3A_446 : f32 to vector<16xf32>
      %broadcast_in_dim3A_448 = arith.constant 0.000000e+00 : f32
      %broadcast_in_dim3A_449 = vector.broadcast %broadcast_in_dim3A_448 : f32 to vector<16xf32>
      %broadcast_in_dim3A_450 = arith.constant 0.000000e+00 : f32
      %broadcast_in_dim3A_451 = vector.broadcast %broadcast_in_dim3A_450 : f32 to vector<16xf32>
      %get3A_452 = arith.index_cast %scan3A_439 : i32 to index
      %get3A_453 = arith.constant 0 : index
      %get3A_454 = tpu.vector_load %arg7[%get3A_452, %get3A_453] {strides = array<i32>} : memref<64x640xf32, #tpu.memory_space<vmem>>, vector<16xf32>,
      %add3A_455 = arith.addf %broadcast_in_dim3A_445, %get3A_454 : vector<16xf32>
      %get3A_456 = arith.index_cast %scan3A_439 : i32 to index
      %get3A_457 = arith.constant 16 : index
      %get3A_458 = tpu.vector_load %arg7[%get3A_456, %get3A_457] {strides = array<i32>} : memref<64x640xf32, #tpu.memory_space<vmem>>, vector<16xf32>,
      %add3A_459 = arith.addf %broadcast_in_dim3A_447, %get3A_458 : vector<16xf32>
      %get3A_460 = arith.index_cast %scan3A_439 : i32 to index
      %get3A_461 = arith.constant 32 : index
      %get3A_462 = tpu.vector_load %arg7[%get3A_460, %get3A_461] {strides = array<i32>} : memref<64x640xf32, #tpu.memory_space<vmem>>, vector<16xf32>,
      %add3A_463 = arith.addf %broadcast_in_dim3A_449, %get3A_462 : vector<16xf32>
      %get3A_464 = arith.index_cast %scan3A_439 : i32 to index
      %get3A_465 = arith.constant 48 : index
      %get3A_466 = tpu.vector_load %arg7[%get3A_464, %get3A_465] {strides = array<i32>} : memref<64x640xf32, #tpu.memory_space<vmem>>, vector<16xf32>,
      %add3A_467 = arith.addf %broadcast_in_dim3A_451, %get3A_466 : vector<16xf32>
      %get3A_468 = arith.index_cast %scan3A_439 : i32 to index
      %get3A_469 = arith.constant 64 : index
      %get3A_470 = tpu.vector_load %arg7[%get3A_468, %get3A_469] {strides = array<i32>} : memref<64x640xf32, #tpu.memory_space<vmem>>, vector<16xf32>,
      %add3A_471 = arith.addf %add3A_455, %get3A_470 : vector<16xf32>
      %get3A_472 = arith.index_cast %scan3A_439 : i32 to index
      %get3A_473 = arith.constant 80 : index
      %get3A_474 = tpu.vector_load %arg7[%get3A_472, %get3A_473] {strides = array<i32>} : memref<64x640xf32, #tpu.memory_space<vmem>>, vector<16xf32>,
      %add3A_475 = arith.addf %add3A_459, %get3A_474 : vector<16xf32>
      %get3A_476 = arith.index_cast %scan3A_439 : i32 to index
      %get3A_477 = arith.constant 96 : index
      %get3A_478 = tpu.vector_load %arg7[%get3A_476, %get3A_477] {strides = array<i32>} : memref<64x640xf32, #tpu.memory_space<vmem>>, vector<16xf32>,
      %add3A_479 = arith.addf %add3A_463, %get3A_478 : vector<16xf32>
      %get3A_480 = arith.index_cast %scan3A_439 : i32 to index
      %get3A_481 = arith.constant 112 : index
      %get3A_482 = tpu.vector_load %arg7[%get3A_480, %get3A_481] {strides = array<i32>} : memref<64x640xf32, #tpu.memory_space<vmem>>, vector<16xf32>,
      %add3A_483 = arith.addf %add3A_467, %get3A_482 : vector<16xf32>
      %get3A_484 = arith.index_cast %scan3A_439 : i32 to index
      %get3A_485 = arith.constant 128 : index
      %get3A_486 = tpu.vector_load %arg7[%get3A_484, %get3A_485] {strides = array<i32>} : memref<64x640xf32, #tpu.memory_space<vmem>>, vector<16xf32>,
      %add3A_487 = arith.addf %add3A_471, %get3A_486 : vector<16xf32>
      %get3A_488 = arith.index_cast %scan3A_439 : i32 to index
      %get3A_489 = arith.constant 144 : index
      %get3A_490 = tpu.vector_load %arg7[%get3A_488, %get3A_489] {strides = array<i32>} : memref<64x640xf32, #tpu.memory_space<vmem>>, vector<16xf32>,
      %add3A_491 = arith.addf %add3A_475, %get3A_490 : vector<16xf32>
      %get3A_492 = arith.index_cast %scan3A_439 : i32 to index
      %get3A_493 = arith.constant 160 : index
      %get3A_494 = tpu.vector_load %arg7[%get3A_492, %get3A_493] {strides = array<i32>} : memref<64x640xf32, #tpu.memory_space<vmem>>, vector<16xf32>,
      %add3A_495 = arith.addf %add3A_479, %get3A_494 : vector<16xf32>
      %get3A_496 = arith.index_cast %scan3A_439 : i32 to index
      %get3A_497 = arith.constant 176 : index
      %get3A_498 = tpu.vector_load %arg7[%get3A_496, %get3A_497] {strides = array<i32>} : memref<64x640xf32, #tpu.memory_space<vmem>>, vector<16xf32>,
      %add3A_499 = arith.addf %add3A_483, %get3A_498 : vector<16xf32>
      %get3A_500 = arith.index_cast %scan3A_439 : i32 to index
      %get3A_501 = arith.constant 192 : index
      %get3A_502 = tpu.vector_load %arg7[%get3A_500, %get3A_501] {strides = array<i32>} : memref<64x640xf32, #tpu.memory_space<vmem>>, vector<16xf32>,
      %add3A_503 = arith.addf %add3A_487, %get3A_502 : vector<16xf32>
      %get3A_504 = arith.index_cast %scan3A_439 : i32 to index
      %get3A_505 = arith.constant 208 : index
      %get3A_506 = tpu.vector_load %arg7[%get3A_504, %get3A_505] {strides = array<i32>} : memref<64x640xf32, #tpu.memory_space<vmem>>, vector<16xf32>,
      %add3A_507 = arith.addf %add3A_491, %get3A_506 : vector<16xf32>
      %get3A_508 = arith.index_cast %scan3A_439 : i32 to index
      %get3A_509 = arith.constant 224 : index
      %get3A_510 = tpu.vector_load %arg7[%get3A_508, %get3A_509] {strides = array<i32>} : memref<64x640xf32, #tpu.memory_space<vmem>>, vector<16xf32>,
      %add3A_511 = arith.addf %add3A_495, %get3A_510 : vector<16xf32>
      %get3A_512 = arith.index_cast %scan3A_439 : i32 to index
      %get3A_513 = arith.constant 240 : index
      %get3A_514 = tpu.vector_load %arg7[%get3A_512, %get3A_513] {strides = array<i32>} : memref<64x640xf32, #tpu.memory_space<vmem>>, vector<16xf32>,
      %add3A_515 = arith.addf %add3A_499, %get3A_514 : vector<16xf32>
      %get3A_516 = arith.index_cast %scan3A_439 : i32 to index
      %get3A_517 = arith.constant 256 : index
      %get3A_518 = tpu.vector_load %arg7[%get3A_516, %get3A_517] {strides = array<i32>} : memref<64x640xf32, #tpu.memory_space<vmem>>, vector<16xf32>,
      %add3A_519 = arith.addf %add3A_503, %get3A_518 : vector<16xf32>
      %get3A_520 = arith.index_cast %scan3A_439 : i32 to index
      %get3A_521 = arith.constant 272 : index
      %get3A_522 = tpu.vector_load %arg7[%get3A_520, %get3A_521] {strides = array<i32>} : memref<64x640xf32, #tpu.memory_space<vmem>>, vector<16xf32>,
      %add3A_523 = arith.addf %add3A_507, %get3A_522 : vector<16xf32>
      %get3A_524 = arith.index_cast %scan3A_439 : i32 to index
      %get3A_525 = arith.constant 288 : index
      %get3A_526 = tpu.vector_load %arg7[%get3A_524, %get3A_525] {strides = array<i32>} : memref<64x640xf32, #tpu.memory_space<vmem>>, vector<16xf32>,
      %add3A_527 = arith.addf %add3A_511, %get3A_526 : vector<16xf32>
      %get3A_528 = arith.index_cast %scan3A_439 : i32 to index
      %get3A_529 = arith.constant 304 : index
      %get3A_530 = tpu.vector_load %arg7[%get3A_528, %get3A_529] {strides = array<i32>} : memref<64x640xf32, #tpu.memory_space<vmem>>, vector<16xf32>,
      %add3A_531 = arith.addf %add3A_515, %get3A_530 : vector<16xf32>
      %get3A_532 = arith.index_cast %scan3A_439 : i32 to index
      %get3A_533 = arith.constant 320 : index
      %get3A_534 = tpu.vector_load %arg7[%get3A_532, %get3A_533] {strides = array<i32>} : memref<64x640xf32, #tpu.memory_space<vmem>>, vector<16xf32>,
      %add3A_535 = arith.addf %add3A_519, %get3A_534 : vector<16xf32>
      %get3A_536 = arith.index_cast %scan3A_439 : i32 to index
      %get3A_537 = arith.constant 336 : index
      %get3A_538 = tpu.vector_load %arg7[%get3A_536, %get3A_537] {strides = array<i32>} : memref<64x640xf32, #tpu.memory_space<vmem>>, vector<16xf32>,
      %add3A_539 = arith.addf %add3A_523, %get3A_538 : vector<16xf32>
      %get3A_540 = arith.index_cast %scan3A_439 : i32 to index
      %get3A_541 = arith.constant 352 : index
      %get3A_542 = tpu.vector_load %arg7[%get3A_540, %get3A_541] {strides = array<i32>} : memref<64x640xf32, #tpu.memory_space<vmem>>, vector<16xf32>,
      %add3A_543 = arith.addf %add3A_527, %get3A_542 : vector<16xf32>
      %get3A_544 = arith.index_cast %scan3A_439 : i32 to index
      %get3A_545 = arith.constant 368 : index
      %get3A_546 = tpu.vector_load %arg7[%get3A_544, %get3A_545] {strides = array<i32>} : memref<64x640xf32, #tpu.memory_space<vmem>>, vector<16xf32>,
      %add3A_547 = arith.addf %add3A_531, %get3A_546 : vector<16xf32>
      %get3A_548 = arith.index_cast %scan3A_439 : i32 to index
      %get3A_549 = arith.constant 384 : index
      %get3A_550 = tpu.vector_load %arg7[%get3A_548, %get3A_549] {strides = array<i32>} : memref<64x640xf32, #tpu.memory_space<vmem>>, vector<16xf32>,
      %add3A_551 = arith.addf %add3A_535, %get3A_550 : vector<16xf32>
      %get3A_552 = arith.index_cast %scan3A_439 : i32 to index
      %get3A_553 = arith.constant 400 : index
      %get3A_554 = tpu.vector_load %arg7[%get3A_552, %get3A_553] {strides = array<i32>} : memref<64x640xf32, #tpu.memory_space<vmem>>, vector<16xf32>,
      %add3A_555 = arith.addf %add3A_539, %get3A_554 : vector<16xf32>
      %get3A_556 = arith.index_cast %scan3A_439 : i32 to index
      %get3A_557 = arith.constant 416 : index
      %get3A_558 = tpu.vector_load %arg7[%get3A_556, %get3A_557] {strides = array<i32>} : memref<64x640xf32, #tpu.memory_space<vmem>>, vector<16xf32>,
      %add3A_559 = arith.addf %add3A_543, %get3A_558 : vector<16xf32>
      %get3A_560 = arith.index_cast %scan3A_439 : i32 to index
      %get3A_561 = arith.constant 432 : index
      %get3A_562 = tpu.vector_load %arg7[%get3A_560, %get3A_561] {strides = array<i32>} : memref<64x640xf32, #tpu.memory_space<vmem>>, vector<16xf32>,
      %add3A_563 = arith.addf %add3A_547, %get3A_562 : vector<16xf32>
      %get3A_564 = arith.index_cast %scan3A_439 : i32 to index
      %get3A_565 = arith.constant 448 : index
      %get3A_566 = tpu.vector_load %arg7[%get3A_564, %get3A_565] {strides = array<i32>} : memref<64x640xf32, #tpu.memory_space<vmem>>, vector<16xf32>,
      %add3A_567 = arith.addf %add3A_551, %get3A_566 : vector<16xf32>
      %get3A_568 = arith.index_cast %scan3A_439 : i32 to index
      %get3A_569 = arith.constant 464 : index
      %get3A_570 = tpu.vector_load %arg7[%get3A_568, %get3A_569] {strides = array<i32>} : memref<64x640xf32, #tpu.memory_space<vmem>>, vector<16xf32>,
      %add3A_571 = arith.addf %add3A_555, %get3A_570 : vector<16xf32>
      %get3A_572 = arith.index_cast %scan3A_439 : i32 to index
      %get3A_573 = arith.constant 480 : index
      %get3A_574 = tpu.vector_load %arg7[%get3A_572, %get3A_573] {strides = array<i32>} : memref<64x640xf32, #tpu.memory_space<vmem>>, vector<16xf32>,
      %add3A_575 = arith.addf %add3A_559, %get3A_574 : vector<16xf32>
      %get3A_576 = arith.index_cast %scan3A_439 : i32 to index
      %get3A_577 = arith.constant 496 : index
      %get3A_578 = tpu.vector_load %arg7[%get3A_576, %get3A_577] {strides = array<i32>} : memref<64x640xf32, #tpu.memory_space<vmem>>, vector<16xf32>,
      %add3A_579 = arith.addf %add3A_563, %get3A_578 : vector<16xf32>
      %get3A_580 = arith.index_cast %scan3A_439 : i32 to index
      %get3A_581 = arith.constant 512 : index
      %get3A_582 = tpu.vector_load %arg7[%get3A_580, %get3A_581] {strides = array<i32>} : memref<64x640xf32, #tpu.memory_space<vmem>>, vector<16xf32>,
      %add3A_583 = arith.addf %add3A_567, %get3A_582 : vector<16xf32>
      %get3A_584 = arith.index_cast %scan3A_439 : i32 to index
      %get3A_585 = arith.constant 528 : index
      %get3A_586 = tpu.vector_load %arg7[%get3A_584, %get3A_585] {strides = array<i32>} : memref<64x640xf32, #tpu.memory_space<vmem>>, vector<16xf32>,
      %add3A_587 = arith.addf %add3A_571, %get3A_586 : vector<16xf32>
      %get3A_588 = arith.index_cast %scan3A_439 : i32 to index
      %get3A_589 = arith.constant 544 : index
      %get3A_590 = tpu.vector_load %arg7[%get3A_588, %get3A_589] {strides = array<i32>} : memref<64x640xf32, #tpu.memory_space<vmem>>, vector<16xf32>,
      %add3A_591 = arith.addf %add3A_575, %get3A_590 : vector<16xf32>
      %get3A_592 = arith.index_cast %scan3A_439 : i32 to index
      %get3A_593 = arith.constant 560 : index
      %get3A_594 = tpu.vector_load %arg7[%get3A_592, %get3A_593] {strides = array<i32>} : memref<64x640xf32, #tpu.memory_space<vmem>>, vector<16xf32>,
      %add3A_595 = arith.addf %add3A_579, %get3A_594 : vector<16xf32>
      %get3A_596 = arith.index_cast %scan3A_439 : i32 to index
      %get3A_597 = arith.constant 576 : index
      %get3A_598 = tpu.vector_load %arg7[%get3A_596, %get3A_597] {strides = array<i32>} : memref<64x640xf32, #tpu.memory_space<vmem>>, vector<16xf32>,
      %add3A_599 = arith.addf %add3A_583, %get3A_598 : vector<16xf32>
      %get3A_600 = arith.index_cast %scan3A_439 : i32 to index
      %get3A_601 = arith.constant 592 : index
      %get3A_602 = tpu.vector_load %arg7[%get3A_600, %get3A_601] {strides = array<i32>} : memref<64x640xf32, #tpu.memory_space<vmem>>, vector<16xf32>,
      %add3A_603 = arith.addf %add3A_587, %get3A_602 : vector<16xf32>
      %get3A_604 = arith.index_cast %scan3A_439 : i32 to index
      %get3A_605 = arith.constant 608 : index
      %get3A_606 = tpu.vector_load %arg7[%get3A_604, %get3A_605] {strides = array<i32>} : memref<64x640xf32, #tpu.memory_space<vmem>>, vector<16xf32>,
      %add3A_607 = arith.addf %add3A_591, %get3A_606 : vector<16xf32>
      %get3A_608 = arith.index_cast %scan3A_439 : i32 to index
      %get3A_609 = arith.constant 624 : index
      %get3A_610 = tpu.vector_load %arg7[%get3A_608, %get3A_609] {strides = array<i32>} : memref<64x640xf32, #tpu.memory_space<vmem>>, vector<16xf32>,
      %add3A_611 = arith.addf %add3A_595, %get3A_610 : vector<16xf32>
      %add3A_612 = arith.addf %add3A_599, %add3A_603 : vector<16xf32>
      %add3A_613 = arith.addf %add3A_607, %add3A_611 : vector<16xf32>
      %add3A_614 = arith.addf %add3A_612, %add3A_613 : vector<16xf32>
      %mul3A_615 = arith.mulf %add3A_614, %gather3A : vector<16xf32>
      %add3A_616 = arith.addf %scan3A_440, %mul3A_615 : vector<16xf32>
      scf.yield %add3A_616 : vector<16xf32>
    }
    %scan3A_391 = arith.constant 64 : i32
    %add3A_392 = arith.constant 256 : i32
    %add3A_393 = arith.addi %mul3A_32, %add3A_392 : i32
    %dma_wait3A_394 = arith.constant 0 : i32
    %dma_wait3A_395 = arith.constant 0 : i32
    %dma_wait3A_396 = tpu.memref_slice %arg4[%select_n3A, %add3A_393, %dma_wait3A_395] : memref<16x2048x640xf32, #tpu.memory_space<hbm>> -> memref<1x64x640xf32, #tpu.memory_space<hbm>>
    %dma_wait3A_397 = tpu.memref_squeeze %dma_wait3A_396 : memref<1x64x640xf32, #tpu.memory_space<hbm>> -> memref<64x640xf32, #tpu.memory_space<hbm>>
    %dma_wait3A_398 = tpu.memref_slice %arg12[%dma_wait3A_394] : memref<2x!tpu.dma_semaphore, #tpu.memory_space<semaphore_mem>> -> memref<1x!tpu.dma_semaphore, #tpu.memory_space<semaphore_mem>>
    %dma_wait3A_399 = tpu.memref_squeeze %dma_wait3A_398 : memref<1x!tpu.dma_semaphore, #tpu.memory_space<semaphore_mem>> -> memref<!tpu.dma_semaphore, #tpu.memory_space<semaphore_mem>>
    %dma_wait3A_400 = arith.constant 0 : i32
    %dma_wait3A_401 = tpu.memref_slice %arg4[%select_n3A, %add3A_393, %dma_wait3A_400] : memref<16x2048x640xf32, #tpu.memory_space<hbm>> -> memref<1x64x640xf32, #tpu.memory_space<hbm>>
    %dma_wait3A_402 = tpu.memref_squeeze %dma_wait3A_401 : memref<1x64x640xf32, #tpu.memory_space<hbm>> -> memref<64x640xf32, #tpu.memory_space<hbm>>
    tpu.wait_dma2 semaphore(%dma_wait3A_399 : memref<!tpu.dma_semaphore, #tpu.memory_space<semaphore_mem>>) src(%dma_wait3A_402 : memref<64x640xf32, #tpu.memory_space<hbm>>) dst(%arg6 : memref<64x640xf32, #tpu.memory_space<vmem>>)
    %add3A_403 = arith.constant 320 : i32
    %add3A_404 = arith.addi %mul3A_32, %add3A_403 : i32
    %dma_start3A_405 = arith.constant 1 : i32
    %dma_start3A_406 = arith.constant 0 : i32
    %dma_start3A_407 = tpu.memref_slice %arg4[%select_n3A, %add3A_404, %dma_start3A_406] : memref<16x2048x640xf32, #tpu.memory_space<hbm>> -> memref<1x64x640xf32, #tpu.memory_space<hbm>>
    %dma_start3A_408 = tpu.memref_squeeze %dma_start3A_407 : memref<1x64x640xf32, #tpu.memory_space<hbm>> -> memref<64x640xf32, #tpu.memory_space<hbm>>
    %dma_start3A_409 = tpu.memref_slice %arg12[%dma_start3A_405] : memref<2x!tpu.dma_semaphore, #tpu.memory_space<semaphore_mem>> -> memref<1x!tpu.dma_semaphore, #tpu.memory_space<semaphore_mem>>
    %dma_start3A_410 = tpu.memref_squeeze %dma_start3A_409 : memref<1x!tpu.dma_semaphore, #tpu.memory_space<semaphore_mem>> -> memref<!tpu.dma_semaphore, #tpu.memory_space<semaphore_mem>>
    %dma_start3A_411 = arith.constant 0 : i32
    %dma_start3A_412 = tpu.memref_slice %arg4[%select_n3A, %add3A_404, %dma_start3A_411] : memref<16x2048x640xf32, #tpu.memory_space<hbm>> -> memref<1x64x640xf32, #tpu.memory_space<hbm>>
    %dma_start3A_413 = tpu.memref_squeeze %dma_start3A_412 : memref<1x64x640xf32, #tpu.memory_space<hbm>> -> memref<64x640xf32, #tpu.memory_space<hbm>>
    tpu.enqueue_dma source(%dma_start3A_413 : memref<64x640xf32, #tpu.memory_space<hbm>>) target(%arg7 : memref<64x640xf32, #tpu.memory_space<vmem>>) target_semaphore(%dma_start3A_410 : memref<!tpu.dma_semaphore, #tpu.memory_space<semaphore_mem>>)
    %scan3A_414 = arith.constant 0 : i32
    %scan3A_415 = arith.constant 64 : i32
    %scan3A_416 = arith.addi %scan3A_414, %scan3A_415 : i32
    %scan3A_417 = arith.constant 1 : i32
    %scan3A_418 = scf.for %scan3A_439 = %scan3A_414 to %scan3A_416 step %scan3A_417 iter_args(%scan3A_440 = %scan3A_390) -> (vector<16xf32>)  : i32 {
      %add3A_441 = arith.constant 256 : i32
      %add3A_442 = arith.addi %add3A_441, %scan3A_439 : i32
      %broadcast_in_dim3A_443 = vector.broadcast %add3A_442 : i32 to vector<16xi32>
      %gather3A = tpu.vector_load_idx %arg10[%broadcast_in_dim3A_443] : memref<384xf32, #tpu.memory_space<vmem>>[vector<16xi32>], vector<16xf32>,
      %broadcast_in_dim3A_444 = arith.constant 0.000000e+00 : f32
      %broadcast_in_dim3A_445 = vector.broadcast %broadcast_in_dim3A_444 : f32 to vector<16xf32>
      %broadcast_in_dim3A_446 = arith.constant 0.000000e+00 : f32
      %broadcast_in_dim3A_447 = vector.broadcast %broadcast_in_dim3A_446 : f32 to vector<16xf32>
      %broadcast_in_dim3A_448 = arith.constant 0.000000e+00 : f32
      %broadcast_in_dim3A_449 = vector.broadcast %broadcast_in_dim3A_448 : f32 to vector<16xf32>
      %broadcast_in_dim3A_450 = arith.constant 0.000000e+00 : f32
      %broadcast_in_dim3A_451 = vector.broadcast %broadcast_in_dim3A_450 : f32 to vector<16xf32>
      %get3A_452 = arith.index_cast %scan3A_439 : i32 to index
      %get3A_453 = arith.constant 0 : index
      %get3A_454 = tpu.vector_load %arg6[%get3A_452, %get3A_453] {strides = array<i32>} : memref<64x640xf32, #tpu.memory_space<vmem>>, vector<16xf32>,
      %add3A_455 = arith.addf %broadcast_in_dim3A_445, %get3A_454 : vector<16xf32>
      %get3A_456 = arith.index_cast %scan3A_439 : i32 to index
      %get3A_457 = arith.constant 16 : index
      %get3A_458 = tpu.vector_load %arg6[%get3A_456, %get3A_457] {strides = array<i32>} : memref<64x640xf32, #tpu.memory_space<vmem>>, vector<16xf32>,
      %add3A_459 = arith.addf %broadcast_in_dim3A_447, %get3A_458 : vector<16xf32>
      %get3A_460 = arith.index_cast %scan3A_439 : i32 to index
      %get3A_461 = arith.constant 32 : index
      %get3A_462 = tpu.vector_load %arg6[%get3A_460, %get3A_461] {strides = array<i32>} : memref<64x640xf32, #tpu.memory_space<vmem>>, vector<16xf32>,
      %add3A_463 = arith.addf %broadcast_in_dim3A_449, %get3A_462 : vector<16xf32>
      %get3A_464 = arith.index_cast %scan3A_439 : i32 to index
      %get3A_465 = arith.constant 48 : index
      %get3A_466 = tpu.vector_load %arg6[%get3A_464, %get3A_465] {strides = array<i32>} : memref<64x640xf32, #tpu.memory_space<vmem>>, vector<16xf32>,
      %add3A_467 = arith.addf %broadcast_in_dim3A_451, %get3A_466 : vector<16xf32>
      %get3A_468 = arith.index_cast %scan3A_439 : i32 to index
      %get3A_469 = arith.constant 64 : index
      %get3A_470 = tpu.vector_load %arg6[%get3A_468, %get3A_469] {strides = array<i32>} : memref<64x640xf32, #tpu.memory_space<vmem>>, vector<16xf32>,
      %add3A_471 = arith.addf %add3A_455, %get3A_470 : vector<16xf32>
      %get3A_472 = arith.index_cast %scan3A_439 : i32 to index
      %get3A_473 = arith.constant 80 : index
      %get3A_474 = tpu.vector_load %arg6[%get3A_472, %get3A_473] {strides = array<i32>} : memref<64x640xf32, #tpu.memory_space<vmem>>, vector<16xf32>,
      %add3A_475 = arith.addf %add3A_459, %get3A_474 : vector<16xf32>
      %get3A_476 = arith.index_cast %scan3A_439 : i32 to index
      %get3A_477 = arith.constant 96 : index
      %get3A_478 = tpu.vector_load %arg6[%get3A_476, %get3A_477] {strides = array<i32>} : memref<64x640xf32, #tpu.memory_space<vmem>>, vector<16xf32>,
      %add3A_479 = arith.addf %add3A_463, %get3A_478 : vector<16xf32>
      %get3A_480 = arith.index_cast %scan3A_439 : i32 to index
      %get3A_481 = arith.constant 112 : index
      %get3A_482 = tpu.vector_load %arg6[%get3A_480, %get3A_481] {strides = array<i32>} : memref<64x640xf32, #tpu.memory_space<vmem>>, vector<16xf32>,
      %add3A_483 = arith.addf %add3A_467, %get3A_482 : vector<16xf32>
      %get3A_484 = arith.index_cast %scan3A_439 : i32 to index
      %get3A_485 = arith.constant 128 : index
      %get3A_486 = tpu.vector_load %arg6[%get3A_484, %get3A_485] {strides = array<i32>} : memref<64x640xf32, #tpu.memory_space<vmem>>, vector<16xf32>,
      %add3A_487 = arith.addf %add3A_471, %get3A_486 : vector<16xf32>
      %get3A_488 = arith.index_cast %scan3A_439 : i32 to index
      %get3A_489 = arith.constant 144 : index
      %get3A_490 = tpu.vector_load %arg6[%get3A_488, %get3A_489] {strides = array<i32>} : memref<64x640xf32, #tpu.memory_space<vmem>>, vector<16xf32>,
      %add3A_491 = arith.addf %add3A_475, %get3A_490 : vector<16xf32>
      %get3A_492 = arith.index_cast %scan3A_439 : i32 to index
      %get3A_493 = arith.constant 160 : index
      %get3A_494 = tpu.vector_load %arg6[%get3A_492, %get3A_493] {strides = array<i32>} : memref<64x640xf32, #tpu.memory_space<vmem>>, vector<16xf32>,
      %add3A_495 = arith.addf %add3A_479, %get3A_494 : vector<16xf32>
      %get3A_496 = arith.index_cast %scan3A_439 : i32 to index
      %get3A_497 = arith.constant 176 : index
      %get3A_498 = tpu.vector_load %arg6[%get3A_496, %get3A_497] {strides = array<i32>} : memref<64x640xf32, #tpu.memory_space<vmem>>, vector<16xf32>,
      %add3A_499 = arith.addf %add3A_483, %get3A_498 : vector<16xf32>
      %get3A_500 = arith.index_cast %scan3A_439 : i32 to index
      %get3A_501 = arith.constant 192 : index
      %get3A_502 = tpu.vector_load %arg6[%get3A_500, %get3A_501] {strides = array<i32>} : memref<64x640xf32, #tpu.memory_space<vmem>>, vector<16xf32>,
      %add3A_503 = arith.addf %add3A_487, %get3A_502 : vector<16xf32>
      %get3A_504 = arith.index_cast %scan3A_439 : i32 to index
      %get3A_505 = arith.constant 208 : index
      %get3A_506 = tpu.vector_load %arg6[%get3A_504, %get3A_505] {strides = array<i32>} : memref<64x640xf32, #tpu.memory_space<vmem>>, vector<16xf32>,
      %add3A_507 = arith.addf %add3A_491, %get3A_506 : vector<16xf32>
      %get3A_508 = arith.index_cast %scan3A_439 : i32 to index
      %get3A_509 = arith.constant 224 : index
      %get3A_510 = tpu.vector_load %arg6[%get3A_508, %get3A_509] {strides = array<i32>} : memref<64x640xf32, #tpu.memory_space<vmem>>, vector<16xf32>,
      %add3A_511 = arith.addf %add3A_495, %get3A_510 : vector<16xf32>
      %get3A_512 = arith.index_cast %scan3A_439 : i32 to index
      %get3A_513 = arith.constant 240 : index
      %get3A_514 = tpu.vector_load %arg6[%get3A_512, %get3A_513] {strides = array<i32>} : memref<64x640xf32, #tpu.memory_space<vmem>>, vector<16xf32>,
      %add3A_515 = arith.addf %add3A_499, %get3A_514 : vector<16xf32>
      %get3A_516 = arith.index_cast %scan3A_439 : i32 to index
      %get3A_517 = arith.constant 256 : index
      %get3A_518 = tpu.vector_load %arg6[%get3A_516, %get3A_517] {strides = array<i32>} : memref<64x640xf32, #tpu.memory_space<vmem>>, vector<16xf32>,
      %add3A_519 = arith.addf %add3A_503, %get3A_518 : vector<16xf32>
      %get3A_520 = arith.index_cast %scan3A_439 : i32 to index
      %get3A_521 = arith.constant 272 : index
      %get3A_522 = tpu.vector_load %arg6[%get3A_520, %get3A_521] {strides = array<i32>} : memref<64x640xf32, #tpu.memory_space<vmem>>, vector<16xf32>,
      %add3A_523 = arith.addf %add3A_507, %get3A_522 : vector<16xf32>
      %get3A_524 = arith.index_cast %scan3A_439 : i32 to index
      %get3A_525 = arith.constant 288 : index
      %get3A_526 = tpu.vector_load %arg6[%get3A_524, %get3A_525] {strides = array<i32>} : memref<64x640xf32, #tpu.memory_space<vmem>>, vector<16xf32>,
      %add3A_527 = arith.addf %add3A_511, %get3A_526 : vector<16xf32>
      %get3A_528 = arith.index_cast %scan3A_439 : i32 to index
      %get3A_529 = arith.constant 304 : index
      %get3A_530 = tpu.vector_load %arg6[%get3A_528, %get3A_529] {strides = array<i32>} : memref<64x640xf32, #tpu.memory_space<vmem>>, vector<16xf32>,
      %add3A_531 = arith.addf %add3A_515, %get3A_530 : vector<16xf32>
      %get3A_532 = arith.index_cast %scan3A_439 : i32 to index
      %get3A_533 = arith.constant 320 : index
      %get3A_534 = tpu.vector_load %arg6[%get3A_532, %get3A_533] {strides = array<i32>} : memref<64x640xf32, #tpu.memory_space<vmem>>, vector<16xf32>,
      %add3A_535 = arith.addf %add3A_519, %get3A_534 : vector<16xf32>
      %get3A_536 = arith.index_cast %scan3A_439 : i32 to index
      %get3A_537 = arith.constant 336 : index
      %get3A_538 = tpu.vector_load %arg6[%get3A_536, %get3A_537] {strides = array<i32>} : memref<64x640xf32, #tpu.memory_space<vmem>>, vector<16xf32>,
      %add3A_539 = arith.addf %add3A_523, %get3A_538 : vector<16xf32>
      %get3A_540 = arith.index_cast %scan3A_439 : i32 to index
      %get3A_541 = arith.constant 352 : index
      %get3A_542 = tpu.vector_load %arg6[%get3A_540, %get3A_541] {strides = array<i32>} : memref<64x640xf32, #tpu.memory_space<vmem>>, vector<16xf32>,
      %add3A_543 = arith.addf %add3A_527, %get3A_542 : vector<16xf32>
      %get3A_544 = arith.index_cast %scan3A_439 : i32 to index
      %get3A_545 = arith.constant 368 : index
      %get3A_546 = tpu.vector_load %arg6[%get3A_544, %get3A_545] {strides = array<i32>} : memref<64x640xf32, #tpu.memory_space<vmem>>, vector<16xf32>,
      %add3A_547 = arith.addf %add3A_531, %get3A_546 : vector<16xf32>
      %get3A_548 = arith.index_cast %scan3A_439 : i32 to index
      %get3A_549 = arith.constant 384 : index
      %get3A_550 = tpu.vector_load %arg6[%get3A_548, %get3A_549] {strides = array<i32>} : memref<64x640xf32, #tpu.memory_space<vmem>>, vector<16xf32>,
      %add3A_551 = arith.addf %add3A_535, %get3A_550 : vector<16xf32>
      %get3A_552 = arith.index_cast %scan3A_439 : i32 to index
      %get3A_553 = arith.constant 400 : index
      %get3A_554 = tpu.vector_load %arg6[%get3A_552, %get3A_553] {strides = array<i32>} : memref<64x640xf32, #tpu.memory_space<vmem>>, vector<16xf32>,
      %add3A_555 = arith.addf %add3A_539, %get3A_554 : vector<16xf32>
      %get3A_556 = arith.index_cast %scan3A_439 : i32 to index
      %get3A_557 = arith.constant 416 : index
      %get3A_558 = tpu.vector_load %arg6[%get3A_556, %get3A_557] {strides = array<i32>} : memref<64x640xf32, #tpu.memory_space<vmem>>, vector<16xf32>,
      %add3A_559 = arith.addf %add3A_543, %get3A_558 : vector<16xf32>
      %get3A_560 = arith.index_cast %scan3A_439 : i32 to index
      %get3A_561 = arith.constant 432 : index
      %get3A_562 = tpu.vector_load %arg6[%get3A_560, %get3A_561] {strides = array<i32>} : memref<64x640xf32, #tpu.memory_space<vmem>>, vector<16xf32>,
      %add3A_563 = arith.addf %add3A_547, %get3A_562 : vector<16xf32>
      %get3A_564 = arith.index_cast %scan3A_439 : i32 to index
      %get3A_565 = arith.constant 448 : index
      %get3A_566 = tpu.vector_load %arg6[%get3A_564, %get3A_565] {strides = array<i32>} : memref<64x640xf32, #tpu.memory_space<vmem>>, vector<16xf32>,
      %add3A_567 = arith.addf %add3A_551, %get3A_566 : vector<16xf32>
      %get3A_568 = arith.index_cast %scan3A_439 : i32 to index
      %get3A_569 = arith.constant 464 : index
      %get3A_570 = tpu.vector_load %arg6[%get3A_568, %get3A_569] {strides = array<i32>} : memref<64x640xf32, #tpu.memory_space<vmem>>, vector<16xf32>,
      %add3A_571 = arith.addf %add3A_555, %get3A_570 : vector<16xf32>
      %get3A_572 = arith.index_cast %scan3A_439 : i32 to index
      %get3A_573 = arith.constant 480 : index
      %get3A_574 = tpu.vector_load %arg6[%get3A_572, %get3A_573] {strides = array<i32>} : memref<64x640xf32, #tpu.memory_space<vmem>>, vector<16xf32>,
      %add3A_575 = arith.addf %add3A_559, %get3A_574 : vector<16xf32>
      %get3A_576 = arith.index_cast %scan3A_439 : i32 to index
      %get3A_577 = arith.constant 496 : index
      %get3A_578 = tpu.vector_load %arg6[%get3A_576, %get3A_577] {strides = array<i32>} : memref<64x640xf32, #tpu.memory_space<vmem>>, vector<16xf32>,
      %add3A_579 = arith.addf %add3A_563, %get3A_578 : vector<16xf32>
      %get3A_580 = arith.index_cast %scan3A_439 : i32 to index
      %get3A_581 = arith.constant 512 : index
      %get3A_582 = tpu.vector_load %arg6[%get3A_580, %get3A_581] {strides = array<i32>} : memref<64x640xf32, #tpu.memory_space<vmem>>, vector<16xf32>,
      %add3A_583 = arith.addf %add3A_567, %get3A_582 : vector<16xf32>
      %get3A_584 = arith.index_cast %scan3A_439 : i32 to index
      %get3A_585 = arith.constant 528 : index
      %get3A_586 = tpu.vector_load %arg6[%get3A_584, %get3A_585] {strides = array<i32>} : memref<64x640xf32, #tpu.memory_space<vmem>>, vector<16xf32>,
      %add3A_587 = arith.addf %add3A_571, %get3A_586 : vector<16xf32>
      %get3A_588 = arith.index_cast %scan3A_439 : i32 to index
      %get3A_589 = arith.constant 544 : index
      %get3A_590 = tpu.vector_load %arg6[%get3A_588, %get3A_589] {strides = array<i32>} : memref<64x640xf32, #tpu.memory_space<vmem>>, vector<16xf32>,
      %add3A_591 = arith.addf %add3A_575, %get3A_590 : vector<16xf32>
      %get3A_592 = arith.index_cast %scan3A_439 : i32 to index
      %get3A_593 = arith.constant 560 : index
      %get3A_594 = tpu.vector_load %arg6[%get3A_592, %get3A_593] {strides = array<i32>} : memref<64x640xf32, #tpu.memory_space<vmem>>, vector<16xf32>,
      %add3A_595 = arith.addf %add3A_579, %get3A_594 : vector<16xf32>
      %get3A_596 = arith.index_cast %scan3A_439 : i32 to index
      %get3A_597 = arith.constant 576 : index
      %get3A_598 = tpu.vector_load %arg6[%get3A_596, %get3A_597] {strides = array<i32>} : memref<64x640xf32, #tpu.memory_space<vmem>>, vector<16xf32>,
      %add3A_599 = arith.addf %add3A_583, %get3A_598 : vector<16xf32>
      %get3A_600 = arith.index_cast %scan3A_439 : i32 to index
      %get3A_601 = arith.constant 592 : index
      %get3A_602 = tpu.vector_load %arg6[%get3A_600, %get3A_601] {strides = array<i32>} : memref<64x640xf32, #tpu.memory_space<vmem>>, vector<16xf32>,
      %add3A_603 = arith.addf %add3A_587, %get3A_602 : vector<16xf32>
      %get3A_604 = arith.index_cast %scan3A_439 : i32 to index
      %get3A_605 = arith.constant 608 : index
      %get3A_606 = tpu.vector_load %arg6[%get3A_604, %get3A_605] {strides = array<i32>} : memref<64x640xf32, #tpu.memory_space<vmem>>, vector<16xf32>,
      %add3A_607 = arith.addf %add3A_591, %get3A_606 : vector<16xf32>
      %get3A_608 = arith.index_cast %scan3A_439 : i32 to index
      %get3A_609 = arith.constant 624 : index
      %get3A_610 = tpu.vector_load %arg6[%get3A_608, %get3A_609] {strides = array<i32>} : memref<64x640xf32, #tpu.memory_space<vmem>>, vector<16xf32>,
      %add3A_611 = arith.addf %add3A_595, %get3A_610 : vector<16xf32>
      %add3A_612 = arith.addf %add3A_599, %add3A_603 : vector<16xf32>
      %add3A_613 = arith.addf %add3A_607, %add3A_611 : vector<16xf32>
      %add3A_614 = arith.addf %add3A_612, %add3A_613 : vector<16xf32>
      %mul3A_615 = arith.mulf %add3A_614, %gather3A : vector<16xf32>
      %add3A_616 = arith.addf %scan3A_440, %mul3A_615 : vector<16xf32>
      scf.yield %add3A_616 : vector<16xf32>
    }
    %scan3A_419 = arith.constant 64 : i32
    %add3A_420 = arith.constant 320 : i32
    %add3A_421 = arith.addi %mul3A_32, %add3A_420 : i32
    %dma_wait3A_422 = arith.constant 1 : i32
    %dma_wait3A_423 = arith.constant 0 : i32
    %dma_wait3A_424 = tpu.memref_slice %arg4[%select_n3A, %add3A_421, %dma_wait3A_423] : memref<16x2048x640xf32, #tpu.memory_space<hbm>> -> memref<1x64x640xf32, #tpu.memory_space<hbm>>
    %dma_wait3A_425 = tpu.memref_squeeze %dma_wait3A_424 : memref<1x64x640xf32, #tpu.memory_space<hbm>> -> memref<64x640xf32, #tpu.memory_space<hbm>>
    %dma_wait3A_426 = tpu.memref_slice %arg12[%dma_wait3A_422] : memref<2x!tpu.dma_semaphore, #tpu.memory_space<semaphore_mem>> -> memref<1x!tpu.dma_semaphore, #tpu.memory_space<semaphore_mem>>
    %dma_wait3A_427 = tpu.memref_squeeze %dma_wait3A_426 : memref<1x!tpu.dma_semaphore, #tpu.memory_space<semaphore_mem>> -> memref<!tpu.dma_semaphore, #tpu.memory_space<semaphore_mem>>
    %dma_wait3A_428 = arith.constant 0 : i32
    %dma_wait3A_429 = tpu.memref_slice %arg4[%select_n3A, %add3A_421, %dma_wait3A_428] : memref<16x2048x640xf32, #tpu.memory_space<hbm>> -> memref<1x64x640xf32, #tpu.memory_space<hbm>>
    %dma_wait3A_430 = tpu.memref_squeeze %dma_wait3A_429 : memref<1x64x640xf32, #tpu.memory_space<hbm>> -> memref<64x640xf32, #tpu.memory_space<hbm>>
    tpu.wait_dma2 semaphore(%dma_wait3A_427 : memref<!tpu.dma_semaphore, #tpu.memory_space<semaphore_mem>>) src(%dma_wait3A_430 : memref<64x640xf32, #tpu.memory_space<hbm>>) dst(%arg7 : memref<64x640xf32, #tpu.memory_space<vmem>>)
    %scan3A_431 = arith.constant 0 : i32
    %scan3A_432 = arith.constant 64 : i32
    %scan3A_433 = arith.addi %scan3A_431, %scan3A_432 : i32
    %scan3A_434 = arith.constant 1 : i32
    %scan3A_435 = scf.for %scan3A_439 = %scan3A_431 to %scan3A_433 step %scan3A_434 iter_args(%scan3A_440 = %scan3A_418) -> (vector<16xf32>)  : i32 {
      %add3A_441 = arith.constant 320 : i32
      %add3A_442 = arith.addi %add3A_441, %scan3A_439 : i32
      %broadcast_in_dim3A_443 = vector.broadcast %add3A_442 : i32 to vector<16xi32>
      %gather3A = tpu.vector_load_idx %arg10[%broadcast_in_dim3A_443] : memref<384xf32, #tpu.memory_space<vmem>>[vector<16xi32>], vector<16xf32>,
      %broadcast_in_dim3A_444 = arith.constant 0.000000e+00 : f32
      %broadcast_in_dim3A_445 = vector.broadcast %broadcast_in_dim3A_444 : f32 to vector<16xf32>
      %broadcast_in_dim3A_446 = arith.constant 0.000000e+00 : f32
      %broadcast_in_dim3A_447 = vector.broadcast %broadcast_in_dim3A_446 : f32 to vector<16xf32>
      %broadcast_in_dim3A_448 = arith.constant 0.000000e+00 : f32
      %broadcast_in_dim3A_449 = vector.broadcast %broadcast_in_dim3A_448 : f32 to vector<16xf32>
      %broadcast_in_dim3A_450 = arith.constant 0.000000e+00 : f32
      %broadcast_in_dim3A_451 = vector.broadcast %broadcast_in_dim3A_450 : f32 to vector<16xf32>
      %get3A_452 = arith.index_cast %scan3A_439 : i32 to index
      %get3A_453 = arith.constant 0 : index
      %get3A_454 = tpu.vector_load %arg7[%get3A_452, %get3A_453] {strides = array<i32>} : memref<64x640xf32, #tpu.memory_space<vmem>>, vector<16xf32>,
      %add3A_455 = arith.addf %broadcast_in_dim3A_445, %get3A_454 : vector<16xf32>
      %get3A_456 = arith.index_cast %scan3A_439 : i32 to index
      %get3A_457 = arith.constant 16 : index
      %get3A_458 = tpu.vector_load %arg7[%get3A_456, %get3A_457] {strides = array<i32>} : memref<64x640xf32, #tpu.memory_space<vmem>>, vector<16xf32>,
      %add3A_459 = arith.addf %broadcast_in_dim3A_447, %get3A_458 : vector<16xf32>
      %get3A_460 = arith.index_cast %scan3A_439 : i32 to index
      %get3A_461 = arith.constant 32 : index
      %get3A_462 = tpu.vector_load %arg7[%get3A_460, %get3A_461] {strides = array<i32>} : memref<64x640xf32, #tpu.memory_space<vmem>>, vector<16xf32>,
      %add3A_463 = arith.addf %broadcast_in_dim3A_449, %get3A_462 : vector<16xf32>
      %get3A_464 = arith.index_cast %scan3A_439 : i32 to index
      %get3A_465 = arith.constant 48 : index
      %get3A_466 = tpu.vector_load %arg7[%get3A_464, %get3A_465] {strides = array<i32>} : memref<64x640xf32, #tpu.memory_space<vmem>>, vector<16xf32>,
      %add3A_467 = arith.addf %broadcast_in_dim3A_451, %get3A_466 : vector<16xf32>
      %get3A_468 = arith.index_cast %scan3A_439 : i32 to index
      %get3A_469 = arith.constant 64 : index
      %get3A_470 = tpu.vector_load %arg7[%get3A_468, %get3A_469] {strides = array<i32>} : memref<64x640xf32, #tpu.memory_space<vmem>>, vector<16xf32>,
      %add3A_471 = arith.addf %add3A_455, %get3A_470 : vector<16xf32>
      %get3A_472 = arith.index_cast %scan3A_439 : i32 to index
      %get3A_473 = arith.constant 80 : index
      %get3A_474 = tpu.vector_load %arg7[%get3A_472, %get3A_473] {strides = array<i32>} : memref<64x640xf32, #tpu.memory_space<vmem>>, vector<16xf32>,
      %add3A_475 = arith.addf %add3A_459, %get3A_474 : vector<16xf32>
      %get3A_476 = arith.index_cast %scan3A_439 : i32 to index
      %get3A_477 = arith.constant 96 : index
      %get3A_478 = tpu.vector_load %arg7[%get3A_476, %get3A_477] {strides = array<i32>} : memref<64x640xf32, #tpu.memory_space<vmem>>, vector<16xf32>,
      %add3A_479 = arith.addf %add3A_463, %get3A_478 : vector<16xf32>
      %get3A_480 = arith.index_cast %scan3A_439 : i32 to index
      %get3A_481 = arith.constant 112 : index
      %get3A_482 = tpu.vector_load %arg7[%get3A_480, %get3A_481] {strides = array<i32>} : memref<64x640xf32, #tpu.memory_space<vmem>>, vector<16xf32>,
      %add3A_483 = arith.addf %add3A_467, %get3A_482 : vector<16xf32>
      %get3A_484 = arith.index_cast %scan3A_439 : i32 to index
      %get3A_485 = arith.constant 128 : index
      %get3A_486 = tpu.vector_load %arg7[%get3A_484, %get3A_485] {strides = array<i32>} : memref<64x640xf32, #tpu.memory_space<vmem>>, vector<16xf32>,
      %add3A_487 = arith.addf %add3A_471, %get3A_486 : vector<16xf32>
      %get3A_488 = arith.index_cast %scan3A_439 : i32 to index
      %get3A_489 = arith.constant 144 : index
      %get3A_490 = tpu.vector_load %arg7[%get3A_488, %get3A_489] {strides = array<i32>} : memref<64x640xf32, #tpu.memory_space<vmem>>, vector<16xf32>,
      %add3A_491 = arith.addf %add3A_475, %get3A_490 : vector<16xf32>
      %get3A_492 = arith.index_cast %scan3A_439 : i32 to index
      %get3A_493 = arith.constant 160 : index
      %get3A_494 = tpu.vector_load %arg7[%get3A_492, %get3A_493] {strides = array<i32>} : memref<64x640xf32, #tpu.memory_space<vmem>>, vector<16xf32>,
      %add3A_495 = arith.addf %add3A_479, %get3A_494 : vector<16xf32>
      %get3A_496 = arith.index_cast %scan3A_439 : i32 to index
      %get3A_497 = arith.constant 176 : index
      %get3A_498 = tpu.vector_load %arg7[%get3A_496, %get3A_497] {strides = array<i32>} : memref<64x640xf32, #tpu.memory_space<vmem>>, vector<16xf32>,
      %add3A_499 = arith.addf %add3A_483, %get3A_498 : vector<16xf32>
      %get3A_500 = arith.index_cast %scan3A_439 : i32 to index
      %get3A_501 = arith.constant 192 : index
      %get3A_502 = tpu.vector_load %arg7[%get3A_500, %get3A_501] {strides = array<i32>} : memref<64x640xf32, #tpu.memory_space<vmem>>, vector<16xf32>,
      %add3A_503 = arith.addf %add3A_487, %get3A_502 : vector<16xf32>
      %get3A_504 = arith.index_cast %scan3A_439 : i32 to index
      %get3A_505 = arith.constant 208 : index
      %get3A_506 = tpu.vector_load %arg7[%get3A_504, %get3A_505] {strides = array<i32>} : memref<64x640xf32, #tpu.memory_space<vmem>>, vector<16xf32>,
      %add3A_507 = arith.addf %add3A_491, %get3A_506 : vector<16xf32>
      %get3A_508 = arith.index_cast %scan3A_439 : i32 to index
      %get3A_509 = arith.constant 224 : index
      %get3A_510 = tpu.vector_load %arg7[%get3A_508, %get3A_509] {strides = array<i32>} : memref<64x640xf32, #tpu.memory_space<vmem>>, vector<16xf32>,
      %add3A_511 = arith.addf %add3A_495, %get3A_510 : vector<16xf32>
      %get3A_512 = arith.index_cast %scan3A_439 : i32 to index
      %get3A_513 = arith.constant 240 : index
      %get3A_514 = tpu.vector_load %arg7[%get3A_512, %get3A_513] {strides = array<i32>} : memref<64x640xf32, #tpu.memory_space<vmem>>, vector<16xf32>,
      %add3A_515 = arith.addf %add3A_499, %get3A_514 : vector<16xf32>
      %get3A_516 = arith.index_cast %scan3A_439 : i32 to index
      %get3A_517 = arith.constant 256 : index
      %get3A_518 = tpu.vector_load %arg7[%get3A_516, %get3A_517] {strides = array<i32>} : memref<64x640xf32, #tpu.memory_space<vmem>>, vector<16xf32>,
      %add3A_519 = arith.addf %add3A_503, %get3A_518 : vector<16xf32>
      %get3A_520 = arith.index_cast %scan3A_439 : i32 to index
      %get3A_521 = arith.constant 272 : index
      %get3A_522 = tpu.vector_load %arg7[%get3A_520, %get3A_521] {strides = array<i32>} : memref<64x640xf32, #tpu.memory_space<vmem>>, vector<16xf32>,
      %add3A_523 = arith.addf %add3A_507, %get3A_522 : vector<16xf32>
      %get3A_524 = arith.index_cast %scan3A_439 : i32 to index
      %get3A_525 = arith.constant 288 : index
      %get3A_526 = tpu.vector_load %arg7[%get3A_524, %get3A_525] {strides = array<i32>} : memref<64x640xf32, #tpu.memory_space<vmem>>, vector<16xf32>,
      %add3A_527 = arith.addf %add3A_511, %get3A_526 : vector<16xf32>
      %get3A_528 = arith.index_cast %scan3A_439 : i32 to index
      %get3A_529 = arith.constant 304 : index
      %get3A_530 = tpu.vector_load %arg7[%get3A_528, %get3A_529] {strides = array<i32>} : memref<64x640xf32, #tpu.memory_space<vmem>>, vector<16xf32>,
      %add3A_531 = arith.addf %add3A_515, %get3A_530 : vector<16xf32>
      %get3A_532 = arith.index_cast %scan3A_439 : i32 to index
      %get3A_533 = arith.constant 320 : index
      %get3A_534 = tpu.vector_load %arg7[%get3A_532, %get3A_533] {strides = array<i32>} : memref<64x640xf32, #tpu.memory_space<vmem>>, vector<16xf32>,
      %add3A_535 = arith.addf %add3A_519, %get3A_534 : vector<16xf32>
      %get3A_536 = arith.index_cast %scan3A_439 : i32 to index
      %get3A_537 = arith.constant 336 : index
      %get3A_538 = tpu.vector_load %arg7[%get3A_536, %get3A_537] {strides = array<i32>} : memref<64x640xf32, #tpu.memory_space<vmem>>, vector<16xf32>,
      %add3A_539 = arith.addf %add3A_523, %get3A_538 : vector<16xf32>
      %get3A_540 = arith.index_cast %scan3A_439 : i32 to index
      %get3A_541 = arith.constant 352 : index
      %get3A_542 = tpu.vector_load %arg7[%get3A_540, %get3A_541] {strides = array<i32>} : memref<64x640xf32, #tpu.memory_space<vmem>>, vector<16xf32>,
      %add3A_543 = arith.addf %add3A_527, %get3A_542 : vector<16xf32>
      %get3A_544 = arith.index_cast %scan3A_439 : i32 to index
      %get3A_545 = arith.constant 368 : index
      %get3A_546 = tpu.vector_load %arg7[%get3A_544, %get3A_545] {strides = array<i32>} : memref<64x640xf32, #tpu.memory_space<vmem>>, vector<16xf32>,
      %add3A_547 = arith.addf %add3A_531, %get3A_546 : vector<16xf32>
      %get3A_548 = arith.index_cast %scan3A_439 : i32 to index
      %get3A_549 = arith.constant 384 : index
      %get3A_550 = tpu.vector_load %arg7[%get3A_548, %get3A_549] {strides = array<i32>} : memref<64x640xf32, #tpu.memory_space<vmem>>, vector<16xf32>,
      %add3A_551 = arith.addf %add3A_535, %get3A_550 : vector<16xf32>
      %get3A_552 = arith.index_cast %scan3A_439 : i32 to index
      %get3A_553 = arith.constant 400 : index
      %get3A_554 = tpu.vector_load %arg7[%get3A_552, %get3A_553] {strides = array<i32>} : memref<64x640xf32, #tpu.memory_space<vmem>>, vector<16xf32>,
      %add3A_555 = arith.addf %add3A_539, %get3A_554 : vector<16xf32>
      %get3A_556 = arith.index_cast %scan3A_439 : i32 to index
      %get3A_557 = arith.constant 416 : index
      %get3A_558 = tpu.vector_load %arg7[%get3A_556, %get3A_557] {strides = array<i32>} : memref<64x640xf32, #tpu.memory_space<vmem>>, vector<16xf32>,
      %add3A_559 = arith.addf %add3A_543, %get3A_558 : vector<16xf32>
      %get3A_560 = arith.index_cast %scan3A_439 : i32 to index
      %get3A_561 = arith.constant 432 : index
      %get3A_562 = tpu.vector_load %arg7[%get3A_560, %get3A_561] {strides = array<i32>} : memref<64x640xf32, #tpu.memory_space<vmem>>, vector<16xf32>,
      %add3A_563 = arith.addf %add3A_547, %get3A_562 : vector<16xf32>
      %get3A_564 = arith.index_cast %scan3A_439 : i32 to index
      %get3A_565 = arith.constant 448 : index
      %get3A_566 = tpu.vector_load %arg7[%get3A_564, %get3A_565] {strides = array<i32>} : memref<64x640xf32, #tpu.memory_space<vmem>>, vector<16xf32>,
      %add3A_567 = arith.addf %add3A_551, %get3A_566 : vector<16xf32>
      %get3A_568 = arith.index_cast %scan3A_439 : i32 to index
      %get3A_569 = arith.constant 464 : index
      %get3A_570 = tpu.vector_load %arg7[%get3A_568, %get3A_569] {strides = array<i32>} : memref<64x640xf32, #tpu.memory_space<vmem>>, vector<16xf32>,
      %add3A_571 = arith.addf %add3A_555, %get3A_570 : vector<16xf32>
      %get3A_572 = arith.index_cast %scan3A_439 : i32 to index
      %get3A_573 = arith.constant 480 : index
      %get3A_574 = tpu.vector_load %arg7[%get3A_572, %get3A_573] {strides = array<i32>} : memref<64x640xf32, #tpu.memory_space<vmem>>, vector<16xf32>,
      %add3A_575 = arith.addf %add3A_559, %get3A_574 : vector<16xf32>
      %get3A_576 = arith.index_cast %scan3A_439 : i32 to index
      %get3A_577 = arith.constant 496 : index
      %get3A_578 = tpu.vector_load %arg7[%get3A_576, %get3A_577] {strides = array<i32>} : memref<64x640xf32, #tpu.memory_space<vmem>>, vector<16xf32>,
      %add3A_579 = arith.addf %add3A_563, %get3A_578 : vector<16xf32>
      %get3A_580 = arith.index_cast %scan3A_439 : i32 to index
      %get3A_581 = arith.constant 512 : index
      %get3A_582 = tpu.vector_load %arg7[%get3A_580, %get3A_581] {strides = array<i32>} : memref<64x640xf32, #tpu.memory_space<vmem>>, vector<16xf32>,
      %add3A_583 = arith.addf %add3A_567, %get3A_582 : vector<16xf32>
      %get3A_584 = arith.index_cast %scan3A_439 : i32 to index
      %get3A_585 = arith.constant 528 : index
      %get3A_586 = tpu.vector_load %arg7[%get3A_584, %get3A_585] {strides = array<i32>} : memref<64x640xf32, #tpu.memory_space<vmem>>, vector<16xf32>,
      %add3A_587 = arith.addf %add3A_571, %get3A_586 : vector<16xf32>
      %get3A_588 = arith.index_cast %scan3A_439 : i32 to index
      %get3A_589 = arith.constant 544 : index
      %get3A_590 = tpu.vector_load %arg7[%get3A_588, %get3A_589] {strides = array<i32>} : memref<64x640xf32, #tpu.memory_space<vmem>>, vector<16xf32>,
      %add3A_591 = arith.addf %add3A_575, %get3A_590 : vector<16xf32>
      %get3A_592 = arith.index_cast %scan3A_439 : i32 to index
      %get3A_593 = arith.constant 560 : index
      %get3A_594 = tpu.vector_load %arg7[%get3A_592, %get3A_593] {strides = array<i32>} : memref<64x640xf32, #tpu.memory_space<vmem>>, vector<16xf32>,
      %add3A_595 = arith.addf %add3A_579, %get3A_594 : vector<16xf32>
      %get3A_596 = arith.index_cast %scan3A_439 : i32 to index
      %get3A_597 = arith.constant 576 : index
      %get3A_598 = tpu.vector_load %arg7[%get3A_596, %get3A_597] {strides = array<i32>} : memref<64x640xf32, #tpu.memory_space<vmem>>, vector<16xf32>,
      %add3A_599 = arith.addf %add3A_583, %get3A_598 : vector<16xf32>
      %get3A_600 = arith.index_cast %scan3A_439 : i32 to index
      %get3A_601 = arith.constant 592 : index
      %get3A_602 = tpu.vector_load %arg7[%get3A_600, %get3A_601] {strides = array<i32>} : memref<64x640xf32, #tpu.memory_space<vmem>>, vector<16xf32>,
      %add3A_603 = arith.addf %add3A_587, %get3A_602 : vector<16xf32>
      %get3A_604 = arith.index_cast %scan3A_439 : i32 to index
      %get3A_605 = arith.constant 608 : index
      %get3A_606 = tpu.vector_load %arg7[%get3A_604, %get3A_605] {strides = array<i32>} : memref<64x640xf32, #tpu.memory_space<vmem>>, vector<16xf32>,
      %add3A_607 = arith.addf %add3A_591, %get3A_606 : vector<16xf32>
      %get3A_608 = arith.index_cast %scan3A_439 : i32 to index
      %get3A_609 = arith.constant 624 : index
      %get3A_610 = tpu.vector_load %arg7[%get3A_608, %get3A_609] {strides = array<i32>} : memref<64x640xf32, #tpu.memory_space<vmem>>, vector<16xf32>,
      %add3A_611 = arith.addf %add3A_595, %get3A_610 : vector<16xf32>
      %add3A_612 = arith.addf %add3A_599, %add3A_603 : vector<16xf32>
      %add3A_613 = arith.addf %add3A_607, %add3A_611 : vector<16xf32>
      %add3A_614 = arith.addf %add3A_612, %add3A_613 : vector<16xf32>
      %mul3A_615 = arith.mulf %add3A_614, %gather3A : vector<16xf32>
      %add3A_616 = arith.addf %scan3A_440, %mul3A_615 : vector<16xf32>
      scf.yield %add3A_616 : vector<16xf32>
    }
    %scan3A_436 = arith.constant 64 : i32
    %swap3A_437 = arith.constant 0 : index
    %swap3A_438 = tpu.vector_load %arg11[%swap3A_437] {strides = array<i32>} : memref<16xf32, #tpu.memory_space<vmem>>, vector<16xf32>,
    tpu.vector_store %arg11[%swap3A_437], %scan3A_435 {strides = array<i32>} : memref<16xf32, #tpu.memory_space<vmem>>, vector<16xf32>,
    "tpu.region"() ({
      %run_scoped3A = tpu.sem_alloc : memref<!tpu.dma_semaphore, #tpu.memory_space<semaphore_mem>>
      %dma_start3A_439 = arith.constant 0 : i32
      %dma_start3A_440 = tpu.memref_slice %arg5[%add3A, %dma_start3A_439] : memref<32x16xf32, #tpu.memory_space<hbm>> -> memref<1x16xf32, #tpu.memory_space<hbm>>
      %dma_start3A_441 = tpu.memref_squeeze %dma_start3A_440 : memref<1x16xf32, #tpu.memory_space<hbm>> -> memref<16xf32, #tpu.memory_space<hbm>>
      %dma_start3A_442 = arith.constant 0 : i32
      %dma_start3A_443 = tpu.memref_slice %arg5[%add3A, %dma_start3A_442] : memref<32x16xf32, #tpu.memory_space<hbm>> -> memref<1x16xf32, #tpu.memory_space<hbm>>
      %dma_start3A_444 = tpu.memref_squeeze %dma_start3A_443 : memref<1x16xf32, #tpu.memory_space<hbm>> -> memref<16xf32, #tpu.memory_space<hbm>>
      tpu.enqueue_dma source(%arg11 : memref<16xf32, #tpu.memory_space<vmem>>) target(%dma_start3A_444 : memref<16xf32, #tpu.memory_space<hbm>>) target_semaphore(%run_scoped3A : memref<!tpu.dma_semaphore, #tpu.memory_space<semaphore_mem>>)
      %dma_wait3A_445 = arith.constant 0 : i32
      %dma_wait3A_446 = tpu.memref_slice %arg5[%add3A, %dma_wait3A_445] : memref<32x16xf32, #tpu.memory_space<hbm>> -> memref<1x16xf32, #tpu.memory_space<hbm>>
      %dma_wait3A_447 = tpu.memref_squeeze %dma_wait3A_446 : memref<1x16xf32, #tpu.memory_space<hbm>> -> memref<16xf32, #tpu.memory_space<hbm>>
      %dma_wait3A_448 = arith.constant 0 : i32
      %dma_wait3A_449 = tpu.memref_slice %arg5[%add3A, %dma_wait3A_448] : memref<32x16xf32, #tpu.memory_space<hbm>> -> memref<1x16xf32, #tpu.memory_space<hbm>>
      %dma_wait3A_450 = tpu.memref_squeeze %dma_wait3A_449 : memref<1x16xf32, #tpu.memory_space<hbm>> -> memref<16xf32, #tpu.memory_space<hbm>>
      tpu.wait_dma2 semaphore(%run_scoped3A : memref<!tpu.dma_semaphore, #tpu.memory_space<semaphore_mem>>) src(%arg11 : memref<16xf32, #tpu.memory_space<vmem>>) dst(%dma_wait3A_450 : memref<16xf32, #tpu.memory_space<hbm>>)
      tpu.yield
    }) : () -> ()
    return
  }
}

module attributes {stable_mosaic.version = 14 : i64} {
  func.func @_tc_ll_body(%arg0: i32, %arg1: memref<16x128xf32, #tpu.memory_space<vmem>>, %arg2: memref<16x128xf32, #tpu.memory_space<vmem>>, %arg3: memref<16x128x640xf32, #tpu.memory_space<vmem>>, %arg4: memref<1x1xf32, #tpu.memory_space<smem>>, %arg5: memref<16x640xf32, #tpu.memory_space<vmem>>) attributes {dimension_semantics = [#tpu.dimension_semantics<arbitrary>], iteration_bounds = array<i64: 10>, scalar_prefetch = 0 : i64, scratch_operands = 1 : i64, tpu.core_type = #tpu.core_type<tc>, window_params = [{transform_indices = @transform_0, window_bounds = array<i64: 16, 128>}, {transform_indices = @transform_1, window_bounds = array<i64: 16, 128>}, {transform_indices = @transform_2, window_bounds = array<i64: 16, 128, 640>}, {transform_indices = @transform_3, window_bounds = array<i64: 1, 1>}]} {
    %eq3A = arith.constant 0 : i32
    %eq3A_0 = arith.cmpi eq, %arg0, %eq3A : i32
    %convert_element_type3A = arith.extui %eq3A_0 : i1 to i32
    %cond3A = arith.constant 0 : i32
    %cond3A_1 = arith.cmpi ne, %convert_element_type3A, %cond3A : i32
    scf.if %cond3A_1 {
      %broadcast_in_dim3A = arith.constant 0.000000e+00 : f32
      %broadcast_in_dim3A_25 = vector.broadcast %broadcast_in_dim3A : f32 to vector<16x640xf32>
      %swap3A_26 = arith.constant 0 : index
      %swap3A_27 = arith.constant 0 : index
      %swap3A_28 = vector.load %arg5[%swap3A_26, %swap3A_27] : memref<16x640xf32, #tpu.memory_space<vmem>>, vector<16x640xf32>
      tpu.vector_store %arg5[%swap3A_26, %swap3A_27], %broadcast_in_dim3A_25 {strides = array<i32>} : memref<16x640xf32, #tpu.memory_space<vmem>>, vector<16x640xf32>,
    } else {
    }
    %get3A = arith.constant 0 : index
    %get3A_2 = arith.constant 0 : index
    %get3A_3 = vector.load %arg1[%get3A, %get3A_2] : memref<16x128xf32, #tpu.memory_space<vmem>>, vector<16x128xf32>
    %get3A_4 = arith.constant 0 : index
    %get3A_5 = arith.constant 0 : index
    %get3A_6 = vector.load %arg2[%get3A_4, %get3A_5] : memref<16x128xf32, #tpu.memory_space<vmem>>, vector<16x128xf32>
    %mul3A = arith.mulf %get3A_3, %get3A_6 : vector<16x128xf32>
    %mul3A_7 = arith.constant 5.000000e-02 : f32
    %mul3A_8 = vector.broadcast %mul3A_7 : f32 to vector<16x128xf32>
    %mul3A_9 = arith.mulf %mul3A, %mul3A_8 : vector<16x128xf32>
    %get3A_10 = arith.constant 0 : index
    %get3A_11 = arith.constant 0 : index
    %get3A_12 = vector.load %arg5[%get3A_10, %get3A_11] : memref<16x640xf32, #tpu.memory_space<vmem>>, vector<16x640xf32>
    %get3A_13 = arith.constant 0 : index
    %get3A_14 = arith.constant 0 : index
    %get3A_15 = arith.constant 0 : index
    %get3A_16 = vector.load %arg3[%get3A_13, %get3A_14, %get3A_15] : memref<16x128x640xf32, #tpu.memory_space<vmem>>, vector<16x128x640xf32>
    %dot_general3A = arith.constant dense<0.000000e+00> : vector<16x640xf32>
    %dot_general3A_17 = tpu.matmul %mul3A_9, %get3A_16, %dot_general3A {dimension_numbers = #tpu.dot_dimension_numbers<[1], [1], [], [2], [0, 0, 1, 2], [0], [0]>, transpose_lhs_hint = false} : vector<16x128xf32>, vector<16x128x640xf32>, vector<16x640xf32> -> vector<16x640xf32>
    %add3A = arith.addf %get3A_12, %dot_general3A_17 : vector<16x640xf32>
    %swap3A = arith.constant 0 : index
    %swap3A_18 = arith.constant 0 : index
    %swap3A_19 = vector.load %arg5[%swap3A, %swap3A_18] : memref<16x640xf32, #tpu.memory_space<vmem>>, vector<16x640xf32>
    tpu.vector_store %arg5[%swap3A, %swap3A_18], %add3A {strides = array<i32>} : memref<16x640xf32, #tpu.memory_space<vmem>>, vector<16x640xf32>,
    %eq3A_20 = arith.constant 9 : i32
    %eq3A_21 = arith.cmpi eq, %arg0, %eq3A_20 : i32
    %convert_element_type3A_22 = arith.extui %eq3A_21 : i1 to i32
    %cond3A_23 = arith.constant 0 : i32
    %cond3A_24 = arith.cmpi ne, %convert_element_type3A_22, %cond3A_23 : i32
    scf.if %cond3A_24 {
      %get3A_25 = arith.constant 0 : index
      %get3A_26 = arith.constant 0 : index
      %get3A_27 = vector.load %arg5[%get3A_25, %get3A_26] : memref<16x640xf32, #tpu.memory_space<vmem>>, vector<16x640xf32>
      %reduce_sum3A = vector.shape_cast %get3A_27 : vector<16x640xf32> to vector<1x16x640xf32>
      %reduce_sum3A_28 = arith.constant dense<0.000000e+00> : vector<1xf32>
      %reduce_sum3A_29 = vector.multi_reduction <add>, %reduce_sum3A, %reduce_sum3A_28 [1, 2] : vector<1x16x640xf32> to vector<1xf32>
      %reduce_sum3A_30 = vector.shape_cast %reduce_sum3A_29 : vector<1xf32> to vector<1x1x1xf32>
      %reduce_sum3A_31 = vector.extract %reduce_sum3A_30[0, 0, 0] : f32 from vector<1x1x1xf32>
      %swap3A_32 = arith.constant 0 : index
      %swap3A_33 = arith.constant 0 : index
      %swap3A_34 = memref.load %arg4[%swap3A_32, %swap3A_33] : memref<1x1xf32, #tpu.memory_space<smem>>
      memref.store %reduce_sum3A_31, %arg4[%swap3A_32, %swap3A_33] : memref<1x1xf32, #tpu.memory_space<smem>>
    } else {
    }
    return
  }
  func.func @transform_0(%arg0: i32) -> (i32, i32) {
    %add3A = arith.constant 6 : i32
    %add3A_0 = arith.addi %add3A, %arg0 : i32
    %c0_i32 = arith.constant 0 : i32
    %c0_i32_1 = arith.constant 0 : i32
    return %c0_i32, %add3A_0 : i32, i32
  }
  func.func @transform_1(%arg0: i32) -> (i32, i32) {
    %add3A = arith.constant 6 : i32
    %add3A_0 = arith.addi %add3A, %arg0 : i32
    %c0_i32 = arith.constant 0 : i32
    %c0_i32_1 = arith.constant 0 : i32
    return %c0_i32, %add3A_0 : i32, i32
  }
  func.func @transform_2(%arg0: i32) -> (i32, i32, i32) {
    %add3A = arith.constant 6 : i32
    %add3A_0 = arith.addi %add3A, %arg0 : i32
    %c0_i32 = arith.constant 0 : i32
    %c0_i32_1 = arith.constant 0 : i32
    %c0_i32_2 = arith.constant 0 : i32
    return %c0_i32, %add3A_0, %c0_i32_1 : i32, i32, i32
  }
  func.func @transform_3(%arg0: i32) -> (i32, i32) {
    %c0_i32 = arith.constant 0 : i32
    %c0_i32_0 = arith.constant 0 : i32
    %c0_i32_1 = arith.constant 0 : i32
    return %c0_i32, %c0_i32_0 : i32, i32
  }
}

module attributes {stable_mosaic.version = 14 : i64} {
  func.func @_tc_ev_body(%arg0: i32, %arg1: memref<16x128xf32, #tpu.memory_space<vmem>>, %arg2: memref<16x4096xf32, #tpu.memory_space<vmem>>, %arg3: memref<16x4096xf32, #tpu.memory_space<vmem>>, %arg4: memref<2048x64xf32, #tpu.memory_space<vmem>>, %arg5: memref<1x1xf32, #tpu.memory_space<smem>>, %arg6: memref<1x1xf32, #tpu.memory_space<smem>>, %arg7: memref<16x128xf32, #tpu.memory_space<vmem>>) attributes {dimension_semantics = [#tpu.dimension_semantics<arbitrary>], iteration_bounds = array<i64: 16>, scalar_prefetch = 0 : i64, scratch_operands = 1 : i64, tpu.core_type = #tpu.core_type<tc>, window_params = [{transform_indices = @transform_0, window_bounds = array<i64: 16, 128>}, {transform_indices = @transform_1, window_bounds = array<i64: 16, 4096>}, {transform_indices = @transform_2, window_bounds = array<i64: 16, 4096>}, {pipeline_mode = #tpu.pipeline_mode<synchronous>, transform_indices = @transform_3, window_bounds = array<i64: 2048, 64>}, {transform_indices = @transform_4, window_bounds = array<i64: 1, 1>}, {transform_indices = @transform_5, window_bounds = array<i64: 1, 1>}]} {
    %eq3A = arith.constant 0 : i32
    %eq3A_0 = arith.cmpi eq, %arg0, %eq3A : i32
    %convert_element_type3A = arith.extui %eq3A_0 : i1 to i32
    %cond3A = arith.constant 0 : i32
    %cond3A_1 = arith.cmpi ne, %convert_element_type3A, %cond3A : i32
    scf.if %cond3A_1 {
      %broadcast_in_dim3A_59 = arith.constant 0.000000e+00 : f32
      %broadcast_in_dim3A_60 = vector.broadcast %broadcast_in_dim3A_59 : f32 to vector<16x128xf32>
      %swap3A_61 = arith.constant 0 : index
      %swap3A_62 = arith.constant 0 : index
      %swap3A_63 = vector.load %arg7[%swap3A_61, %swap3A_62] : memref<16x128xf32, #tpu.memory_space<vmem>>, vector<16x128xf32>
      tpu.vector_store %arg7[%swap3A_61, %swap3A_62], %broadcast_in_dim3A_60 {strides = array<i32>} : memref<16x128xf32, #tpu.memory_space<vmem>>, vector<16x128xf32>,
      %swap3A_64 = arith.constant 0.000000e+00 : f32
      %swap3A_65 = arith.constant 0 : index
      %swap3A_66 = arith.constant 0 : index
      %swap3A_67 = memref.load %arg6[%swap3A_65, %swap3A_66] : memref<1x1xf32, #tpu.memory_space<smem>>
      memref.store %swap3A_64, %arg6[%swap3A_65, %swap3A_66] : memref<1x1xf32, #tpu.memory_space<smem>>
    } else {
    }
    %get3A = arith.constant 0 : index
    %get3A_2 = arith.constant 0 : index
    %get3A_3 = vector.load %arg1[%get3A, %get3A_2] : memref<16x128xf32, #tpu.memory_space<vmem>>, vector<16x128xf32>
    %get3A_4 = arith.constant 0 : index
    %get3A_5 = arith.constant 0 : index
    %get3A_6 = vector.load %arg2[%get3A_4, %get3A_5] : memref<16x4096xf32, #tpu.memory_space<vmem>>, vector<16x4096xf32>
    %get3A_7 = arith.constant 0 : index
    %get3A_8 = arith.constant 0 : index
    %get3A_9 = vector.load %arg3[%get3A_7, %get3A_8] : memref<16x4096xf32, #tpu.memory_space<vmem>>, vector<16x4096xf32>
    %mul3A = arith.mulf %get3A_6, %get3A_9 : vector<16x4096xf32>
    %slice3A = vector.extract_strided_slice %mul3A {offsets = [0, 0], sizes = [16, 2048], strides = [1, 1]} : vector<16x4096xf32> to vector<16x2048xf32>
    %get3A_10 = arith.constant 0 : index
    %get3A_11 = arith.constant 0 : index
    %get3A_12 = vector.load %arg4[%get3A_10, %get3A_11] : memref<2048x64xf32, #tpu.memory_space<vmem>>, vector<2048x64xf32>
    %dot_general3A = arith.constant dense<0.000000e+00> : vector<16x64xf32>
    %dot_general3A_13 = tpu.matmul %slice3A, %get3A_12, %dot_general3A {dimension_numbers = #tpu.dot_dimension_numbers<[1], [0], [0], [1], [0, 0, 1, 1], [], []>, transpose_lhs_hint = false} : vector<16x2048xf32>, vector<2048x64xf32>, vector<16x64xf32> -> vector<16x64xf32>
    %slice3A_14 = vector.extract_strided_slice %get3A_3 {offsets = [0, 0], sizes = [16, 64], strides = [1, 1]} : vector<16x128xf32> to vector<16x64xf32>
    %get3A_15 = arith.constant 0 : index
    %get3A_16 = arith.constant 0 : index
    %get3A_17 = vector.load %arg7[%get3A_15, %get3A_16] : memref<16x128xf32, #tpu.memory_space<vmem>>, vector<16x64xf32>
    %gt3A = arith.constant 0.000000e+00 : f32
    %gt3A_18 = vector.broadcast %gt3A : f32 to vector<16x64xf32>
    %gt3A_19 = arith.cmpf ogt, %slice3A_14, %gt3A_18 : vector<16x64xf32>
    %jit3A = arith.constant 1.000000e+00 : f32
    %broadcast_in_dim3A = vector.broadcast %jit3A : f32 to vector<16x64xf32>
    %select_n3A = arith.select %gt3A_19, %dot_general3A_13, %broadcast_in_dim3A : vector<16x64xi1>, vector<16x64xf32>
    %log3A = math.log %select_n3A : vector<16x64xf32>
    %add3A = arith.addf %get3A_17, %log3A : vector<16x64xf32>
    %swap3A = arith.constant 0 : index
    %swap3A_20 = arith.constant 0 : index
    %swap3A_21 = vector.load %arg7[%swap3A, %swap3A_20] : memref<16x128xf32, #tpu.memory_space<vmem>>, vector<16x64xf32>
    tpu.vector_store %arg7[%swap3A, %swap3A_20], %add3A {strides = array<i32>} : memref<16x128xf32, #tpu.memory_space<vmem>>, vector<16x64xf32>,
    %slice3A_22 = vector.extract_strided_slice %mul3A {offsets = [0, 2048], sizes = [16, 2048], strides = [1, 1]} : vector<16x4096xf32> to vector<16x2048xf32>
    %get3A_23 = arith.constant 0 : index
    %get3A_24 = arith.constant 0 : index
    %get3A_25 = vector.load %arg4[%get3A_23, %get3A_24] : memref<2048x64xf32, #tpu.memory_space<vmem>>, vector<2048x64xf32>
    %dot_general3A_26 = arith.constant dense<0.000000e+00> : vector<16x64xf32>
    %dot_general3A_27 = tpu.matmul %slice3A_22, %get3A_25, %dot_general3A_26 {dimension_numbers = #tpu.dot_dimension_numbers<[1], [0], [0], [1], [0, 0, 1, 1], [], []>, transpose_lhs_hint = false} : vector<16x2048xf32>, vector<2048x64xf32>, vector<16x64xf32> -> vector<16x64xf32>
    %slice3A_28 = vector.extract_strided_slice %get3A_3 {offsets = [0, 64], sizes = [16, 64], strides = [1, 1]} : vector<16x128xf32> to vector<16x64xf32>
    %get3A_29 = arith.constant 0 : index
    %get3A_30 = arith.constant 64 : index
    %get3A_31 = vector.load %arg7[%get3A_29, %get3A_30] : memref<16x128xf32, #tpu.memory_space<vmem>>, vector<16x64xf32>
    %gt3A_32 = arith.constant 0.000000e+00 : f32
    %gt3A_33 = vector.broadcast %gt3A_32 : f32 to vector<16x64xf32>
    %gt3A_34 = arith.cmpf ogt, %slice3A_28, %gt3A_33 : vector<16x64xf32>
    %jit3A_35 = arith.constant 1.000000e+00 : f32
    %broadcast_in_dim3A_36 = vector.broadcast %jit3A_35 : f32 to vector<16x64xf32>
    %select_n3A_37 = arith.select %gt3A_34, %dot_general3A_27, %broadcast_in_dim3A_36 : vector<16x64xi1>, vector<16x64xf32>
    %log3A_38 = math.log %select_n3A_37 : vector<16x64xf32>
    %add3A_39 = arith.addf %get3A_31, %log3A_38 : vector<16x64xf32>
    %swap3A_40 = arith.constant 0 : index
    %swap3A_41 = arith.constant 64 : index
    %swap3A_42 = vector.load %arg7[%swap3A_40, %swap3A_41] : memref<16x128xf32, #tpu.memory_space<vmem>>, vector<16x64xf32>
    tpu.vector_store %arg7[%swap3A_40, %swap3A_41], %add3A_39 {strides = array<i32>} : memref<16x128xf32, #tpu.memory_space<vmem>>, vector<16x64xf32>,
    %get3A_43 = arith.constant 0 : index
    %get3A_44 = arith.constant 0 : index
    %get3A_45 = memref.load %arg6[%get3A_43, %get3A_44] : memref<1x1xf32, #tpu.memory_space<smem>>
    %reduce_sum3A = vector.shape_cast %get3A_3 : vector<16x128xf32> to vector<1x16x128xf32>
    %reduce_sum3A_46 = arith.constant dense<0.000000e+00> : vector<1xf32>
    %reduce_sum3A_47 = vector.multi_reduction <add>, %reduce_sum3A, %reduce_sum3A_46 [1, 2] : vector<1x16x128xf32> to vector<1xf32>
    %reduce_sum3A_48 = vector.shape_cast %reduce_sum3A_47 : vector<1xf32> to vector<1x1x1xf32>
    %reduce_sum3A_49 = vector.extract %reduce_sum3A_48[0, 0, 0] : f32 from vector<1x1x1xf32>
    %add3A_50 = arith.addf %get3A_45, %reduce_sum3A_49 : f32
    %swap3A_51 = arith.constant 0 : index
    %swap3A_52 = arith.constant 0 : index
    %swap3A_53 = memref.load %arg6[%swap3A_51, %swap3A_52] : memref<1x1xf32, #tpu.memory_space<smem>>
    memref.store %add3A_50, %arg6[%swap3A_51, %swap3A_52] : memref<1x1xf32, #tpu.memory_space<smem>>
    %eq3A_54 = arith.constant 15 : i32
    %eq3A_55 = arith.cmpi eq, %arg0, %eq3A_54 : i32
    %convert_element_type3A_56 = arith.extui %eq3A_55 : i1 to i32
    %cond3A_57 = arith.constant 0 : i32
    %cond3A_58 = arith.cmpi ne, %convert_element_type3A_56, %cond3A_57 : i32
    scf.if %cond3A_58 {
      %get3A_59 = arith.constant 0 : index
      %get3A_60 = arith.constant 0 : index
      %get3A_61 = vector.load %arg7[%get3A_59, %get3A_60] : memref<16x128xf32, #tpu.memory_space<vmem>>, vector<16x128xf32>
      %reduce_sum3A_62 = vector.shape_cast %get3A_61 : vector<16x128xf32> to vector<1x16x128xf32>
      %reduce_sum3A_63 = arith.constant dense<0.000000e+00> : vector<1xf32>
      %reduce_sum3A_64 = vector.multi_reduction <add>, %reduce_sum3A_62, %reduce_sum3A_63 [1, 2] : vector<1x16x128xf32> to vector<1xf32>
      %reduce_sum3A_65 = vector.shape_cast %reduce_sum3A_64 : vector<1xf32> to vector<1x1x1xf32>
      %reduce_sum3A_66 = vector.extract %reduce_sum3A_65[0, 0, 0] : f32 from vector<1x1x1xf32>
      %swap3A_67 = arith.constant 0 : index
      %swap3A_68 = arith.constant 0 : index
      %swap3A_69 = memref.load %arg5[%swap3A_67, %swap3A_68] : memref<1x1xf32, #tpu.memory_space<smem>>
      memref.store %reduce_sum3A_66, %arg5[%swap3A_67, %swap3A_68] : memref<1x1xf32, #tpu.memory_space<smem>>
    } else {
    }
    return
  }
  func.func @transform_0(%arg0: i32) -> (i32, i32) {
    %c0_i32 = arith.constant 0 : i32
    %c0_i32_0 = arith.constant 0 : i32
    return %c0_i32, %arg0 : i32, i32
  }
  func.func @transform_1(%arg0: i32) -> (i32, i32) {
    %c0_i32 = arith.constant 0 : i32
    %c0_i32_0 = arith.constant 0 : i32
    return %c0_i32, %arg0 : i32, i32
  }
  func.func @transform_2(%arg0: i32) -> (i32, i32) {
    %c0_i32 = arith.constant 0 : i32
    %c0_i32_0 = arith.constant 0 : i32
    return %c0_i32, %arg0 : i32, i32
  }
  func.func @transform_3(%arg0: i32) -> (i32, i32) {
    %c0_i32 = arith.constant 0 : i32
    %c0_i32_0 = arith.constant 0 : i32
    %c0_i32_1 = arith.constant 0 : i32
    return %c0_i32, %c0_i32_0 : i32, i32
  }
  func.func @transform_4(%arg0: i32) -> (i32, i32) {
    %c0_i32 = arith.constant 0 : i32
    %c0_i32_0 = arith.constant 0 : i32
    %c0_i32_1 = arith.constant 0 : i32
    return %c0_i32, %c0_i32_0 : i32, i32
  }
  func.func @transform_5(%arg0: i32) -> (i32, i32) {
    %c0_i32 = arith.constant 0 : i32
    %c0_i32_0 = arith.constant 0 : i32
    %c0_i32_1 = arith.constant 0 : i32
    return %c0_i32, %c0_i32_0 : i32, i32
  }
}

</mosaic_0001>

<sc_bundles>
// kernel: kernel.5.cloned.1.call-start
scs
__scs_entry_jumppad:
0x0: {  	(pc) =	sbr.rel $0x88, $3  }
0x1: {  	(tag) =	ssettag $0x0;
	lr =	simm.s32 $0x1  }
0x2: {  	[smem:$0x3F9C] =	sst lr;
	_ =	strace $0xD0000000  }
0x3: {  	_ = 	snop  }
0x4: {  	_ = 	snop  }
0x5: {  	_ = 	snop  }
0x6: {  	_ = 	snop  }
0x7: {  	_ = 	snop  }
__scs_overlays_trampoline_lowered:
0x8: {  	[smem:$0x3FAB] =	sst s0  }
0x9: {  	[smem:$0x3FAC] =	sst s1  }
0xa: {  	[smem:$0x3FAD] =	sst s2  }
0xb: {  	[smem:$0x3FAE] =	sst s3  }
0xc: {  	[smem:$0x3FAF] =	sst s4  }
0xd: {  	[smem:$0x3FB0] =	sst s5  }
0xe: {  	[smem:$0x3FB1] =	sst s6  }
0xf: {  	[smem:$0x3FB2] =	sst s7  }
0x10: {  	[smem:$0x3FB3] =	sst s8  }
0x11: {  	[smem:$0x3FB4] =	sst s9;
	s0 =	simm.s32 @!p0 $0x0  }
0x12: {  	s1 =	sld [smem:$0x3F9A];
	s0 =	simm.s32 @p0 $0x1  }
0x13: {  	[smem:$0x3FB5] =	sst s0;
	s0 =	simm.s32 @!p1 $0x0  }
0x14: {  	s2 =	sld [smem:$0x3F99];
	s0 =	simm.s32 @p1 $0x1  }
0x15: {  	[smem:$0x3FB6] =	sst s0;
	s0 =	simm.s32 @!p2 $0x0  }
0x16: {  	s3 =	sld [smem:$0x3FDB];
	s0 =	simm.s32 @p2 $0x1  }
0x17: {  	s4 =	simm.s32 $0x1BF5;
	[smem:$0x3FB8] =	sst s0  }
0x18: {  	s0 =	sld [smem:$0x3F9B];
	_ =	swait.ge [sflag:s4], $0x0  }
0x19: {  	s7 =	sld [smem:$0x3F9C]  }
0x1a: {  	s8 =	sadd.s32 $0xFFFFE003, lr  }
0x1b: {  	s9 =	sadd.s32 $0xFFFFFEF7, lr;
	s5 =	simm.s32 $0xFFFFFFFF;
	p2 =	slt.u32 s8, $0xFFFFF086  }
0x1c: {  	p1 =	slt.u32 s9, $0xF7A;
	s5 =	simm.s32 @!p2 $0x0  }
0x1d: {  	s5 =	simm.s32 @p1 $0x1;
	p0 =	seq.s32 s7, s2  }
0x1e: {  	s7 =	smul.u32 @!p0 $0xF7A, s2;
	p2 =	seq.s32 @!p0 s5, $0x0  }
0x1f: {  	s9 =	smul.u32 $0xF7A, s1;
	s8 =	simm.s32 @!p0 $0x1BF5;
	p2 =	por !p2, p0  }
0x20: {  	[sflag:s8] =	ssyncset.s32 @!p0 $0xFFFFF086;
	s6 =	sadd.s32 @!p0 s3, s7;
	s7 =	simm.s32 @!p0 $0x108  }
0x21: {  	s3 =	sadd.s32 s3, s9;
	s6 =	sadd.s32 @!p0 $0x88, s6;
	s7 =	simm.s32 @p2 $0x1082  }
0x22: {  	[simem:s7], [sflag:s8] =	dma.local @!p0 [hbm:s6], $0xF7A  }
0x23: {  	s9 =	sor.u32 $0xD0000000, s2;
	s6 =	simm.s32 $0x108;
	_ =	swait.ge @!p0 [sflag:s8], $0x0  }
0x24: {  	s3 =	sadd.s32 $0x88, s3;
	s6 =	simm.s32 @!p1 $0x1082;
	[sflag:s4] =	ssyncset.s32 $0xFFFFF086  }
0x25: {  	[simem:s6], [sflag:s4] =	dma.local [hbm:s3], $0xF7A  }
0x26: {  	[smem:$0x3F9C] =	sst s1;
	(tag) =	ssettag s2;
	_ =	strace s9  }
0x27: {  	s1 =	sld [smem:$0x3FAC]  }
0x28: {  	s2 =	sld [smem:$0x3FAD]  }
0x29: {  	s4 =	sld [smem:$0x3FAF]  }
0x2a: {  	p0 =	seq.s32 s5, $0x0;
	s5 =	sld [smem:$0x3FB0]  }
0x2b: {  	s6 =	sld [smem:$0x3FB1]  }
0x2c: {  	s7 =	sld [smem:$0x3FB2]  }
0x2d: {  	s3 =	simm.s32 $0x108;
	s8 =	sld [smem:$0x3FB3]  }
0x2e: {  	s3 =	simm.s32 @!p0 $0x1082;
	s9 =	sld [smem:$0x3FB4]  }
0x2f: {  	lr =	sadd.s32 s0, s3;
	s0 =	sld [smem:$0x3FAB]  }
0x30: {  	s3 =	sld [smem:$0x3FAE]  }
0x31: {  	[smem:$0x3FB7] =	sst s10  }
0x32: {  	s10 =	sld [smem:$0x3FB5];
	_ =	sdelay $0x3  }
0x33: {  	p0 =	seq.s32 s10, $0x1;
	s10 =	sld [smem:$0x3FB7];
	_ =	sdelay $0x3  }
0x34: {  	[smem:$0x3FB7] =	sst s10  }
0x35: {  	s10 =	sld [smem:$0x3FB6];
	_ =	sdelay $0x3  }
0x36: {  	p1 =	seq.s32 s10, $0x1;
	s10 =	sld [smem:$0x3FB7];
	_ =	sdelay $0x3  }
0x37: {  	[smem:$0x3FB7] =	sst s10  }
0x38: {  	s10 =	sld [smem:$0x3FB8]  }
0x39: {  	_ = 	snop;
	(pc) =	sbr.ind lr, $3  }
0x3a: {  	_ = 	snop  }
0x3b: {  	_ = 	snop  }
0x3c: {  	p2 =	seq.s32 s10, $0x1;
	s10 =	sld [smem:$0x3FB7]  }
0x3d: {  	_ =	shalt  }
0x3e: {  	_ =	shalt  }
0x3f: {  	_ =	shalt  }
0x40: {  	_ =	shalt  }
0x41: {  	_ =	shalt  }
0x42: {  	_ =	shalt  }
0x43: {  	_ =	shalt  }
0x44: {  	_ =	shalt  }
0x45: {  	_ =	shalt  }
0x46: {  	_ =	shalt  }
0x47: {  	_ =	shalt  }
0x48: {  	_ =	shalt  }
0x49: {  	_ =	shalt  }
0x4a: {  	_ =	shalt  }
0x4b: {  	_ =	shalt  }
0x4c: {  	_ =	shalt  }
0x4d: {  	_ =	shalt  }
0x4e: {  	_ =	shalt  }
0x4f: {  	_ =	shalt  }
0x50: {  	_ =	shalt  }
0x51: {  	_ =	shalt  }
0x52: {  	_ =	shalt  }
0x53: {  	_ =	shalt  }
0x54: {  	_ =	shalt  }
0x55: {  	_ =	shalt  }
0x56: {  	_ =	shalt  }
0x57: {  	_ =	shalt  }
0x58: {  	_ =	shalt  }
0x59: {  	_ =	shalt  }
0x5a: {  	_ =	shalt  }
0x5b: {  	_ =	shalt  }
0x5c: {  	_ =	shalt  }
0x5d: {  	_ =	shalt  }
0x5e: {  	_ =	shalt  }
0x5f: {  	_ =	shalt  }
0x60: {  	_ =	shalt  }
0x61: {  	_ =	shalt  }
0x62: {  	_ =	shalt  }
0x63: {  	_ =	shalt  }
0x64: {  	_ =	shalt  }
0x65: {  	_ =	shalt  }
0x66: {  	_ =	shalt  }
0x67: {  	_ =	shalt  }
0x68: {  	_ =	shalt  }
0x69: {  	_ =	shalt  }
0x6a: {  	_ =	shalt  }
0x6b: {  	_ =	shalt  }
0x6c: {  	_ =	shalt  }
0x6d: {  	_ =	shalt  }
0x6e: {  	_ =	shalt  }
0x6f: {  	_ =	shalt  }
0x70: {  	_ =	shalt  }
0x71: {  	_ =	shalt  }
0x72: {  	_ =	shalt  }
0x73: {  	_ =	shalt  }
0x74: {  	_ =	shalt  }
0x75: {  	_ =	shalt  }
0x76: {  	_ =	shalt  }
0x77: {  	_ =	shalt  }
0x78: {  	_ =	shalt  }
0x79: {  	_ =	shalt  }
0x7a: {  	_ =	shalt  }
0x7b: {  	_ =	shalt  }
0x7c: {  	_ =	shalt  }
0x7d: {  	_ =	shalt  }
0x7e: {  	_ =	shalt  }
0x7f: {  	_ =	shalt  }
0x80: {  	_ =	shalt  }
0x81: {  	_ =	shalt  }
0x82: {  	_ =	shalt  }
0x83: {  	_ =	shalt  }
0x84: {  	_ =	shalt  }
0x85: {  	_ =	shalt  }
0x86: {  	_ =	shalt  }
0x87: {  	_ =	shalt  }
.Lfunc_end0:
.L_simem_size_0:
called_computation_lowered:
.L_overlay_start_0:
0x88: {  	s2 =	sld [smem:$0x3FD9]  }
0x89: {  	s3 =	sld [smem:$0x3FFE];
	_ =	sdelay $0x1  }
0x8a: {  	s1 =	srdreg.scid  }
0x8b: {  	s0 =	sand.u32 $0x1, s1  }
0x8c: {  	s17 =	sshll.u32 s0, $0xA;
	s2 =	sadd.s32 s3, s2  }
0x8d: {  	s2 =	sadd.s32 s2, s17  }
0x8e: {  	[smem:$0x3FC3] =	sst s2  }
0x8f: {  	_ = 	snop  }
0x90: {  	s2 =	sld [smem:$0x3FC9];
	(tm) =	ssettm $0x1  }
0x91: {  	s18 =	sld [smem:$0x3FFB];
	_ =	sdelay $0x3  }
0x92: {  	_ =	strace s18  }
0x93: {  	s3 =	sld [smem:$0x3FFC];
	_ =	sdelay $0x3  }
0x94: {  	_ =	strace s3  }
0x95: {  	s3 =	sld [smem:$0x3FFD];
	_ =	sdelay $0x3  }
0x96: {  	_ =	strace s3  }
0x97: {  	_ =	strace $0x8FFFFFFF  }
0x98: {  	s19 =	sld [smem:$0x3FDB];
	_ =	sdelay $0x1  }
0x99: {  	s4 =	simm.s32 $_scs_section_size  }
0x9a: {  	s5 =	simm.s32 $_size__tile_overlayer_lowered;
	s6 =	simm.s32 $_tile_overlayer_lowered  }
0x9b: {  	s22 =	simm.s32 $0x1BFF;
	s21 =	sshll.u32 s6, $0x1;
	s3 =	sadd.s32 s4, s19  }
0x9c: {  	s7 =	simm.s32 $0x0;
	s20 =	sshll.u32 s5, $0x1;
	s5 =	sadd.s32 s21, s3  }
0x9d: {  	[timem:s7], [sflag:s22] =	dma.local [hbm:s5], s20  }
0x9e: {  	_ =	swait.ge [sflag:s22], s20  }
0x9f: {  	s4 =	ssub.s32 $0x0, s20;
	[sflag:s22] =	ssyncset.done $0x0  }
0xa0: {  	[sflag:s22] =	ssyncadd.s32 s4;
	_ =	sdelay $0x1  }
0xa1: {  	s23 =	simm.s32 $0x1B8B  }
0xa2: {  	_ =	swait.ge [sflag:s23], $0x1  }
0xa3: {  	[sflag:s23] =	ssyncset.done $0x0  }
0xa4: {  	s25 =	simm.s32 $0x1B8E;
	s24 =	sld [smem:$0x3FFE];
	[sflag:s23] =	ssyncadd.s32 $0xFFFFFFFF  }
0xa5: {  	s26 =	simm.s32 $execute0_lowered;
	[smem:$0x3FD2] =	sst s25  }
0xa6: {  	s5 =	sshll.u32 s26, $0x1;
	_ =	strace $0x80000046;
	[dreg:$0x1] =	wrdreg $0xFFFFFFFF  }
0xa7: {  	s28 =	simm.s32 $_size_execute0_lowered;
	s3 =	sadd.s32 s3, s5;
	[dreg:$0x0] =	wrdreg $0x0  }
0xa8: {  	s5 =	sshll.u32 s28, $0x1;
	[dreg:$0x2] =	wrdreg s3  }
0xa9: {  	[dreg:$0x3] =	wrdreg s5  }
0xaa: {  	[dreg:$0x4] =	wrdreg $0xC0  }
0xab: {  	_ =	task [dreg:s7], $0x5FFFF  }
0xac: {  	[dreg:$0x1] =	wrdreg $0xFFFFFFFF  }
0xad: {  	[dreg:$0x0] =	wrdreg $0x60  }
0xae: {  	[dreg:$0x2] =	wrdreg s2  }
0xaf: {  	[dreg:$0x3] =	wrdreg s24  }
0xb0: {  	[dreg:$0x4] =	wrdreg $0x9  }
0xb1: {  	_ =	task.clear_ibuf [dreg:s7], $0x5FFFF;
	_ =	strace $0x90000046  }
0xb2: {  	s29 =	simm.s32 $0x9;
	_ =	strace $0x80000048  }
0xb3: {  	_ =	swait.ge [sflag:s29], $0x1  }
0xb4: {  	[sflag:s29] =	ssyncadd.s32 $0xFFFFFFFF  }
0xb5: {  	_ =	strace $0x90000048  }
0xb6: {  	_ =	sfence  }
0xb7: {  	s30 =	sld [smem:$0x0];
	_ =	sdelay $0x2  }
0xb8: {  	s31 =	sshll.u32 s1, $0xD;
	s1 =	sshrl.u32 s1, $0x2  }
0xb9: {  	s3 =	sand.u32 $0x4000, s31;
	s1 =	sadd.s32 s1, s30  }
0xba: {  	s0 =	sor.u32 s3, s0;
	s1 =	sshll.u32 s1, $0x11  }
0xbb: {  	s0 =	sor.u32 s1, s0  }
0xbc: {  	s0 =	sadd.s32 $0x8F2B, s0  }
0xbd: {  	[sflag:s0] =	ssyncadd.remote.s32 $0x1  }
0xbe: {  	_ =	sfence.sel $0xFFFF  }
0xbf: {  	[dreg:$0x0] =	wrdreg $0xFFFFFFFF;
	(pc) =	sbr.abs _section_cstart, $3  }
0xc0: {  	[dreg:$0x1] =	wrdreg $0xFFFFFFFF  }
0xc1: {  	_ =	task.clear_ibuf [dreg:s7], $0x2FFFF;
	_ =	strace $0x9FFFFFFF  }
0xc2: {  	(tm) =	ssettm $0x7FFFFFFF  }
0xc3: {  	_ =	shalt  }
tec
execute0_lowered:
.L_overlay_start_1:
0x0: {  	(tag) =	ssettag $0x1  }
0x1: {  	s1 =	srdreg.scid;
	s6 =	rddreg [dreg:$0x0]  }
0x2: {  	s0 =	stileid.u32;
	s7 =	rddreg [dreg:$0x1];
	s9 =	simm.s32 $0x180  }
0x3: {  	s16 =	simm.s32 $0x14000;
	s17 =	simm.s32 $0x3;
	s18 =	simm.s32 $0x14180  }
0x4: {  	s19 =	simm.s32 $0xA000;
	s20 =	simm.s32 $0x14300;
	s4 =	sand.u32 $0x1, s1  }
0x5: {  	s21 =	sshll.u32 s0, $0x1;
	s1 =	simm.s32 $0x1;
	s12 =	sadd.s32 $0x1A00, s7  }
0x6: {  	s5 =	sor.u32 s4, s21;
	p1 =	seq.s32 s4, $0x1;
	s4 =	ssub.s32 $0x2, s4  }
0x7: {  	s21 =	simm.s32 $0x2;
	p0 =	seq.s32 s5, $0x0;
	s9 =	simm.s32 @!p1 $0x0  }
0x8: {  	s5 =	sshll.u32 s5, $0x4;
	s24 =	sshrl.u32 s4, $0x1;
	p0 =	por !p0, !p1  }
0x9: {  	s10 =	sshll.u32 s9, $0x3;
	s9 =	sshrl.u32 s9, $0x3;
	p0 =	por !p0, !p0  }
0xa: {  	s13 =	sadd.s32 s5, s7;
	s14 =	ssub.s32 s4, s24;
	s1 =	simm.s32 @!p0 $0x0  }
0xb: {  	s9 =	smul.u32 $0x1400, s9;
	s8 =	ssub.s32 s0, s1;
	s1 =	rddreg [dreg:$0x2]  }
0xc: {  	s2 =	sshll.u32 s8, $0xB;
	s11 =	sshll.u32 s8, $0x7;
	s8 =	smul.u32 $0x140000, s8  }
0xd: {  	s3 =	sand.u32 $0xFFFFC000, s2;
	s2 =	simm.s32 $0x0;
	s22 =	sand.u32 $0x380, s11  }
0xe: {  	s3 =	sor.u32 s10, s3;
	[smem:$0x7FF] =	sst s2;
	s9 =	sor.u32 s9, s8  }
0xf: {  	s10 =	sor.u32 s22, s3;
	_ =	strace $0x80000047;
	s3 =	simm.s32 $0x1  }
0x10: {  	s25 =	sadd.s32 $0xA000, s9;
	s26 =	sadd.s32 $0x14000, s9;
	s8 =	sshrl.u32 s9, $0x3  }
0x11: {  	s30 =	sadd.s32 $0x1E000, s9;
	s31 =	sadd.s32 $0x28000, s9;
	s9 =	sadd.s32 $0x32000, s9  }
0x12: {  	s22 =	simm.s32 $0x14480;
	s10 =	sshrl.u32 s10, $0x3;
	s28 =	sshrl.u32 s25, $0x3  }
0x13: {  	s29 =	sshrl.u32 s26, $0x3;
	s11 =	sshrl.u32 s31, $0x3;
	s15 =	sshrl.u32 s9, $0x3  }
0x14: {  	s23 =	sadd.s32 s10, s7;
	s4 =	sadd.s32 s6, s10;
	s6 =	sadd.s32 s12, s8  }
0x15: {  	s7 =	sadd.s32 s12, s28;
	s8 =	sadd.s32 s12, s29;
	s10 =	sshrl.u32 s30, $0x3  }
0x16: {  	s5 =	sadd.s32 $0xA00, s23;
	s9 =	sadd.s32 s12, s10;
	s10 =	sadd.s32 s12, s11  }
0x17: {  	s11 =	sadd.s32 s12, s15;
	s12 =	sadd.s32 $0x281A00, s13;
	s13 =	smax.u32 s14, $0x1  }
0x18: {  	s14 =	simm.s32 $0x80;
	s15 =	simm.s32 $0x400;
	s23 =	simm.s32 $0x0  }
.LBB2_1:
0x19: {  	[tilespmem:s16], [sflag:$0x3] =	stream.strided.gather [hbm4b:s4+s14], $0x180, s15, s14, $0x38;
	[tilespmem:$0x14500] =	vst v63  }
0x1a: {  	_ =	swait.ge [sflag:s17], $0x180  }
0x1b: {  	[sflag:s17] =	ssyncset.done $0x0  }
0x1c: {  	[sflag:s17] =	ssyncadd.s32 $0xFFFFFE80  }
0x1d: {  	[tilespmem:s18], [sflag:$0x3] =	stream.strided.gather [hbm4b:s5+s14], $0x180, s15, s14, $0x38;
	[tilespmem:$0x14500] =	vst v63  }
0x1e: {  	_ =	swait.ge [sflag:s17], $0x180  }
0x1f: {  	[sflag:s17] =	ssyncset.done $0x0  }
0x20: {  	[sflag:s17] =	ssyncadd.s32 $0xFFFFFE80  }
0x21: {  	[tilespmem:s2], [sflag:$0x1] =	stream.linear.gather [hbm4b:s6+s2], $0xA000, $0x38;
	[tilespmem:$0x14500] =	vst v63  }
0x22: {  	v0 =	vld [tilespmem:$0x14000]  }
0x23: {  	v1 =	vld [tilespmem:$0x14180]  }
0x24: {  	v2 =	vld [tilespmem:$0x14010]  }
0x25: {  	v3 =	vld [tilespmem:$0x14190]  }
0x26: {  	v4 =	vld [tilespmem:$0x14020]  }
0x27: {  	v5 =	vld [tilespmem:$0x141A0]  }
0x28: {  	v6 =	vld [tilespmem:$0x14030]  }
0x29: {  	v7 =	vld [tilespmem:$0x141B0]  }
0x2a: {  	v8 =	vld [tilespmem:$0x14040]  }
0x2b: {  	v9 =	vld [tilespmem:$0x141C0]  }
0x2c: {  	v10 =	vld [tilespmem:$0x14050]  }
0x2d: {  	v11 =	vld [tilespmem:$0x141D0]  }
0x2e: {  	v12 =	vld [tilespmem:$0x14060]  }
0x2f: {  	v13 =	vld [tilespmem:$0x141E0]  }
0x30: {  	v14 =	vld [tilespmem:$0x14070]  }
0x31: {  	v15 =	vld [tilespmem:$0x141F0]  }
0x32: {  	v16 =	vld [tilespmem:$0x14080]  }
0x33: {  	v17 =	vld [tilespmem:$0x14200]  }
0x34: {  	v18 =	vld [tilespmem:$0x14090]  }
0x35: {  	v19 =	vld [tilespmem:$0x14210]  }
0x36: {  	v20 =	vld [tilespmem:$0x140A0]  }
0x37: {  	v21 =	vld [tilespmem:$0x14220]  }
0x38: {  	v22 =	vld [tilespmem:$0x140B0]  }
0x39: {  	v23 =	vld [tilespmem:$0x14230]  }
0x3a: {  	v24 =	vld [tilespmem:$0x140C0]  }
0x3b: {  	v25 =	vld [tilespmem:$0x14240]  }
0x3c: {  	v26 =	vld [tilespmem:$0x140D0]  }
0x3d: {  	v27 =	vld [tilespmem:$0x14250]  }
0x3e: {  	v0 =	vmul.f32 v1, v0;
	v2 =	vmul.f32 v3, v2;
	v3 =	vld [tilespmem:$0x140F0]  }
0x3f: {  	v4 =	vmul.f32 v5, v4;
	v5 =	vld [tilespmem:$0x14270]  }
0x40: {  	v28 =	vld [tilespmem:$0x140E0];
	v0 =	vmul.f32 $5.000000070e-02, v0  }
0x41: {  	v1 =	vld [tilespmem:$0x14260];
	v6 =	vmul.f32 v7, v6;
	v2 =	vmul.f32 $5.000000070e-02, v2  }
0x42: {  	v7 =	vld [tilespmem:$0x14100];
	[tilespmem:$0x14300] =	vst v0;
	v0 =	vmul.f32 $5.000000070e-02, v4  }
0x43: {  	v4 =	vmul.f32 v9, v8;
	v8 =	vld [tilespmem:$0x14280];
	[tilespmem:$0x14310] =	vst v2;
	v2 =	vmul.f32 $5.000000070e-02, v6  }
0x44: {  	v6 =	vmul.f32 v11, v10;
	v9 =	vld [tilespmem:$0x14110];
	v3 =	vmul.f32 v5, v3  }
0x45: {  	v10 =	vld [tilespmem:$0x14290];
	[tilespmem:$0x14320] =	vst v0;
	v0 =	vmul.f32 $5.000000070e-02, v4;
	v4 =	vmul.f32 v13, v12  }
0x46: {  	v11 =	vld [tilespmem:$0x14120];
	[tilespmem:$0x14330] =	vst v2;
	v2 =	vmul.f32 $5.000000070e-02, v6;
	v6 =	vmul.f32 v15, v14  }
0x47: {  	v5 =	vld [tilespmem:$0x14160];
	[tilespmem:$0x14340] =	vst v0;
	v0 =	vmul.f32 $5.000000070e-02, v4;
	v4 =	vmul.f32 v17, v16  }
0x48: {  	v12 =	vld [tilespmem:$0x142A0];
	[tilespmem:$0x14350] =	vst v2;
	v2 =	vmul.f32 $5.000000070e-02, v6;
	v6 =	vmul.f32 v19, v18  }
0x49: {  	v13 =	vld [tilespmem:$0x14130];
	[tilespmem:$0x14360] =	vst v0;
	v0 =	vmul.f32 $5.000000070e-02, v4;
	v4 =	vmul.f32 v21, v20  }
0x4a: {  	v14 =	vld [tilespmem:$0x142B0];
	[tilespmem:$0x14370] =	vst v2;
	v2 =	vmul.f32 $5.000000070e-02, v6;
	v6 =	vmul.f32 v23, v22  }
0x4b: {  	v15 =	vld [tilespmem:$0x14140];
	[tilespmem:$0x14380] =	vst v0;
	v0 =	vmul.f32 $5.000000070e-02, v4;
	v4 =	vmul.f32 v25, v24  }
0x4c: {  	v16 =	vld [tilespmem:$0x142C0];
	[tilespmem:$0x14390] =	vst v2;
	v2 =	vmul.f32 $5.000000070e-02, v6;
	v6 =	vmul.f32 v27, v26  }
0x4d: {  	v1 =	vmul.f32 v1, v28;
	v17 =	vld [tilespmem:$0x14150];
	[tilespmem:$0x143A0] =	vst v0;
	v0 =	vmul.f32 $5.000000070e-02, v4  }
0x4e: {  	v4 =	vld [tilespmem:$0x142D0];
	[tilespmem:$0x143B0] =	vst v2;
	v2 =	vmul.f32 $5.000000070e-02, v6  }
0x4f: {  	v6 =	vld [tilespmem:$0x142E0];
	[tilespmem:$0x143C0] =	vst v0;
	v0 =	vmul.f32 $5.000000070e-02, v1;
	v1 =	vmul.f32 v8, v7  }
0x50: {  	[tilespmem:$0x143D0] =	vst v2;
	v2 =	vmul.f32 $5.000000070e-02, v3;
	v3 =	vmul.f32 v10, v9;
	v7 =	vld [tilespmem:$0x14170]  }
0x51: {  	v8 =	vld [tilespmem:$0x142F0];
	[tilespmem:$0x143E0] =	vst v0;
	v0 =	vmul.f32 $5.000000070e-02, v1;
	v1 =	vmul.f32 v12, v11  }
0x52: {  	[tilespmem:$0x143F0] =	vst v2;
	v2 =	vmul.f32 $5.000000070e-02, v3;
	v3 =	vmul.f32 v14, v13  }
0x53: {  	[tilespmem:$0x14400] =	vst v0;
	v0 =	vmul.f32 $5.000000070e-02, v1;
	v1 =	vmul.f32 v16, v15  }
0x54: {  	[tilespmem:$0x14410] =	vst v2;
	v2 =	vmul.f32 $5.000000070e-02, v3;
	v3 =	vmul.f32 v4, v17  }
0x55: {  	[tilespmem:$0x14420] =	vst v0;
	v0 =	vmul.f32 $5.000000070e-02, v1;
	v1 =	vmul.f32 v6, v5  }
0x56: {  	[tilespmem:$0x14430] =	vst v2;
	v2 =	vmul.f32 $5.000000070e-02, v3;
	v3 =	vmul.f32 v8, v7  }
0x57: {  	[tilespmem:$0x14440] =	vst v0;
	v0 =	vmul.f32 $5.000000070e-02, v1  }
0x58: {  	[tilespmem:$0x14450] =	vst v2;
	v1 =	vmul.f32 $5.000000070e-02, v3  }
0x59: {  	s24 =	simm.s32 $0x0;
	[tilespmem:$0x14460] =	vst v0  }
0x5a: {  	s24 =	smul.u32 $0x5000, s24;
	[tilespmem:$0x14470] =	vst v1  }
0x5b: {  	_ =	swait.ge [sflag:s3], $0xA000  }
0x5c: {  	s25 =	sand.u32 $0x380, s2;
	s24 =	sshra.s32 s24, $0x2;
	[sflag:s3] =	ssyncset.done $0x0  }
0x5d: {  	s24 =	sor.u32 s25, s24;
	[sflag:s3] =	ssyncadd.s32 $0xFFFF6000  }
0x5e: {  	[tilespmem:s19], [sflag:$0x2] =	stream.linear.gather [hbm4b:s7+s2], $0xA000, $0x38;
	[tilespmem:$0x14500] =	vst v63  }
0x5f: {  	v3 =	vld [tilespmem:s24+$0x1040]  }
0x60: {  	v5 =	vld [tilespmem:s24+$0x1050]  }
0x61: {  	v6 =	vld [tilespmem:s24+$0x1000]  }
0x62: {  	v8 =	vld [tilespmem:s24+$0x1010]  }
0x63: {  	v7 =	vld [tilespmem:s24+$0xC40]  }
0x64: {  	v9 =	vld [tilespmem:s24+$0xC50]  }
0x65: {  	v2 =	vld [tilespmem:s24+$0xC00]  }
0x66: {  	v4 =	vld [tilespmem:s24+$0xC10]  }
0x67: {  	v0 =	vld [tilespmem:s24+$0x840]  }
0x68: {  	v10 =	vld [tilespmem:s24+$0x850]  }
0x69: {  	v11 =	vld [tilespmem:s24+$0x800]  }
0x6a: {  	v12 =	vld [tilespmem:s24+$0x810]  }
0x6b: {  	v13 =	vld [tilespmem:s24+$0x440]  }
0x6c: {  	v14 =	vld [tilespmem:s24+$0x450]  }
0x6d: {  	v15 =	vld [tilespmem:s24+$0x400]  }
0x6e: {  	v16 =	vld [tilespmem:s24+$0x410]  }
0x6f: {  	s26 =	simm.s32 $0x1;
	s28 =	simm.s32 $0x0;
	s25 =	simm.s32 $0x0;
	v1 =	vimm.f32 $0.0e+00;
	v17 =	vld [tilespmem:s24+$0x40]  }
.LBB2_2:
0x70: {  	p0 =	sne.s32 s26, $0x3F;
	v18 =	vld [tilespmem:s24+$0x50]  }
0x71: {  	v19 =	vld [tilespmem:s24+$0x0]  }
0x72: {  	v20 =	vld [tilespmem:s24+$0x10]  }
0x73: {  	v21 =	vld [tilespmem:s24+$0x20]  }
0x74: {  	v22 =	vld [tilespmem:s24+$0x30]  }
0x75: {  	v23 =	vld [tilespmem:s24+$0x60]  }
0x76: {  	v24 =	vld [tilespmem:s24+$0x70]  }
0x77: {  	v25 =	vld [tilespmem:s24+$0x420]  }
0x78: {  	v19 =	vadd.f32 $0.0e+00, v19;
	v20 =	vadd.f32 $0.0e+00, v20;
	v26 =	vld [tilespmem:s24+$0x430]  }
0x79: {  	v21 =	vadd.f32 $0.0e+00, v21;
	v22 =	vadd.f32 $0.0e+00, v22;
	v27 =	vld [tilespmem:s24+$0x460]  }
0x7a: {  	v17 =	vadd.f32 v17, v19;
	v18 =	vadd.f32 v18, v20;
	v19 =	vld [tilespmem:s24+$0x470]  }
0x7b: {  	v20 =	vadd.f32 v23, v21;
	v21 =	vadd.f32 v24, v22;
	v22 =	vld [tilespmem:s24+$0x820]  }
0x7c: {  	v15 =	vadd.f32 v15, v17;
	v16 =	vadd.f32 v16, v18;
	v17 =	vld [tilespmem:s24+$0x830]  }
0x7d: {  	v18 =	vadd.f32 v25, v20;
	v20 =	vadd.f32 v26, v21;
	v21 =	vld [tilespmem:s24+$0x860]  }
0x7e: {  	v13 =	vadd.f32 v13, v15;
	v14 =	vadd.f32 v14, v16;
	v15 =	vld [tilespmem:s24+$0x870]  }
0x7f: {  	v16 =	vadd.f32 v27, v18;
	v18 =	vadd.f32 v19, v20;
	v19 =	vld [tilespmem:s24+$0xC20]  }
0x80: {  	v11 =	vadd.f32 v11, v13;
	v12 =	vadd.f32 v12, v14;
	v13 =	vld [tilespmem:s24+$0xC30]  }
0x81: {  	v14 =	vadd.f32 v22, v16;
	v16 =	vadd.f32 v17, v18;
	v17 =	vld [tilespmem:s24+$0xC60]  }
0x82: {  	v0 =	vadd.f32 v0, v11;
	v18 =	vmov s25;
	v10 =	vadd.f32 v10, v12;
	s25 =	smov.u32 s26;
	v11 =	vld [tilespmem:s24+$0xC70]  }
0x83: {  	s29 =	sshrl.u32 s26, $0x3;
	v12 =	vadd.f32 v21, v14;
	v14 =	vadd.f32 v15, v16;
	v15 =	vld [tilespmem:s24+$0x1020]  }
0x84: {  	s29 =	smul.u32 $0x5000, s29;
	v0 =	vadd.f32 v2, v0;
	v2 =	vadd.f32 v4, v10;
	v4 =	vld [tilespmem:s24+$0x1030]  }
0x85: {  	s28 =	sadd.s32 $0x80, s28;
	v10 =	vadd.f32 v19, v12;
	v12 =	vadd.f32 v13, v14;
	v13 =	vld [tilespmem:s24+$0x1060]  }
0x86: {  	s30 =	sand.u32 $0x380, s28;
	s29 =	sshra.s32 s29, $0x2;
	v0 =	vadd.f32 v7, v0;
	v2 =	vadd.f32 v9, v2;
	v7 =	vld [tilespmem:s24+$0x1070]  }
0x87: {  	s24 =	sor.u32 s30, s29;
	v9 =	vadd.f32 v17, v10;
	v14 =	vld.idx.msk [tilespmem:v18+s20+$0x0], $0xffff;
	v10 =	vadd.f32 v11, v12  }
0x88: {  	v0 =	vadd.f32 v6, v0;
	v2 =	vadd.f32 v8, v2;
	v11 =	vld [tilespmem:s24+$0x1040]  }
0x89: {  	v9 =	vadd.f32 v15, v9;
	v12 =	vld [tilespmem:s24+$0x1050];
	v4 =	vadd.f32 v4, v10  }
0x8a: {  	v0 =	vadd.f32 v3, v0;
	v2 =	vadd.f32 v5, v2;
	v6 =	vld [tilespmem:s24+$0x1000]  }
0x8b: {  	v13 =	vadd.f32 v13, v9;
	v8 =	vld [tilespmem:s24+$0x1010];
	v4 =	vadd.f32 v7, v4  }
0x8c: {  	v7 =	vld [tilespmem:s24+$0xC40]  }
0x8d: {  	v0 =	vadd.f32 v2, v0;
	v9 =	vld [tilespmem:s24+$0xC50];
	v10 =	vadd.f32 v4, v13;
	v3 =	vmov v11  }
0x8e: {  	v2 =	vld [tilespmem:s24+$0xC00];
	v5 =	vmov v12  }
0x8f: {  	v4 =	vld [tilespmem:s24+$0xC10];
	v11 =	vadd.f32 v10, v0  }
0x90: {  	v0 =	vld [tilespmem:s24+$0x840]  }
0x91: {  	v10 =	vld [tilespmem:s24+$0x850];
	v13 =	vmul.f32 v11, v14  }
0x92: {  	v11 =	vld [tilespmem:s24+$0x800]  }
0x93: {  	v12 =	vld [tilespmem:s24+$0x810];
	v1 =	vadd.f32 v13, v1  }
.Ltmp0:
0x94: {  	v13 =	vld [tilespmem:s24+$0x440];
	(pc) =	sbr.rel @p0 .LBB2_2-.Ltmp0, $4  }
0x95: {  	v14 =	vld [tilespmem:s24+$0x450]  }
0x96: {  	v15 =	vld [tilespmem:s24+$0x400]  }
0x97: {  	v16 =	vld [tilespmem:s24+$0x410]  }
0x98: {  	s26 =	sadd.s32 $0x1, s26;
	v17 =	vld [tilespmem:s24+$0x40]  }
0x99: {  	v18 =	vld [tilespmem:s24+$0x50]  }
0x9a: {  	v19 =	vld [tilespmem:s24+$0x0]  }
0x9b: {  	v20 =	vld [tilespmem:s24+$0x10]  }
0x9c: {  	v21 =	vld [tilespmem:s24+$0x20]  }
0x9d: {  	v22 =	vld [tilespmem:s24+$0x30]  }
0x9e: {  	v23 =	vld [tilespmem:s24+$0x60]  }
0x9f: {  	v24 =	vld [tilespmem:s24+$0x70]  }
0xa0: {  	v25 =	vld [tilespmem:s24+$0x420]  }
0xa1: {  	v26 =	vld [tilespmem:s24+$0x430]  }
0xa2: {  	v27 =	vld [tilespmem:s24+$0x460]  }
0xa3: {  	v28 =	vld [tilespmem:s24+$0x470]  }
0xa4: {  	v29 =	vld [tilespmem:s24+$0x820]  }
0xa5: {  	v30 =	vld [tilespmem:s24+$0x830]  }
0xa6: {  	v31 =	vld [tilespmem:s24+$0x860]  }
0xa7: {  	v32 =	vld [tilespmem:s24+$0x870]  }
0xa8: {  	v33 =	vld [tilespmem:s24+$0xC20]  }
0xa9: {  	v34 =	vld [tilespmem:s24+$0xC30];
	v19 =	vadd.f32 $0.0e+00, v19;
	v20 =	vadd.f32 $0.0e+00, v20  }
0xaa: {  	v35 =	vld [tilespmem:s24+$0xC60];
	v21 =	vadd.f32 $0.0e+00, v21;
	v22 =	vadd.f32 $0.0e+00, v22  }
0xab: {  	v36 =	vmov s25;
	v37 =	vld [tilespmem:s24+$0xC70];
	v17 =	vadd.f32 v17, v19;
	v18 =	vadd.f32 v18, v20  }
0xac: {  	v38 =	vld [tilespmem:s24+$0x1020];
	v60 =	vadd.f32 v23, v21;
	v61 =	vadd.f32 v24, v22  }
0xad: {  	v39 =	vld [tilespmem:s24+$0x1030];
	v15 =	vadd.f32 v15, v17;
	v16 =	vadd.f32 v16, v18  }
0xae: {  	v62 =	vld [tilespmem:s24+$0x1070];
	s31 =	simm.s32 $0x0;
	v18 =	vadd.f32 v25, v60;
	v63 =	vadd.f32 v26, v61  }
0xaf: {  	v19 =	vld [tilespmem:s24+$0x1060];
	s24 =	smul.u32 $0x5000, s31;
	v13 =	vadd.f32 v13, v15;
	v14 =	vadd.f32 v14, v16  }
0xb0: {  	s25 =	simm.s32 $0x0;
	v17 =	vld.idx.msk [tilespmem:v36+s20+$0x0], $0xffff;
	_ =	swait.ge [sflag:s21], $0xA000;
	v15 =	vadd.f32 v27, v18;
	v16 =	vadd.f32 v28, v63  }
0xb1: {  	s26 =	sand.u32 $0x380, s25;
	s24 =	sshra.s32 s24, $0x2;
	[sflag:s21] =	ssyncset.done $0x0;
	v11 =	vadd.f32 v11, v13;
	v12 =	vadd.f32 v12, v14  }
0xb2: {  	s24 =	sor.u32 s26, s24;
	[sflag:s21] =	ssyncadd.s32 $0xFFFF6000;
	v13 =	vadd.f32 v29, v15;
	v14 =	vadd.f32 v30, v16  }
0xb3: {  	[tilespmem:s25], [sflag:$0x1] =	stream.linear.gather [hbm4b:s8+s25], $0xA000, $0x38;
	v11 =	vadd.f32 v0, v11;
	v10 =	vadd.f32 v10, v12;
	[tilespmem:$0x14500] =	vst v63  }
0xb4: {  	v15 =	vld [tilespmem:s24+$0xA450];
	v12 =	vadd.f32 v31, v13;
	v13 =	vadd.f32 v32, v14  }
0xb5: {  	v16 =	vld [tilespmem:s24+$0xA400];
	v11 =	vadd.f32 v2, v11;
	v10 =	vadd.f32 v4, v10  }
0xb6: {  	v0 =	vld [tilespmem:s24+$0xB040];
	v12 =	vadd.f32 v33, v12;
	v13 =	vadd.f32 v34, v13  }
0xb7: {  	v2 =	vld [tilespmem:s24+$0xB050];
	v11 =	vadd.f32 v7, v11;
	v10 =	vadd.f32 v9, v10  }
0xb8: {  	v4 =	vld [tilespmem:s24+$0xB000];
	v12 =	vadd.f32 v35, v12;
	v13 =	vadd.f32 v37, v13  }
0xb9: {  	v7 =	vld [tilespmem:s24+$0xB010];
	v11 =	vadd.f32 v6, v11;
	v10 =	vadd.f32 v8, v10  }
0xba: {  	v9 =	vld [tilespmem:s24+$0xAC40];
	v12 =	vadd.f32 v38, v12;
	v13 =	vadd.f32 v39, v13  }
0xbb: {  	v8 =	vld [tilespmem:s24+$0xAC50];
	v14 =	vadd.f32 v3, v11;
	v5 =	vadd.f32 v5, v10  }
0xbc: {  	v6 =	vld [tilespmem:s24+$0xAC00];
	v12 =	vadd.f32 v19, v12;
	v13 =	vadd.f32 v62, v13  }
0xbd: {  	v3 =	vld [tilespmem:s24+$0xAC10]  }
0xbe: {  	v10 =	vld [tilespmem:s24+$0xA840];
	v5 =	vadd.f32 v5, v14;
	v14 =	vadd.f32 v13, v12  }
0xbf: {  	v11 =	vld [tilespmem:s24+$0xA850]  }
0xc0: {  	v12 =	vld [tilespmem:s24+$0xA800];
	v5 =	vadd.f32 v14, v5  }
0xc1: {  	v13 =	vld [tilespmem:s24+$0xA810]  }
0xc2: {  	v14 =	vld [tilespmem:s24+$0xA440];
	v5 =	vmul.f32 v5, v17  }
0xc3: {  	v17 =	vld [tilespmem:s24+$0xA410]  }
0xc4: {  	s28 =	simm.s32 $0x0;
	s26 =	simm.s32 $0x1;
	v5 =	vadd.f32 v5, v1;
	v1 =	vld [tilespmem:s24+$0xA040]  }
.LBB2_4:
0xc5: {  	p0 =	sne.s32 s26, $0x3F;
	v18 =	vld [tilespmem:s24+$0xA050]  }
0xc6: {  	v19 =	vld [tilespmem:s24+$0xA000]  }
0xc7: {  	v20 =	vld [tilespmem:s24+$0xA010]  }
0xc8: {  	v21 =	vld [tilespmem:s24+$0xA020]  }
0xc9: {  	v22 =	vld [tilespmem:s24+$0xA030]  }
0xca: {  	v23 =	vld [tilespmem:s24+$0xA060]  }
0xcb: {  	v24 =	vld [tilespmem:s24+$0xA070]  }
0xcc: {  	v25 =	vld [tilespmem:s24+$0xA420]  }
0xcd: {  	v19 =	vadd.f32 $0.0e+00, v19;
	v20 =	vadd.f32 $0.0e+00, v20;
	v26 =	vld [tilespmem:s24+$0xA430]  }
0xce: {  	v21 =	vadd.f32 $0.0e+00, v21;
	v22 =	vadd.f32 $0.0e+00, v22;
	v27 =	vld [tilespmem:s24+$0xA460]  }
0xcf: {  	v1 =	vadd.f32 v1, v19;
	v18 =	vadd.f32 v18, v20;
	v19 =	vld [tilespmem:s24+$0xA470]  }
0xd0: {  	v20 =	vadd.f32 v23, v21;
	v21 =	vadd.f32 v24, v22;
	v22 =	vld [tilespmem:s24+$0xA820]  }
0xd1: {  	v1 =	vadd.f32 v16, v1;
	v16 =	vadd.f32 v17, v18;
	v17 =	vld [tilespmem:s24+$0xA830]  }
0xd2: {  	v18 =	vadd.f32 v25, v20;
	v20 =	vadd.f32 v26, v21;
	v21 =	vld [tilespmem:s24+$0xA860]  }
0xd3: {  	v1 =	vadd.f32 v14, v1;
	v14 =	vadd.f32 v15, v16;
	v15 =	vld [tilespmem:s24+$0xA870]  }
0xd4: {  	v16 =	vadd.f32 v27, v18;
	v18 =	vadd.f32 v19, v20;
	v19 =	vld [tilespmem:s24+$0xAC20]  }
0xd5: {  	v1 =	vadd.f32 v12, v1;
	v12 =	vadd.f32 v13, v14;
	v13 =	vld [tilespmem:s24+$0xAC30]  }
0xd6: {  	s29 =	sadd.s32 $0x40, s25;
	s25 =	smov.u32 s26;
	v14 =	vadd.f32 v22, v16;
	v16 =	vadd.f32 v17, v18;
	v17 =	vld [tilespmem:s24+$0xAC60]  }
0xd7: {  	v1 =	vadd.f32 v10, v1;
	v18 =	vmov s29;
	v10 =	vadd.f32 v11, v12;
	v11 =	vld [tilespmem:s24+$0xAC70]  }
0xd8: {  	s29 =	sshrl.u32 s26, $0x3;
	v12 =	vadd.f32 v21, v14;
	v14 =	vadd.f32 v15, v16;
	v15 =	vld [tilespmem:s24+$0xB020]  }
0xd9: {  	s29 =	smul.u32 $0x5000, s29;
	v1 =	vadd.f32 v6, v1;
	v3 =	vadd.f32 v3, v10;
	v6 =	vld [tilespmem:s24+$0xB030]  }
0xda: {  	s28 =	sadd.s32 $0x80, s28;
	v10 =	vadd.f32 v19, v12;
	v12 =	vadd.f32 v13, v14;
	v13 =	vld [tilespmem:s24+$0xB060]  }
0xdb: {  	s30 =	sand.u32 $0x380, s28;
	s29 =	sshra.s32 s29, $0x2;
	v1 =	vadd.f32 v9, v1;
	v3 =	vadd.f32 v8, v3;
	v8 =	vld [tilespmem:s24+$0xB070]  }
0xdc: {  	s24 =	sor.u32 s30, s29;
	v9 =	vadd.f32 v17, v10;
	v14 =	vld.idx.msk [tilespmem:v18+s20+$0x0], $0xffff;
	v10 =	vadd.f32 v11, v12  }
0xdd: {  	v1 =	vadd.f32 v4, v1;
	v3 =	vadd.f32 v7, v3;
	v11 =	vld [tilespmem:s24+$0xB040]  }
0xde: {  	v9 =	vadd.f32 v15, v9;
	v12 =	vld [tilespmem:s24+$0xB050];
	v6 =	vadd.f32 v6, v10  }
0xdf: {  	v15 =	vadd.f32 v0, v1;
	v1 =	vadd.f32 v2, v3;
	v4 =	vld [tilespmem:s24+$0xB000]  }
0xe0: {  	v13 =	vadd.f32 v13, v9;
	v7 =	vld [tilespmem:s24+$0xB010];
	v3 =	vadd.f32 v8, v6  }
0xe1: {  	v9 =	vld [tilespmem:s24+$0xAC40]  }
0xe2: {  	v1 =	vadd.f32 v1, v15;
	v8 =	vld [tilespmem:s24+$0xAC50];
	v10 =	vadd.f32 v3, v13;
	v0 =	vmov v11  }
0xe3: {  	v6 =	vld [tilespmem:s24+$0xAC00];
	v2 =	vmov v12  }
0xe4: {  	v3 =	vld [tilespmem:s24+$0xAC10];
	v1 =	vadd.f32 v10, v1  }
0xe5: {  	v10 =	vld [tilespmem:s24+$0xA840]  }
0xe6: {  	v11 =	vld [tilespmem:s24+$0xA850];
	v1 =	vmul.f32 v1, v14  }
0xe7: {  	v12 =	vld [tilespmem:s24+$0xA800]  }
0xe8: {  	v13 =	vld [tilespmem:s24+$0xA810];
	v5 =	vadd.f32 v1, v5  }
.Ltmp1:
0xe9: {  	v14 =	vld [tilespmem:s24+$0xA440];
	(pc) =	sbr.rel @p0 .LBB2_4-.Ltmp1, $4  }
0xea: {  	v15 =	vld [tilespmem:s24+$0xA450]  }
0xeb: {  	v16 =	vld [tilespmem:s24+$0xA400]  }
0xec: {  	v17 =	vld [tilespmem:s24+$0xA410]  }
0xed: {  	s26 =	sadd.s32 $0x1, s26;
	v1 =	vld [tilespmem:s24+$0xA040]  }
0xee: {  	v18 =	vld [tilespmem:s24+$0xA050]  }
0xef: {  	v19 =	vld [tilespmem:s24+$0xA000]  }
0xf0: {  	v20 =	vld [tilespmem:s24+$0xA010]  }
0xf1: {  	v21 =	vld [tilespmem:s24+$0xA020]  }
0xf2: {  	v22 =	vld [tilespmem:s24+$0xA030]  }
0xf3: {  	v23 =	vld [tilespmem:s24+$0xA060]  }
0xf4: {  	v24 =	vld [tilespmem:s24+$0xA070]  }
0xf5: {  	v25 =	vld [tilespmem:s24+$0xA420]  }
0xf6: {  	v26 =	vld [tilespmem:s24+$0xA430]  }
0xf7: {  	v27 =	vld [tilespmem:s24+$0xA460]  }
0xf8: {  	v28 =	vld [tilespmem:s24+$0xA470]  }
0xf9: {  	v29 =	vld [tilespmem:s24+$0xA820]  }
0xfa: {  	v30 =	vld [tilespmem:s24+$0xA830]  }
0xfb: {  	v31 =	vld [tilespmem:s24+$0xA860]  }
0xfc: {  	v32 =	vld [tilespmem:s24+$0xA870]  }
0xfd: {  	v33 =	vld [tilespmem:s24+$0xAC20]  }
0xfe: {  	v34 =	vld [tilespmem:s24+$0xAC30];
	v19 =	vadd.f32 $0.0e+00, v19;
	v20 =	vadd.f32 $0.0e+00, v20  }
0xff: {  	s25 =	sadd.s32 $0x40, s25;
	v35 =	vld [tilespmem:s24+$0xAC60];
	v21 =	vadd.f32 $0.0e+00, v21;
	v22 =	vadd.f32 $0.0e+00, v22  }
0x100: {  	v37 =	vld [tilespmem:s24+$0xAC70];
	v36 =	vmov s25;
	v1 =	vadd.f32 v1, v19;
	v18 =	vadd.f32 v18, v20  }
0x101: {  	v38 =	vld [tilespmem:s24+$0xB020];
	v60 =	vadd.f32 v23, v21;
	v61 =	vadd.f32 v24, v22  }
0x102: {  	v39 =	vld [tilespmem:s24+$0xB030];
	v1 =	vadd.f32 v16, v1;
	v16 =	vadd.f32 v17, v18  }
0x103: {  	v62 =	vld [tilespmem:s24+$0xB070];
	s31 =	simm.s32 $0x0;
	v18 =	vadd.f32 v25, v60;
	v63 =	vadd.f32 v26, v61  }
0x104: {  	v19 =	vld [tilespmem:s24+$0xB060];
	s24 =	smul.u32 $0x5000, s31;
	v1 =	vadd.f32 v14, v1;
	v14 =	vadd.f32 v15, v16  }
0x105: {  	s25 =	simm.s32 $0x0;
	v17 =	vld.idx.msk [tilespmem:v36+s20+$0x0], $0xffff;
	_ =	swait.ge [sflag:s3], $0xA000;
	v15 =	vadd.f32 v27, v18;
	v16 =	vadd.f32 v28, v63  }
0x106: {  	s26 =	sand.u32 $0x380, s25;
	s24 =	sshra.s32 s24, $0x2;
	[sflag:s3] =	ssyncset.done $0x0;
	v1 =	vadd.f32 v12, v1;
	v12 =	vadd.f32 v13, v14  }
0x107: {  	s24 =	sor.u32 s26, s24;
	[sflag:s3] =	ssyncadd.s32 $0xFFFF6000;
	v13 =	vadd.f32 v29, v15;
	v14 =	vadd.f32 v30, v16  }
0x108: {  	[tilespmem:s19], [sflag:$0x2] =	stream.linear.gather [hbm4b:s9+s25], $0xA000, $0x38;
	v10 =	vadd.f32 v10, v1;
	v11 =	vadd.f32 v11, v12;
	[tilespmem:$0x14500] =	vst v63  }
0x109: {  	v15 =	vld [tilespmem:s24+$0x450];
	v12 =	vadd.f32 v31, v13;
	v13 =	vadd.f32 v32, v14  }
0x10a: {  	v16 =	vld [tilespmem:s24+$0x400];
	v10 =	vadd.f32 v6, v10;
	v11 =	vadd.f32 v3, v11  }
0x10b: {  	v1 =	vld [tilespmem:s24+$0x1040];
	v12 =	vadd.f32 v33, v12;
	v13 =	vadd.f32 v34, v13  }
0x10c: {  	v3 =	vld [tilespmem:s24+$0x1050];
	v10 =	vadd.f32 v9, v10;
	v11 =	vadd.f32 v8, v11  }
0x10d: {  	v6 =	vld [tilespmem:s24+$0x1000];
	v12 =	vadd.f32 v35, v12;
	v13 =	vadd.f32 v37, v13  }
0x10e: {  	v8 =	vld [tilespmem:s24+$0x1010];
	v4 =	vadd.f32 v4, v10;
	v11 =	vadd.f32 v7, v11  }
0x10f: {  	v9 =	vld [tilespmem:s24+$0xC40];
	v12 =	vadd.f32 v38, v12;
	v13 =	vadd.f32 v39, v13  }
0x110: {  	v7 =	vld [tilespmem:s24+$0xC50];
	v4 =	vadd.f32 v0, v4;
	v14 =	vadd.f32 v2, v11  }
0x111: {  	v10 =	vld [tilespmem:s24+$0xC00];
	v12 =	vadd.f32 v19, v12;
	v13 =	vadd.f32 v62, v13  }
0x112: {  	v2 =	vld [tilespmem:s24+$0xC10]  }
0x113: {  	v0 =	vld [tilespmem:s24+$0x840];
	v4 =	vadd.f32 v14, v4;
	v14 =	vadd.f32 v13, v12  }
0x114: {  	v11 =	vld [tilespmem:s24+$0x850]  }
0x115: {  	v12 =	vld [tilespmem:s24+$0x800];
	v4 =	vadd.f32 v14, v4  }
0x116: {  	v13 =	vld [tilespmem:s24+$0x810]  }
0x117: {  	v14 =	vld [tilespmem:s24+$0x440];
	v4 =	vmul.f32 v4, v17  }
0x118: {  	v17 =	vld [tilespmem:s24+$0x410]  }
0x119: {  	s28 =	simm.s32 $0x0;
	s26 =	simm.s32 $0x1;
	v4 =	vadd.f32 v4, v5;
	v5 =	vld [tilespmem:s24+$0x40]  }
.LBB2_6:
0x11a: {  	p0 =	sne.s32 s26, $0x3F;
	v18 =	vld [tilespmem:s24+$0x50]  }
0x11b: {  	v19 =	vld [tilespmem:s24+$0x0]  }
0x11c: {  	v20 =	vld [tilespmem:s24+$0x10]  }
0x11d: {  	v21 =	vld [tilespmem:s24+$0x20]  }
0x11e: {  	v22 =	vld [tilespmem:s24+$0x30]  }
0x11f: {  	v23 =	vld [tilespmem:s24+$0x60]  }
0x120: {  	v24 =	vld [tilespmem:s24+$0x70]  }
0x121: {  	v25 =	vld [tilespmem:s24+$0x420]  }
0x122: {  	v19 =	vadd.f32 $0.0e+00, v19;
	v20 =	vadd.f32 $0.0e+00, v20;
	v26 =	vld [tilespmem:s24+$0x430]  }
0x123: {  	v21 =	vadd.f32 $0.0e+00, v21;
	v22 =	vadd.f32 $0.0e+00, v22;
	v27 =	vld [tilespmem:s24+$0x460]  }
0x124: {  	v5 =	vadd.f32 v5, v19;
	v18 =	vadd.f32 v18, v20;
	v19 =	vld [tilespmem:s24+$0x470]  }
0x125: {  	v20 =	vadd.f32 v23, v21;
	v21 =	vadd.f32 v24, v22;
	v22 =	vld [tilespmem:s24+$0x820]  }
0x126: {  	v5 =	vadd.f32 v16, v5;
	v16 =	vadd.f32 v17, v18;
	v17 =	vld [tilespmem:s24+$0x830]  }
0x127: {  	v18 =	vadd.f32 v25, v20;
	v20 =	vadd.f32 v26, v21;
	v21 =	vld [tilespmem:s24+$0x860]  }
0x128: {  	v5 =	vadd.f32 v14, v5;
	v14 =	vadd.f32 v15, v16;
	v15 =	vld [tilespmem:s24+$0x870]  }
0x129: {  	v16 =	vadd.f32 v27, v18;
	v18 =	vadd.f32 v19, v20;
	v19 =	vld [tilespmem:s24+$0xC20]  }
0x12a: {  	v5 =	vadd.f32 v12, v5;
	v12 =	vadd.f32 v13, v14;
	v13 =	vld [tilespmem:s24+$0xC30]  }
0x12b: {  	s29 =	sadd.s32 $0x80, s25;
	s25 =	smov.u32 s26;
	v14 =	vadd.f32 v22, v16;
	v16 =	vadd.f32 v17, v18;
	v17 =	vld [tilespmem:s24+$0xC60]  }
0x12c: {  	v0 =	vadd.f32 v0, v5;
	v18 =	vmov s29;
	v5 =	vadd.f32 v11, v12;
	v11 =	vld [tilespmem:s24+$0xC70]  }
0x12d: {  	s29 =	sshrl.u32 s26, $0x3;
	v12 =	vadd.f32 v21, v14;
	v14 =	vadd.f32 v15, v16;
	v15 =	vld [tilespmem:s24+$0x1020]  }
0x12e: {  	s29 =	smul.u32 $0x5000, s29;
	v0 =	vadd.f32 v10, v0;
	v2 =	vadd.f32 v2, v5;
	v5 =	vld [tilespmem:s24+$0x1030]  }
0x12f: {  	s28 =	sadd.s32 $0x80, s28;
	v10 =	vadd.f32 v19, v12;
	v12 =	vadd.f32 v13, v14;
	v13 =	vld [tilespmem:s24+$0x1060]  }
0x130: {  	s30 =	sand.u32 $0x380, s28;
	s29 =	sshra.s32 s29, $0x2;
	v0 =	vadd.f32 v9, v0;
	v2 =	vadd.f32 v7, v2;
	v7 =	vld [tilespmem:s24+$0x1070]  }
0x131: {  	s24 =	sor.u32 s30, s29;
	v9 =	vadd.f32 v17, v10;
	v14 =	vld.idx.msk [tilespmem:v18+s20+$0x0], $0xffff;
	v10 =	vadd.f32 v11, v12  }
0x132: {  	v0 =	vadd.f32 v6, v0;
	v2 =	vadd.f32 v8, v2;
	v11 =	vld [tilespmem:s24+$0x1040]  }
0x133: {  	v9 =	vadd.f32 v15, v9;
	v12 =	vld [tilespmem:s24+$0x1050];
	v5 =	vadd.f32 v5, v10  }
0x134: {  	v0 =	vadd.f32 v1, v0;
	v10 =	vadd.f32 v3, v2;
	v6 =	vld [tilespmem:s24+$0x1000]  }
0x135: {  	v2 =	vadd.f32 v13, v9;
	v8 =	vld [tilespmem:s24+$0x1010];
	v13 =	vadd.f32 v7, v5  }
0x136: {  	v9 =	vld [tilespmem:s24+$0xC40]  }
0x137: {  	v0 =	vadd.f32 v10, v0;
	v7 =	vld [tilespmem:s24+$0xC50];
	v5 =	vadd.f32 v13, v2;
	v1 =	vmov v11  }
0x138: {  	v10 =	vld [tilespmem:s24+$0xC00];
	v3 =	vmov v12  }
0x139: {  	v2 =	vld [tilespmem:s24+$0xC10];
	v5 =	vadd.f32 v5, v0  }
0x13a: {  	v0 =	vld [tilespmem:s24+$0x840]  }
0x13b: {  	v11 =	vld [tilespmem:s24+$0x850];
	v5 =	vmul.f32 v5, v14  }
0x13c: {  	v12 =	vld [tilespmem:s24+$0x800]  }
0x13d: {  	v13 =	vld [tilespmem:s24+$0x810];
	v4 =	vadd.f32 v5, v4  }
.Ltmp2:
0x13e: {  	v14 =	vld [tilespmem:s24+$0x440];
	(pc) =	sbr.rel @p0 .LBB2_6-.Ltmp2, $4  }
0x13f: {  	v15 =	vld [tilespmem:s24+$0x450]  }
0x140: {  	v16 =	vld [tilespmem:s24+$0x400]  }
0x141: {  	v17 =	vld [tilespmem:s24+$0x410]  }
0x142: {  	s26 =	sadd.s32 $0x1, s26;
	v5 =	vld [tilespmem:s24+$0x40]  }
0x143: {  	v18 =	vld [tilespmem:s24+$0x50]  }
0x144: {  	v19 =	vld [tilespmem:s24+$0x0]  }
0x145: {  	v20 =	vld [tilespmem:s24+$0x10]  }
0x146: {  	v21 =	vld [tilespmem:s24+$0x20]  }
0x147: {  	v22 =	vld [tilespmem:s24+$0x30]  }
0x148: {  	v23 =	vld [tilespmem:s24+$0x60]  }
0x149: {  	v24 =	vld [tilespmem:s24+$0x70]  }
0x14a: {  	v25 =	vld [tilespmem:s24+$0x420]  }
0x14b: {  	v26 =	vld [tilespmem:s24+$0x430]  }
0x14c: {  	v27 =	vld [tilespmem:s24+$0x460]  }
0x14d: {  	v28 =	vld [tilespmem:s24+$0x470]  }
0x14e: {  	v29 =	vld [tilespmem:s24+$0x820]  }
0x14f: {  	v30 =	vld [tilespmem:s24+$0x830]  }
0x150: {  	v31 =	vld [tilespmem:s24+$0x860]  }
0x151: {  	v32 =	vld [tilespmem:s24+$0x870]  }
0x152: {  	v33 =	vld [tilespmem:s24+$0xC20]  }
0x153: {  	v34 =	vld [tilespmem:s24+$0xC30];
	v19 =	vadd.f32 $0.0e+00, v19;
	v20 =	vadd.f32 $0.0e+00, v20  }
0x154: {  	s25 =	sadd.s32 $0x80, s25;
	v35 =	vld [tilespmem:s24+$0xC60];
	v21 =	vadd.f32 $0.0e+00, v21;
	v22 =	vadd.f32 $0.0e+00, v22  }
0x155: {  	v37 =	vld [tilespmem:s24+$0xC70];
	v36 =	vmov s25;
	v5 =	vadd.f32 v5, v19;
	v18 =	vadd.f32 v18, v20  }
0x156: {  	v38 =	vld [tilespmem:s24+$0x1020];
	v60 =	vadd.f32 v23, v21;
	v61 =	vadd.f32 v24, v22  }
0x157: {  	v39 =	vld [tilespmem:s24+$0x1030];
	v5 =	vadd.f32 v16, v5;
	v16 =	vadd.f32 v17, v18  }
0x158: {  	v62 =	vld [tilespmem:s24+$0x1070];
	s31 =	simm.s32 $0x0;
	v18 =	vadd.f32 v25, v60;
	v63 =	vadd.f32 v26, v61  }
0x159: {  	v19 =	vld [tilespmem:s24+$0x1060];
	s24 =	smul.u32 $0x5000, s31;
	v5 =	vadd.f32 v14, v5;
	v14 =	vadd.f32 v15, v16  }
0x15a: {  	s25 =	simm.s32 $0x0;
	v17 =	vld.idx.msk [tilespmem:v36+s20+$0x0], $0xffff;
	_ =	swait.ge [sflag:s21], $0xA000;
	v15 =	vadd.f32 v27, v18;
	v16 =	vadd.f32 v28, v63  }
0x15b: {  	s26 =	sand.u32 $0x380, s25;
	s24 =	sshra.s32 s24, $0x2;
	[sflag:s21] =	ssyncset.done $0x0;
	v5 =	vadd.f32 v12, v5;
	v12 =	vadd.f32 v13, v14  }
0x15c: {  	s24 =	sor.u32 s26, s24;
	[sflag:s21] =	ssyncadd.s32 $0xFFFF6000;
	v13 =	vadd.f32 v29, v15;
	v14 =	vadd.f32 v30, v16  }
0x15d: {  	[tilespmem:s25], [sflag:$0x1] =	stream.linear.gather [hbm4b:s10+s25], $0xA000, $0x38;
	v5 =	vadd.f32 v0, v5;
	v11 =	vadd.f32 v11, v12;
	[tilespmem:$0x14500] =	vst v63  }
0x15e: {  	v16 =	vld [tilespmem:s24+$0xA410];
	v12 =	vadd.f32 v31, v13;
	v13 =	vadd.f32 v32, v14  }
0x15f: {  	v0 =	vld [tilespmem:s24+$0xB040];
	v10 =	vadd.f32 v10, v5;
	v11 =	vadd.f32 v2, v11  }
0x160: {  	v2 =	vld [tilespmem:s24+$0xB050];
	v12 =	vadd.f32 v33, v12;
	v13 =	vadd.f32 v34, v13  }
0x161: {  	v5 =	vld [tilespmem:s24+$0xB000];
	v10 =	vadd.f32 v9, v10;
	v11 =	vadd.f32 v7, v11  }
0x162: {  	v7 =	vld [tilespmem:s24+$0xB010];
	v12 =	vadd.f32 v35, v12;
	v13 =	vadd.f32 v37, v13  }
0x163: {  	v9 =	vld [tilespmem:s24+$0xAC40];
	v10 =	vadd.f32 v6, v10;
	v11 =	vadd.f32 v8, v11  }
0x164: {  	v8 =	vld [tilespmem:s24+$0xAC50];
	v12 =	vadd.f32 v38, v12;
	v13 =	vadd.f32 v39, v13  }
0x165: {  	v6 =	vld [tilespmem:s24+$0xAC00];
	v14 =	vadd.f32 v1, v10;
	v11 =	vadd.f32 v3, v11  }
0x166: {  	v3 =	vld [tilespmem:s24+$0xAC10];
	v12 =	vadd.f32 v19, v12;
	v13 =	vadd.f32 v62, v13  }
0x167: {  	v1 =	vld [tilespmem:s24+$0xA840]  }
0x168: {  	v10 =	vld [tilespmem:s24+$0xA850];
	v14 =	vadd.f32 v11, v14;
	v13 =	vadd.f32 v13, v12  }
0x169: {  	v11 =	vld [tilespmem:s24+$0xA800]  }
0x16a: {  	v12 =	vld [tilespmem:s24+$0xA810];
	v15 =	vadd.f32 v13, v14  }
0x16b: {  	v13 =	vld [tilespmem:s24+$0xA440]  }
0x16c: {  	v14 =	vld [tilespmem:s24+$0xA450];
	v17 =	vmul.f32 v15, v17  }
0x16d: {  	v15 =	vld [tilespmem:s24+$0xA400]  }
0x16e: {  	s28 =	simm.s32 $0x0;
	s26 =	simm.s32 $0x1;
	v4 =	vadd.f32 v17, v4;
	v17 =	vld [tilespmem:s24+$0xA040]  }
.LBB2_8:
0x16f: {  	p0 =	sne.s32 s26, $0x3F;
	v18 =	vld [tilespmem:s24+$0xA050]  }
0x170: {  	v19 =	vld [tilespmem:s24+$0xA000]  }
0x171: {  	v20 =	vld [tilespmem:s24+$0xA010]  }
0x172: {  	v21 =	vld [tilespmem:s24+$0xA020]  }
0x173: {  	v22 =	vld [tilespmem:s24+$0xA030]  }
0x174: {  	v23 =	vld [tilespmem:s24+$0xA060]  }
0x175: {  	v24 =	vld [tilespmem:s24+$0xA070]  }
0x176: {  	v25 =	vld [tilespmem:s24+$0xA420]  }
0x177: {  	v19 =	vadd.f32 $0.0e+00, v19;
	v20 =	vadd.f32 $0.0e+00, v20;
	v26 =	vld [tilespmem:s24+$0xA430]  }
0x178: {  	v21 =	vadd.f32 $0.0e+00, v21;
	v22 =	vadd.f32 $0.0e+00, v22;
	v27 =	vld [tilespmem:s24+$0xA460]  }
0x179: {  	v17 =	vadd.f32 v17, v19;
	v18 =	vadd.f32 v18, v20;
	v19 =	vld [tilespmem:s24+$0xA470]  }
0x17a: {  	v20 =	vadd.f32 v23, v21;
	v21 =	vadd.f32 v24, v22;
	v22 =	vld [tilespmem:s24+$0xA820]  }
0x17b: {  	v15 =	vadd.f32 v15, v17;
	v16 =	vadd.f32 v16, v18;
	v17 =	vld [tilespmem:s24+$0xA830]  }
0x17c: {  	v18 =	vadd.f32 v25, v20;
	v20 =	vadd.f32 v26, v21;
	v21 =	vld [tilespmem:s24+$0xA860]  }
0x17d: {  	v13 =	vadd.f32 v13, v15;
	v14 =	vadd.f32 v14, v16;
	v15 =	vld [tilespmem:s24+$0xA870]  }
0x17e: {  	v16 =	vadd.f32 v27, v18;
	v18 =	vadd.f32 v19, v20;
	v19 =	vld [tilespmem:s24+$0xAC20]  }
0x17f: {  	v11 =	vadd.f32 v11, v13;
	v12 =	vadd.f32 v12, v14;
	v13 =	vld [tilespmem:s24+$0xAC30]  }
0x180: {  	s29 =	sadd.s32 $0xC0, s25;
	s25 =	smov.u32 s26;
	v14 =	vadd.f32 v22, v16;
	v16 =	vadd.f32 v17, v18;
	v17 =	vld [tilespmem:s24+$0xAC60]  }
0x181: {  	v1 =	vadd.f32 v1, v11;
	v18 =	vmov s29;
	v10 =	vadd.f32 v10, v12;
	v11 =	vld [tilespmem:s24+$0xAC70]  }
0x182: {  	s29 =	sshrl.u32 s26, $0x3;
	v12 =	vadd.f32 v21, v14;
	v14 =	vadd.f32 v15, v16;
	v15 =	vld [tilespmem:s24+$0xB020]  }
0x183: {  	s29 =	smul.u32 $0x5000, s29;
	v1 =	vadd.f32 v6, v1;
	v3 =	vadd.f32 v3, v10;
	v6 =	vld [tilespmem:s24+$0xB030]  }
0x184: {  	s28 =	sadd.s32 $0x80, s28;
	v10 =	vadd.f32 v19, v12;
	v12 =	vadd.f32 v13, v14;
	v13 =	vld [tilespmem:s24+$0xB060]  }
0x185: {  	s30 =	sand.u32 $0x380, s28;
	s29 =	sshra.s32 s29, $0x2;
	v1 =	vadd.f32 v9, v1;
	v3 =	vadd.f32 v8, v3;
	v8 =	vld [tilespmem:s24+$0xB070]  }
0x186: {  	s24 =	sor.u32 s30, s29;
	v9 =	vadd.f32 v17, v10;
	v14 =	vld.idx.msk [tilespmem:v18+s20+$0x0], $0xffff;
	v10 =	vadd.f32 v11, v12  }
0x187: {  	v1 =	vadd.f32 v5, v1;
	v3 =	vadd.f32 v7, v3;
	v11 =	vld [tilespmem:s24+$0xB040]  }
0x188: {  	v9 =	vadd.f32 v15, v9;
	v12 =	vld [tilespmem:s24+$0xB050];
	v6 =	vadd.f32 v6, v10  }
0x189: {  	v15 =	vadd.f32 v0, v1;
	v1 =	vadd.f32 v2, v3;
	v5 =	vld [tilespmem:s24+$0xB000]  }
0x18a: {  	v13 =	vadd.f32 v13, v9;
	v7 =	vld [tilespmem:s24+$0xB010];
	v3 =	vadd.f32 v8, v6  }
0x18b: {  	v9 =	vld [tilespmem:s24+$0xAC40]  }
0x18c: {  	v1 =	vadd.f32 v1, v15;
	v8 =	vld [tilespmem:s24+$0xAC50];
	v10 =	vadd.f32 v3, v13;
	v0 =	vmov v11  }
0x18d: {  	v6 =	vld [tilespmem:s24+$0xAC00];
	v2 =	vmov v12  }
0x18e: {  	v3 =	vld [tilespmem:s24+$0xAC10];
	v11 =	vadd.f32 v10, v1  }
0x18f: {  	v1 =	vld [tilespmem:s24+$0xA840]  }
0x190: {  	v10 =	vld [tilespmem:s24+$0xA850];
	v13 =	vmul.f32 v11, v14  }
0x191: {  	v11 =	vld [tilespmem:s24+$0xA800]  }
0x192: {  	v12 =	vld [tilespmem:s24+$0xA810];
	v4 =	vadd.f32 v13, v4  }
.Ltmp3:
0x193: {  	v13 =	vld [tilespmem:s24+$0xA440];
	(pc) =	sbr.rel @p0 .LBB2_8-.Ltmp3, $4  }
0x194: {  	v14 =	vld [tilespmem:s24+$0xA450]  }
0x195: {  	v15 =	vld [tilespmem:s24+$0xA400]  }
0x196: {  	v16 =	vld [tilespmem:s24+$0xA410]  }
0x197: {  	s26 =	sadd.s32 $0x1, s26;
	v17 =	vld [tilespmem:s24+$0xA040]  }
0x198: {  	v18 =	vld [tilespmem:s24+$0xA050]  }
0x199: {  	v19 =	vld [tilespmem:s24+$0xA000]  }
0x19a: {  	v20 =	vld [tilespmem:s24+$0xA010]  }
0x19b: {  	v21 =	vld [tilespmem:s24+$0xA020]  }
0x19c: {  	v22 =	vld [tilespmem:s24+$0xA030]  }
0x19d: {  	v23 =	vld [tilespmem:s24+$0xA060]  }
0x19e: {  	v24 =	vld [tilespmem:s24+$0xA070]  }
0x19f: {  	v25 =	vld [tilespmem:s24+$0xA420]  }
0x1a0: {  	v26 =	vld [tilespmem:s24+$0xA430]  }
0x1a1: {  	v27 =	vld [tilespmem:s24+$0xA460]  }
0x1a2: {  	v28 =	vld [tilespmem:s24+$0xA470]  }
0x1a3: {  	v29 =	vld [tilespmem:s24+$0xA820]  }
0x1a4: {  	v30 =	vld [tilespmem:s24+$0xA830]  }
0x1a5: {  	v31 =	vld [tilespmem:s24+$0xA860]  }
0x1a6: {  	v32 =	vld [tilespmem:s24+$0xA870]  }
0x1a7: {  	v33 =	vld [tilespmem:s24+$0xAC20]  }
0x1a8: {  	v34 =	vld [tilespmem:s24+$0xAC30];
	v19 =	vadd.f32 $0.0e+00, v19;
	v20 =	vadd.f32 $0.0e+00, v20  }
0x1a9: {  	s25 =	sadd.s32 $0xC0, s25;
	v35 =	vld [tilespmem:s24+$0xAC60];
	v21 =	vadd.f32 $0.0e+00, v21;
	v22 =	vadd.f32 $0.0e+00, v22  }
0x1aa: {  	v37 =	vld [tilespmem:s24+$0xAC70];
	v36 =	vmov s25;
	v17 =	vadd.f32 v17, v19;
	v18 =	vadd.f32 v18, v20  }
0x1ab: {  	v38 =	vld [tilespmem:s24+$0xB020];
	v60 =	vadd.f32 v23, v21;
	v61 =	vadd.f32 v24, v22  }
0x1ac: {  	v39 =	vld [tilespmem:s24+$0xB030];
	v15 =	vadd.f32 v15, v17;
	v16 =	vadd.f32 v16, v18  }
0x1ad: {  	v62 =	vld [tilespmem:s24+$0xB070];
	s31 =	simm.s32 $0x0;
	v18 =	vadd.f32 v25, v60;
	v63 =	vadd.f32 v26, v61  }
0x1ae: {  	v19 =	vld [tilespmem:s24+$0xB060];
	s24 =	smul.u32 $0x5000, s31;
	v13 =	vadd.f32 v13, v15;
	v14 =	vadd.f32 v14, v16  }
0x1af: {  	s25 =	simm.s32 $0x0;
	v17 =	vld.idx.msk [tilespmem:v36+s20+$0x0], $0xffff;
	_ =	swait.ge [sflag:s3], $0xA000;
	v15 =	vadd.f32 v27, v18;
	v16 =	vadd.f32 v28, v63  }
0x1b0: {  	s26 =	sand.u32 $0x380, s25;
	s24 =	sshra.s32 s24, $0x2;
	[sflag:s3] =	ssyncset.done $0x0;
	v11 =	vadd.f32 v11, v13;
	v12 =	vadd.f32 v12, v14  }
0x1b1: {  	s24 =	sor.u32 s26, s24;
	[sflag:s3] =	ssyncadd.s32 $0xFFFF6000;
	v13 =	vadd.f32 v29, v15;
	v14 =	vadd.f32 v30, v16  }
0x1b2: {  	[tilespmem:s19], [sflag:$0x2] =	stream.linear.gather [hbm4b:s11+s25], $0xA000, $0x38;
	v11 =	vadd.f32 v1, v11;
	v10 =	vadd.f32 v10, v12;
	[tilespmem:$0x14500] =	vst v63  }
0x1b3: {  	v15 =	vld [tilespmem:s24+$0x450];
	v12 =	vadd.f32 v31, v13;
	v13 =	vadd.f32 v32, v14  }
0x1b4: {  	v16 =	vld [tilespmem:s24+$0x400];
	v11 =	vadd.f32 v6, v11;
	v10 =	vadd.f32 v3, v10  }
0x1b5: {  	v1 =	vld [tilespmem:s24+$0x1040];
	v12 =	vadd.f32 v33, v12;
	v13 =	vadd.f32 v34, v13  }
0x1b6: {  	v3 =	vld [tilespmem:s24+$0x1050];
	v11 =	vadd.f32 v9, v11;
	v10 =	vadd.f32 v8, v10  }
0x1b7: {  	v6 =	vld [tilespmem:s24+$0x1000];
	v12 =	vadd.f32 v35, v12;
	v13 =	vadd.f32 v37, v13  }
0x1b8: {  	v8 =	vld [tilespmem:s24+$0x1010];
	v11 =	vadd.f32 v5, v11;
	v10 =	vadd.f32 v7, v10  }
0x1b9: {  	v9 =	vld [tilespmem:s24+$0xC40];
	v12 =	vadd.f32 v38, v12;
	v13 =	vadd.f32 v39, v13  }
0x1ba: {  	v7 =	vld [tilespmem:s24+$0xC50];
	v0 =	vadd.f32 v0, v11;
	v14 =	vadd.f32 v2, v10  }
0x1bb: {  	v5 =	vld [tilespmem:s24+$0xC00];
	v12 =	vadd.f32 v19, v12;
	v13 =	vadd.f32 v62, v13  }
0x1bc: {  	v10 =	vld [tilespmem:s24+$0xC10]  }
0x1bd: {  	v2 =	vld [tilespmem:s24+$0x840];
	v0 =	vadd.f32 v14, v0;
	v14 =	vadd.f32 v13, v12  }
0x1be: {  	v11 =	vld [tilespmem:s24+$0x850]  }
0x1bf: {  	v12 =	vld [tilespmem:s24+$0x800];
	v0 =	vadd.f32 v14, v0  }
0x1c0: {  	v13 =	vld [tilespmem:s24+$0x810]  }
0x1c1: {  	v14 =	vld [tilespmem:s24+$0x440];
	v0 =	vmul.f32 v0, v17  }
0x1c2: {  	v17 =	vld [tilespmem:s24+$0x410]  }
0x1c3: {  	s28 =	simm.s32 $0x0;
	s26 =	simm.s32 $0x1;
	v0 =	vadd.f32 v0, v4;
	v4 =	vld [tilespmem:s24+$0x40]  }
.LBB2_10:
0x1c4: {  	p0 =	sne.s32 s26, $0x3F;
	v18 =	vld [tilespmem:s24+$0x50]  }
0x1c5: {  	v19 =	vld [tilespmem:s24+$0x0]  }
0x1c6: {  	v20 =	vld [tilespmem:s24+$0x10]  }
0x1c7: {  	v21 =	vld [tilespmem:s24+$0x20]  }
0x1c8: {  	v22 =	vld [tilespmem:s24+$0x30]  }
0x1c9: {  	v23 =	vld [tilespmem:s24+$0x60]  }
0x1ca: {  	v24 =	vld [tilespmem:s24+$0x70]  }
0x1cb: {  	v25 =	vld [tilespmem:s24+$0x420]  }
0x1cc: {  	v19 =	vadd.f32 $0.0e+00, v19;
	v20 =	vadd.f32 $0.0e+00, v20;
	v26 =	vld [tilespmem:s24+$0x430]  }
0x1cd: {  	v21 =	vadd.f32 $0.0e+00, v21;
	v22 =	vadd.f32 $0.0e+00, v22;
	v27 =	vld [tilespmem:s24+$0x460]  }
0x1ce: {  	v4 =	vadd.f32 v4, v19;
	v18 =	vadd.f32 v18, v20;
	v19 =	vld [tilespmem:s24+$0x470]  }
0x1cf: {  	v20 =	vadd.f32 v23, v21;
	v21 =	vadd.f32 v24, v22;
	v22 =	vld [tilespmem:s24+$0x820]  }
0x1d0: {  	v4 =	vadd.f32 v16, v4;
	v16 =	vadd.f32 v17, v18;
	v17 =	vld [tilespmem:s24+$0x830]  }
0x1d1: {  	v18 =	vadd.f32 v25, v20;
	v20 =	vadd.f32 v26, v21;
	v21 =	vld [tilespmem:s24+$0x860]  }
0x1d2: {  	v4 =	vadd.f32 v14, v4;
	v14 =	vadd.f32 v15, v16;
	v15 =	vld [tilespmem:s24+$0x870]  }
0x1d3: {  	v16 =	vadd.f32 v27, v18;
	v18 =	vadd.f32 v19, v20;
	v19 =	vld [tilespmem:s24+$0xC20]  }
0x1d4: {  	v4 =	vadd.f32 v12, v4;
	v12 =	vadd.f32 v13, v14;
	v13 =	vld [tilespmem:s24+$0xC30]  }
0x1d5: {  	s29 =	sadd.s32 $0x100, s25;
	s25 =	smov.u32 s26;
	v14 =	vadd.f32 v22, v16;
	v16 =	vadd.f32 v17, v18;
	v17 =	vld [tilespmem:s24+$0xC60]  }
0x1d6: {  	v2 =	vadd.f32 v2, v4;
	v18 =	vmov s29;
	v4 =	vadd.f32 v11, v12;
	v11 =	vld [tilespmem:s24+$0xC70]  }
0x1d7: {  	s29 =	sshrl.u32 s26, $0x3;
	v12 =	vadd.f32 v21, v14;
	v14 =	vadd.f32 v15, v16;
	v15 =	vld [tilespmem:s24+$0x1020]  }
0x1d8: {  	s29 =	smul.u32 $0x5000, s29;
	v2 =	vadd.f32 v5, v2;
	v4 =	vadd.f32 v10, v4;
	v5 =	vld [tilespmem:s24+$0x1030]  }
0x1d9: {  	s28 =	sadd.s32 $0x80, s28;
	v10 =	vadd.f32 v19, v12;
	v12 =	vadd.f32 v13, v14;
	v13 =	vld [tilespmem:s24+$0x1060]  }
0x1da: {  	s30 =	sand.u32 $0x380, s28;
	s29 =	sshra.s32 s29, $0x2;
	v2 =	vadd.f32 v9, v2;
	v4 =	vadd.f32 v7, v4;
	v7 =	vld [tilespmem:s24+$0x1070]  }
0x1db: {  	s24 =	sor.u32 s30, s29;
	v9 =	vadd.f32 v17, v10;
	v14 =	vld.idx.msk [tilespmem:v18+s20+$0x0], $0xffff;
	v10 =	vadd.f32 v11, v12  }
0x1dc: {  	v2 =	vadd.f32 v6, v2;
	v4 =	vadd.f32 v8, v4;
	v11 =	vld [tilespmem:s24+$0x1040]  }
0x1dd: {  	v9 =	vadd.f32 v15, v9;
	v12 =	vld [tilespmem:s24+$0x1050];
	v5 =	vadd.f32 v5, v10  }
0x1de: {  	v10 =	vadd.f32 v1, v2;
	v2 =	vadd.f32 v3, v4;
	v6 =	vld [tilespmem:s24+$0x1000]  }
0x1df: {  	v13 =	vadd.f32 v13, v9;
	v8 =	vld [tilespmem:s24+$0x1010];
	v4 =	vadd.f32 v7, v5  }
0x1e0: {  	v9 =	vld [tilespmem:s24+$0xC40]  }
0x1e1: {  	v2 =	vadd.f32 v2, v10;
	v7 =	vld [tilespmem:s24+$0xC50];
	v4 =	vadd.f32 v4, v13;
	v1 =	vmov v11  }
0x1e2: {  	v5 =	vld [tilespmem:s24+$0xC00];
	v3 =	vmov v12  }
0x1e3: {  	v10 =	vld [tilespmem:s24+$0xC10];
	v4 =	vadd.f32 v4, v2  }
0x1e4: {  	v2 =	vld [tilespmem:s24+$0x840]  }
0x1e5: {  	v11 =	vld [tilespmem:s24+$0x850];
	v4 =	vmul.f32 v4, v14  }
0x1e6: {  	v12 =	vld [tilespmem:s24+$0x800]  }
0x1e7: {  	v13 =	vld [tilespmem:s24+$0x810];
	v0 =	vadd.f32 v4, v0  }
.Ltmp4:
0x1e8: {  	v14 =	vld [tilespmem:s24+$0x440];
	(pc) =	sbr.rel @p0 .LBB2_10-.Ltmp4, $4  }
0x1e9: {  	v15 =	vld [tilespmem:s24+$0x450]  }
0x1ea: {  	v16 =	vld [tilespmem:s24+$0x400]  }
0x1eb: {  	v17 =	vld [tilespmem:s24+$0x410]  }
0x1ec: {  	s26 =	sadd.s32 $0x1, s26;
	v4 =	vld [tilespmem:s24+$0x40]  }
0x1ed: {  	v18 =	vld [tilespmem:s24+$0x50]  }
0x1ee: {  	v19 =	vld [tilespmem:s24+$0x0]  }
0x1ef: {  	v20 =	vld [tilespmem:s24+$0x10]  }
0x1f0: {  	v21 =	vld [tilespmem:s24+$0x20]  }
0x1f1: {  	v22 =	vld [tilespmem:s24+$0x30]  }
0x1f2: {  	v23 =	vld [tilespmem:s24+$0x60]  }
0x1f3: {  	v24 =	vld [tilespmem:s24+$0x70]  }
0x1f4: {  	v25 =	vld [tilespmem:s24+$0x420]  }
0x1f5: {  	v26 =	vld [tilespmem:s24+$0x430]  }
0x1f6: {  	v27 =	vld [tilespmem:s24+$0x460]  }
0x1f7: {  	v28 =	vld [tilespmem:s24+$0x470]  }
0x1f8: {  	v29 =	vld [tilespmem:s24+$0x820]  }
0x1f9: {  	v30 =	vld [tilespmem:s24+$0x830]  }
0x1fa: {  	v31 =	vld [tilespmem:s24+$0x860]  }
0x1fb: {  	v32 =	vld [tilespmem:s24+$0x870]  }
0x1fc: {  	v33 =	vld [tilespmem:s24+$0xC20];
	v19 =	vadd.f32 $0.0e+00, v19;
	v20 =	vadd.f32 $0.0e+00, v20  }
0x1fd: {  	v34 =	vld [tilespmem:s24+$0xC30];
	v21 =	vadd.f32 $0.0e+00, v21;
	v22 =	vadd.f32 $0.0e+00, v22  }
0x1fe: {  	s25 =	sadd.s32 $0x100, s25;
	v35 =	vld [tilespmem:s24+$0xC60];
	v4 =	vadd.f32 v4, v19;
	v18 =	vadd.f32 v18, v20  }
0x1ff: {  	v60 =	vld [tilespmem:s24+$0xC70];
	v19 =	vmov s25;
	v21 =	vadd.f32 v23, v21;
	v22 =	vadd.f32 v24, v22  }
0x200: {  	v61 =	vld [tilespmem:s24+$0x1020];
	v4 =	vadd.f32 v16, v4;
	v16 =	vadd.f32 v17, v18  }
0x201: {  	v63 =	vld [tilespmem:s24+$0x1060];
	v18 =	vadd.f32 v25, v21;
	v62 =	vadd.f32 v26, v22  }
0x202: {  	s30 =	simm.s32 $0x0;
	v17 =	vld [tilespmem:s24+$0x1030];
	v4 =	vadd.f32 v14, v4;
	v14 =	vadd.f32 v15, v16  }
0x203: {  	s31 =	smul.u32 $0x5000, s30;
	v15 =	vld [tilespmem:s24+$0x1070];
	v16 =	vadd.f32 v27, v18;
	v18 =	vadd.f32 v28, v62  }
0x204: {  	s24 =	simm.s32 $0x0;
	v19 =	vld.idx.msk [tilespmem:v19+s20+$0x0], $0xffff;
	_ =	swait.ge [sflag:s21], $0xA000;
	v4 =	vadd.f32 v12, v4;
	v12 =	vadd.f32 v13, v14  }
0x205: {  	s25 =	sshra.s32 s31, $0x2;
	s26 =	sand.u32 $0x380, s24;
	v13 =	vadd.f32 v29, v16;
	v14 =	vadd.f32 v30, v18;
	[sflag:s21] =	ssyncset.done $0x0  }
0x206: {  	s25 =	sor.u32 s26, s25;
	[sflag:s21] =	ssyncadd.s32 $0xFFFF6000;
	v4 =	vadd.f32 v2, v4;
	v11 =	vadd.f32 v11, v12  }
0x207: {  	v12 =	vadd.f32 v31, v13;
	v13 =	vadd.f32 v32, v14;
	v2 =	vld [tilespmem:s25+$0xB040]  }
0x208: {  	v16 =	vld [tilespmem:s25+$0xA410];
	v14 =	vadd.f32 v5, v4;
	v10 =	vadd.f32 v10, v11  }
0x209: {  	v4 =	vld [tilespmem:s25+$0xB050];
	v11 =	vadd.f32 v33, v12;
	v12 =	vadd.f32 v34, v13  }
0x20a: {  	v5 =	vld [tilespmem:s25+$0xB000];
	v13 =	vadd.f32 v9, v14;
	v10 =	vadd.f32 v7, v10  }
0x20b: {  	v7 =	vld [tilespmem:s25+$0xB010];
	v11 =	vadd.f32 v35, v11;
	v12 =	vadd.f32 v60, v12  }
0x20c: {  	v9 =	vld [tilespmem:s25+$0xAC40];
	v13 =	vadd.f32 v6, v13;
	v10 =	vadd.f32 v8, v10  }
0x20d: {  	v6 =	vld [tilespmem:s25+$0xAC50];
	v11 =	vadd.f32 v61, v11;
	v12 =	vadd.f32 v17, v12  }
0x20e: {  	v8 =	vld [tilespmem:s25+$0xAC00];
	v13 =	vadd.f32 v1, v13;
	v14 =	vadd.f32 v3, v10  }
0x20f: {  	v1 =	vld [tilespmem:s25+$0xAC10];
	v11 =	vadd.f32 v63, v11;
	v12 =	vadd.f32 v15, v12  }
0x210: {  	v3 =	vld [tilespmem:s25+$0xA840]  }
0x211: {  	v10 =	vld [tilespmem:s25+$0xA850];
	v13 =	vadd.f32 v14, v13;
	v14 =	vadd.f32 v12, v11  }
0x212: {  	v11 =	vld [tilespmem:s25+$0xA800]  }
0x213: {  	v12 =	vld [tilespmem:s25+$0xA810];
	v15 =	vadd.f32 v14, v13  }
0x214: {  	v13 =	vld [tilespmem:s25+$0xA440]  }
0x215: {  	v14 =	vld [tilespmem:s25+$0xA450];
	v17 =	vmul.f32 v15, v19  }
0x216: {  	v15 =	vld [tilespmem:s25+$0xA400]  }
0x217: {  	s28 =	simm.s32 $0x0;
	s26 =	simm.s32 $0x1;
	v0 =	vadd.f32 v17, v0;
	v17 =	vld [tilespmem:s25+$0xA040]  }
.LBB2_12:
0x218: {  	p0 =	sne.s32 s26, $0x3F;
	v18 =	vld [tilespmem:s25+$0xA050]  }
0x219: {  	v19 =	vld [tilespmem:s25+$0xA000]  }
0x21a: {  	v20 =	vld [tilespmem:s25+$0xA010]  }
0x21b: {  	v21 =	vld [tilespmem:s25+$0xA020]  }
0x21c: {  	v22 =	vld [tilespmem:s25+$0xA030]  }
0x21d: {  	v23 =	vld [tilespmem:s25+$0xA060]  }
0x21e: {  	v24 =	vld [tilespmem:s25+$0xA070]  }
0x21f: {  	v25 =	vld [tilespmem:s25+$0xA420]  }
0x220: {  	v19 =	vadd.f32 $0.0e+00, v19;
	v20 =	vadd.f32 $0.0e+00, v20;
	v26 =	vld [tilespmem:s25+$0xA430]  }
0x221: {  	v21 =	vadd.f32 $0.0e+00, v21;
	v22 =	vadd.f32 $0.0e+00, v22;
	v27 =	vld [tilespmem:s25+$0xA460]  }
0x222: {  	v17 =	vadd.f32 v17, v19;
	v18 =	vadd.f32 v18, v20;
	v19 =	vld [tilespmem:s25+$0xA470]  }
0x223: {  	v20 =	vadd.f32 v23, v21;
	v21 =	vadd.f32 v24, v22;
	v22 =	vld [tilespmem:s25+$0xA820]  }
0x224: {  	v15 =	vadd.f32 v15, v17;
	v16 =	vadd.f32 v16, v18;
	v17 =	vld [tilespmem:s25+$0xA830]  }
0x225: {  	v18 =	vadd.f32 v25, v20;
	v20 =	vadd.f32 v26, v21;
	v21 =	vld [tilespmem:s25+$0xA860]  }
0x226: {  	v13 =	vadd.f32 v13, v15;
	v14 =	vadd.f32 v14, v16;
	v15 =	vld [tilespmem:s25+$0xA870]  }
0x227: {  	v16 =	vadd.f32 v27, v18;
	v18 =	vadd.f32 v19, v20;
	v19 =	vld [tilespmem:s25+$0xAC20]  }
0x228: {  	v11 =	vadd.f32 v11, v13;
	v12 =	vadd.f32 v12, v14;
	v13 =	vld [tilespmem:s25+$0xAC30]  }
0x229: {  	s29 =	sadd.s32 $0x140, s24;
	s24 =	smov.u32 s26;
	v14 =	vadd.f32 v22, v16;
	v16 =	vadd.f32 v17, v18;
	v17 =	vld [tilespmem:s25+$0xAC60]  }
0x22a: {  	v3 =	vadd.f32 v3, v11;
	v18 =	vmov s29;
	v10 =	vadd.f32 v10, v12;
	v11 =	vld [tilespmem:s25+$0xAC70]  }
0x22b: {  	s29 =	sshrl.u32 s26, $0x3;
	v12 =	vadd.f32 v21, v14;
	v14 =	vadd.f32 v15, v16;
	v15 =	vld [tilespmem:s25+$0xB020]  }
0x22c: {  	s29 =	smul.u32 $0x5000, s29;
	v3 =	vadd.f32 v8, v3;
	v1 =	vadd.f32 v1, v10;
	v8 =	vld [tilespmem:s25+$0xB030]  }
0x22d: {  	s28 =	sadd.s32 $0x80, s28;
	v10 =	vadd.f32 v19, v12;
	v12 =	vadd.f32 v13, v14;
	v13 =	vld [tilespmem:s25+$0xB060]  }
0x22e: {  	s30 =	sand.u32 $0x380, s28;
	s29 =	sshra.s32 s29, $0x2;
	v3 =	vadd.f32 v9, v3;
	v1 =	vadd.f32 v6, v1;
	v6 =	vld [tilespmem:s25+$0xB070]  }
0x22f: {  	s25 =	sor.u32 s30, s29;
	v9 =	vadd.f32 v17, v10;
	v14 =	vld.idx.msk [tilespmem:v18+s20+$0x0], $0xffff;
	v10 =	vadd.f32 v11, v12  }
0x230: {  	v3 =	vadd.f32 v5, v3;
	v1 =	vadd.f32 v7, v1;
	v11 =	vld [tilespmem:s25+$0xB040]  }
0x231: {  	v9 =	vadd.f32 v15, v9;
	v12 =	vld [tilespmem:s25+$0xB050];
	v8 =	vadd.f32 v8, v10  }
0x232: {  	v15 =	vadd.f32 v2, v3;
	v1 =	vadd.f32 v4, v1;
	v5 =	vld [tilespmem:s25+$0xB000]  }
0x233: {  	v3 =	vadd.f32 v13, v9;
	v7 =	vld [tilespmem:s25+$0xB010];
	v13 =	vadd.f32 v6, v8  }
0x234: {  	v9 =	vld [tilespmem:s25+$0xAC40]  }
0x235: {  	v10 =	vadd.f32 v1, v15;
	v6 =	vld [tilespmem:s25+$0xAC50];
	v3 =	vadd.f32 v13, v3;
	v2 =	vmov v11  }
0x236: {  	v8 =	vld [tilespmem:s25+$0xAC00];
	v4 =	vmov v12  }
0x237: {  	v1 =	vld [tilespmem:s25+$0xAC10];
	v11 =	vadd.f32 v3, v10  }
0x238: {  	v3 =	vld [tilespmem:s25+$0xA840]  }
0x239: {  	v10 =	vld [tilespmem:s25+$0xA850];
	v13 =	vmul.f32 v11, v14  }
0x23a: {  	v11 =	vld [tilespmem:s25+$0xA800]  }
0x23b: {  	v12 =	vld [tilespmem:s25+$0xA810];
	v0 =	vadd.f32 v13, v0  }
.Ltmp5:
0x23c: {  	v13 =	vld [tilespmem:s25+$0xA440];
	(pc) =	sbr.rel @p0 .LBB2_12-.Ltmp5, $4  }
0x23d: {  	v14 =	vld [tilespmem:s25+$0xA450]  }
0x23e: {  	v15 =	vld [tilespmem:s25+$0xA400]  }
0x23f: {  	v16 =	vld [tilespmem:s25+$0xA410]  }
0x240: {  	s26 =	sadd.s32 $0x1, s26;
	v17 =	vld [tilespmem:s25+$0xA040]  }
0x241: {  	v18 =	vld [tilespmem:s25+$0xA050]  }
0x242: {  	v19 =	vld [tilespmem:s25+$0xA000]  }
0x243: {  	v20 =	vld [tilespmem:s25+$0xA010]  }
0x244: {  	v21 =	vld [tilespmem:s25+$0xA020]  }
0x245: {  	v22 =	vld [tilespmem:s25+$0xA030]  }
0x246: {  	v23 =	vld [tilespmem:s25+$0xA060]  }
0x247: {  	v24 =	vld [tilespmem:s25+$0xA070]  }
0x248: {  	v25 =	vld [tilespmem:s25+$0xA420]  }
0x249: {  	v26 =	vld [tilespmem:s25+$0xA430];
	v19 =	vadd.f32 $0.0e+00, v19;
	v20 =	vadd.f32 $0.0e+00, v20  }
0x24a: {  	v27 =	vld [tilespmem:s25+$0xA460];
	v21 =	vadd.f32 $0.0e+00, v21;
	v22 =	vadd.f32 $0.0e+00, v22  }
0x24b: {  	v32 =	vld [tilespmem:s25+$0xA470];
	v17 =	vadd.f32 v17, v19;
	v18 =	vadd.f32 v18, v20  }
0x24c: {  	v35 =	vld [tilespmem:s25+$0xA820];
	v33 =	vadd.f32 v23, v21;
	v34 =	vadd.f32 v24, v22  }
0x24d: {  	v36 =	vld [tilespmem:s25+$0xA830];
	v15 =	vadd.f32 v15, v17;
	v16 =	vadd.f32 v16, v18  }
0x24e: {  	v39 =	vld [tilespmem:s25+$0xA860];
	v37 =	vadd.f32 v25, v33;
	v38 =	vadd.f32 v26, v34  }
0x24f: {  	v40 =	vld [tilespmem:s25+$0xA870];
	v13 =	vadd.f32 v13, v15;
	v14 =	vadd.f32 v14, v16  }
0x250: {  	v43 =	vld [tilespmem:s25+$0xAC20];
	v41 =	vadd.f32 v27, v37;
	v42 =	vadd.f32 v32, v38  }
0x251: {  	v44 =	vld [tilespmem:s25+$0xAC30];
	v11 =	vadd.f32 v11, v13;
	v12 =	vadd.f32 v12, v14  }
0x252: {  	v47 =	vld [tilespmem:s25+$0xAC60];
	v45 =	vadd.f32 v35, v41;
	v46 =	vadd.f32 v36, v42  }
0x253: {  	v48 =	vld [tilespmem:s25+$0xAC70];
	v3 =	vadd.f32 v3, v11;
	v10 =	vadd.f32 v10, v12  }
0x254: {  	v51 =	vld [tilespmem:s25+$0xB020];
	v49 =	vadd.f32 v39, v45;
	v50 =	vadd.f32 v40, v46  }
0x255: {  	v52 =	vld [tilespmem:s25+$0xB030];
	v3 =	vadd.f32 v8, v3;
	v1 =	vadd.f32 v1, v10  }
0x256: {  	v55 =	vld [tilespmem:s25+$0xB060];
	v53 =	vadd.f32 v43, v49;
	v54 =	vadd.f32 v44, v50  }
0x257: {  	s24 =	sadd.s32 $0x140, s24;
	v56 =	vld [tilespmem:s25+$0xB070];
	v3 =	vadd.f32 v9, v3;
	v1 =	vadd.f32 v6, v1  }
0x258: {  	v57 =	vmov s24;
	v10 =	vadd.f32 v47, v53;
	v11 =	vadd.f32 v48, v54  }
0x259: {  	v3 =	vadd.f32 v5, v3;
	v1 =	vadd.f32 v7, v1  }
0x25a: {  	v58 =	vadd.f32 v51, v10;
	v59 =	vadd.f32 v52, v11  }
0x25b: {  	v2 =	vadd.f32 v2, v3;
	v1 =	vadd.f32 v4, v1  }
0x25c: {  	v60 =	vadd.f32 v55, v58;
	v61 =	vadd.f32 v56, v59  }
0x25d: {  	v62 =	vld.idx.msk [tilespmem:v57+s20+$0x0], $0xffff  }
0x25e: {  	v1 =	vadd.f32 v1, v2;
	v63 =	vadd.f32 v61, v60;
	_ =	sdelay $0x1  }
0x25f: {  	v1 =	vadd.f32 v63, v1;
	_ =	sdelay $0x1  }
0x260: {  	v1 =	vmul.f32 v1, v62;
	_ =	sdelay $0x1  }
0x261: {  	s23 =	sadd.s32 $0x1, s23;
	v0 =	vadd.f32 v1, v0  }
0x262: {  	p0 =	sne.s32 s23, s13  }
.Ltmp6:
0x263: {  	[tilespmem:$0x14480] =	vst v0;
	(pc) =	sbr.rel @p0 .LBB2_1-.Ltmp6, $4  }
0x264: {  	[hbm4b:s12+s2] =	stream.linear.scatter [tilespmem:s22], [sflag:$0x3], $0x80, $0x38;
	[tilespmem:$0x14500] =	vst v63  }
0x265: {  	_ =	swait.ge [sflag:s17], $0x80  }
0x266: {  	[sflag:s17] =	ssyncset.done $0x0  }
0x267: {  	[sflag:s17] =	ssyncadd.s32 $0xFFFFFF80  }
0x268: {  	_ =	sfence.sel $0x180000  }
0x269: {  	[bflag:$0x0] =	sbarrier.arrive $0xFFFF  }
0x26a: {  	p0 =	sne.s32 s0, $0x0;
	_ =	strace $0x90000047  }
0x26b: {  	s0 =	sadd.s32 @!p0 $0x100000, s1;
	[bflag:$0x2] =	sbarrier.arrive $0xFFFF  }
0x26c: {  	[sflag:s0] =	ssyncadd.tile.s32 @!p0 $0x1;
	_ =	shalt  }
.Lfunc_end2:
_tile_overlayer_lowered:
.L_overlay_start_2:
0x26d: {  	(tag) =	ssettag $0x2  }
0x26e: {  	s0 =	rddreg [dreg:$0x0];
	s2 =	stileid.u32  }
0x26f: {  	s1 =	rddreg [dreg:$0x1];
	p0 =	sne.s32 s2, $0x0  }
0x270: {  	s3 =	rddreg [dreg:$0x2];
	[bflag:$0x3] =	sbarrier.arrive $0xFFFF;
	s2 =	simm.s32 @!p0 $0x1C03  }
0x271: {  	[timem:s3], [sflag:s2] =	dma.local @!p0 [hbm:s0], s1  }
0x272: {  	s0 =	simm.s32 @!p0 $0x3  }
0x273: {  	_ =	swait.ge @!p0 [sflag:s0], s1  }
0x274: {  	s1 =	ssub.s32 @!p0 $0x0, s1;
	[sflag:s0] =	ssyncset.done @!p0 $0x0  }
0x275: {  	[sflag:s0] =	ssyncadd.s32 @!p0 s1  }
0x276: {  	[bflag:$0x3] =	sbarrier.arrive $0xFFFF  }
0x277: {  	_ =	shalt  }

</sc_bundles>
